<compile_context>
chip_gen: v7x
topology: tpu7x:2x2x1
jax: 0.10.2.dev20260603
libtpu: 0.0.44.dev20260713+nightly
codegen_flags: <defaults>
</compile_context>

<pallas_src>
import functools

import jax
import jax.numpy as jnp
from jax import lax
from jax.experimental import pallas as pl
from jax.experimental.pallas import tpu as pltpu
from jax.experimental.pallas import tpu_sc as plsc

N = 10000
E = 320000
C = 128
G = 16
EPS = 1e-5

NPAD = 10112
EBLK = 128
NTILES = 32
EP = 327680
NBLK = EP // EBLK
DEG_BPT = NBLK // NTILES
ZROWS = NPAD // 16
ICH = 8
SPLIT0 = 2432
T0 = SPLIT0 // 16
T1 = (NBLK - SPLIT0) // 16


def _fill_f32(ref, rows, val):
    v = jnp.full((16,), val, jnp.float32)

    def body(i, _):
        for j in range(8):
            ref[i, pl.ds(j * 16, 16)] = v
        return 0

    lax.fori_loop(0, rows, body, 0)


@functools.cache
def _sc_kernels():
    mesh = plsc.VectorSubcoreMesh(core_axis_name="c", subcore_axis_name="s")
    deg = functools.partial(
        pl.kernel,
        out_type=jax.ShapeDtypeStruct((2 * NPAD,), jnp.float32),
        mesh=mesh,
        scratch_types=[
            pltpu.VMEM((DEG_BPT, EBLK), jnp.int32),
            pltpu.VMEM((128,), jnp.float32),
            pltpu.VMEM((EBLK,), jnp.float32),
            pltpu.VMEM((ZROWS,), jnp.float32),
            pltpu.VMEM_SHARED((NPAD,), jnp.float32),
        ],
    )(_deg_body)
    scat = functools.partial(
        pl.kernel,
        out_type=jax.ShapeDtypeStruct((2, NPAD, C), jnp.float32),
        mesh=mesh,
        scratch_types=[
            pltpu.VMEM((ICH, EBLK), jnp.int32),
            pltpu.VMEM((ICH, EBLK), jnp.int32),
            [pltpu.VMEM((EBLK, C), jnp.float32) for _ in range(2)],
            [pltpu.SemaphoreType.DMA for _ in range(2)],
            pltpu.VMEM_SHARED((NPAD, C), jnp.float32),
        ],
    )(_scatter_body)
    return deg, scat


def _deg_body(dst_hbm, out_hbm, dst_v, zbuf, ones_v, bounce, acc):
    cid = lax.axis_index("c")
    sid = lax.axis_index("s")
    wid = cid * 16 + sid
    pltpu.sync_copy(dst_hbm.at[pl.ds(wid * DEG_BPT, DEG_BPT)], dst_v)
    zero = jnp.zeros((16,), jnp.float32)
    one = jnp.full((16,), 1.0, jnp.float32)
    for j in range(8):
        zbuf[pl.ds(j * 16, 16)] = zero
    for j in range(EBLK // 16):
        ones_v[pl.ds(j * 16, 16)] = one
    base = sid * ZROWS
    pltpu.sync_copy(zbuf, acc.at[pl.ds(base, 128)])
    pltpu.sync_copy(zbuf, acc.at[pl.ds(base + 128, 128)])
    pltpu.sync_copy(zbuf, acc.at[pl.ds(base + 256, 128)])
    pltpu.sync_copy(zbuf, acc.at[pl.ds(base + 384, 128)])
    pltpu.sync_copy(zbuf.at[pl.ds(0, 120)], acc.at[pl.ds(base + 512, 120)])
    plsc.subcore_barrier()

    def body(b, _):
        pltpu.sync_copy(ones_v, acc.at[dst_v.at[b]], add=True)
        return 0

    lax.fori_loop(0, DEG_BPT, body, 0)
    plsc.subcore_barrier()
    pltpu.sync_copy(acc.at[pl.ds(base, ZROWS)], bounce)
    pltpu.sync_copy(bounce, out_hbm.at[pl.ds(cid * NPAD + base, ZROWS)])


def _scatter_body(h_hbm, src_hbm, dst_hbm, out_hbm,
                  src_v, dst_v, bufs, sems, acc):
    cid = lax.axis_index("c")
    sid = lax.axis_index("s")
    base = sid * ZROWS
    buf_a, buf_b = bufs
    sem_a, sem_b = sems
    with jax.named_scope("zero_acc"):
        _fill_f32(buf_a, EBLK, 0.0)
        for r in range(4):
            pltpu.sync_copy(buf_a, acc.at[pl.ds(base + r * 128, 128)])
        pltpu.sync_copy(buf_a.at[pl.ds(0, 120)],
                        acc.at[pl.ds(base + 512, 120)])
        plsc.subcore_barrier()

    nch = lax.select(cid == 0, T0 // ICH, T1 // ICH)
    blk0 = lax.select(cid == 0, sid * T0, SPLIT0 + sid * T1)

    def drain(sem, buf):
        pltpu.make_async_copy(h_hbm.at[pl.ds(0, EBLK)], buf, sem).wait()

    def chunk_body(c, _):
        @pl.when(c > 0)
        def _():
            drain(sem_a, buf_a)
            drain(sem_b, buf_b)

        pltpu.sync_copy(src_hbm.at[pl.ds(blk0 + c * ICH, ICH)], src_v)
        pltpu.sync_copy(dst_hbm.at[pl.ds(blk0 + c * ICH, ICH)], dst_v)

        def pair_body(i, _):
            @pl.when(i > 0)
            def _():
                drain(sem_a, buf_a)
                drain(sem_b, buf_b)

            b0 = 2 * i
            b1 = 2 * i + 1
            cp_a = pltpu.async_copy(h_hbm.at[src_v.at[b0]], buf_a, sem_a)
            cp_b = pltpu.async_copy(h_hbm.at[src_v.at[b1]], buf_b, sem_b)
            cp_a.wait()
            pltpu.async_copy(buf_a, acc.at[dst_v.at[b0]], sem_a, add=True)
            cp_b.wait()
            pltpu.async_copy(buf_b, acc.at[dst_v.at[b1]], sem_b, add=True)
            return 0

        lax.fori_loop(0, ICH // 2, pair_body, 0)
        return 0

    with jax.named_scope("edge_loop"):
        lax.fori_loop(0, nch, chunk_body, 0)

        @pl.when(nch > 0)
        def _():
            drain(sem_a, buf_a)
            drain(sem_b, buf_b)
        plsc.subcore_barrier()
    with jax.named_scope("writeback"):
        pltpu.sync_copy(acc.at[pl.ds(base, ZROWS)],
                        out_hbm.at[cid, pl.ds(base, ZROWS)])



RB = 2000


def _dinv_body(deg_ref, o_ref):
    d = deg_ref[0] + deg_ref[1] + 1.0
    o_ref[...] = lax.rsqrt(d)


def _dinv_call(degp):
    return pl.pallas_call(
        _dinv_body,
        out_shape=jax.ShapeDtypeStruct((NPAD // 128, 128), jnp.float32),
    )(degp.reshape(2, NPAD // 128, 128))


def _mm_body(x_ref, w_ref, dinv_ref, o_ref):
    h = jnp.dot(x_ref[...], w_ref[...], preferred_element_type=jnp.float32,
                precision=lax.Precision.HIGHEST)
    o_ref[...] = h * dinv_ref[...]


def _mm_call(x, w, dinv):
    return pl.pallas_call(
        _mm_body,
        grid=(N // RB,),
        in_specs=[
            pl.BlockSpec((RB, C), lambda i: (i, 0)),
            pl.BlockSpec((C, C), lambda i: (0, 0)),
            pl.BlockSpec((RB, 1), lambda i: (i, 0)),
        ],
        out_specs=pl.BlockSpec((RB, C), lambda i: (i, 0)),
        out_shape=jax.ShapeDtypeStruct((N, C), jnp.float32),
    )(x, w, dinv)


def _onehot(batch_blk):
    gids = lax.broadcasted_iota(jnp.int32, (1, G), 1)
    return (batch_blk == gids).astype(jnp.float32)


def _combine_body(p_ref, h_ref, dinv_ref, b_ref, batch_ref, y_ref, st_ref):
    i = pl.program_id(0)
    y = dinv_ref[...] * (p_ref[0] + p_ref[1] + h_ref[...]) + b_ref[...]
    y_ref[...] = y
    oh = _onehot(batch_ref[...])
    dn = (((0,), (0,)), ((), ()))
    sy = lax.dot_general(oh, y, dn, preferred_element_type=jnp.float32,
                         precision=lax.Precision.HIGHEST)
    sy2 = lax.dot_general(oh, y * y, dn, preferred_element_type=jnp.float32,
                          precision=lax.Precision.HIGHEST)
    cnt = lax.dot_general(oh, jnp.ones_like(y), dn,
                          preferred_element_type=jnp.float32,
                          precision=lax.Precision.HIGHEST)

    @pl.when(i == 0)
    def _():
        st_ref[...] = jnp.zeros_like(st_ref)

    st_ref[0] += sy
    st_ref[1] += sy2
    st_ref[2] += cnt


def _combine_call(part, hp, dinv, b, batch2):
    return pl.pallas_call(
        _combine_body,
        grid=(N // RB,),
        in_specs=[
            pl.BlockSpec((2, RB, C), lambda i: (0, i, 0)),
            pl.BlockSpec((RB, C), lambda i: (i, 0)),
            pl.BlockSpec((RB, 1), lambda i: (i, 0)),
            pl.BlockSpec((1, C), lambda i: (0, 0)),
            pl.BlockSpec((RB, 1), lambda i: (i, 0)),
        ],
        out_specs=[
            pl.BlockSpec((RB, C), lambda i: (i, 0)),
            pl.BlockSpec((3, G, C), lambda i: (0, 0, 0)),
        ],
        out_shape=[
            jax.ShapeDtypeStruct((N, C), jnp.float32),
            jax.ShapeDtypeStruct((3, G, C), jnp.float32),
        ],
    )(part, hp, dinv, b, batch2)


def _norm_out(y_ref, batch_ref, st_ref, gw_ref, gb_ref, gs_ref):
    cnt = jnp.maximum(st_ref[2], 1.0)
    m = st_ref[0] / cnt
    s = gs_ref[...]
    var = st_ref[1] / cnt + m * m * (s * s - 2.0 * s)
    rstd = lax.rsqrt(var + EPS)
    a = gw_ref[...] * rstd
    c = a * m * s
    oh = _onehot(batch_ref[...])
    row_a = jnp.dot(oh, a, preferred_element_type=jnp.float32,
                    precision=lax.Precision.HIGHEST)
    row_c = jnp.dot(oh, c, preferred_element_type=jnp.float32,
                    precision=lax.Precision.HIGHEST)
    o = row_a * y_ref[...] - row_c + gb_ref[...]
    return jnp.where(o >= 0, o, 0.01 * o)


def _norm_body(y_ref, batch_ref, st_ref, gw_ref, gb_ref, gs_ref, o_ref):
    o_ref[...] = _norm_out(y_ref, batch_ref, st_ref, gw_ref, gb_ref, gs_ref)


def _norm_mm_body(y_ref, batch_ref, st_ref, gw_ref, gb_ref, gs_ref,
                  w_ref, dinv_ref, o_ref, hp_ref):
    o = _norm_out(y_ref, batch_ref, st_ref, gw_ref, gb_ref, gs_ref)
    o_ref[...] = o
    h = jnp.dot(o, w_ref[...], preferred_element_type=jnp.float32,
                precision=lax.Precision.HIGHEST)
    hp_ref[...] = h * dinv_ref[...]


def _norm_mm_call(y, batch2, st, gw, gb, gs, w, dinv):
    return pl.pallas_call(
        _norm_mm_body,
        grid=(N // RB,),
        in_specs=[
            pl.BlockSpec((RB, C), lambda i: (i, 0)),
            pl.BlockSpec((RB, 1), lambda i: (i, 0)),
            pl.BlockSpec((3, G, C), lambda i: (0, 0, 0)),
            pl.BlockSpec((1, C), lambda i: (0, 0)),
            pl.BlockSpec((1, C), lambda i: (0, 0)),
            pl.BlockSpec((1, C), lambda i: (0, 0)),
            pl.BlockSpec((C, C), lambda i: (0, 0)),
            pl.BlockSpec((RB, 1), lambda i: (i, 0)),
        ],
        out_specs=[
            pl.BlockSpec((RB, C), lambda i: (i, 0)),
            pl.BlockSpec((RB, C), lambda i: (i, 0)),
        ],
        out_shape=[
            jax.ShapeDtypeStruct((N, C), jnp.float32),
            jax.ShapeDtypeStruct((N, C), jnp.float32),
        ],
    )(y, batch2, st, gw, gb, gs, w, dinv)


def _norm_call(y, batch2, st, gw, gb, gs):
    return pl.pallas_call(
        _norm_body,
        grid=(N // RB,),
        in_specs=[
            pl.BlockSpec((RB, C), lambda i: (i, 0)),
            pl.BlockSpec((RB, 1), lambda i: (i, 0)),
            pl.BlockSpec((3, G, C), lambda i: (0, 0, 0)),
            pl.BlockSpec((1, C), lambda i: (0, 0)),
            pl.BlockSpec((1, C), lambda i: (0, 0)),
            pl.BlockSpec((1, C), lambda i: (0, 0)),
        ],
        out_specs=pl.BlockSpec((RB, C), lambda i: (i, 0)),
        out_shape=jax.ShapeDtypeStruct((N, C), jnp.float32),
    )(y, batch2, st, gw, gb, gs)



def kernel(x, edge_index, batch,
           W0, b0, gn_w0, gn_b0, gn_s0,
           W1, b1, gn_w1, gn_b1, gn_s1,
           W2, b2, gn_w2, gn_b2, gn_s2):
    src = edge_index[0].astype(jnp.int32)
    dst = edge_index[1].astype(jnp.int32)
    pad = EP - E
    srcp = jnp.concatenate([src, jnp.zeros((pad,), jnp.int32)])
    dstp = jnp.concatenate([dst, jnp.full((pad,), N, jnp.int32)])
    srcp = srcp.reshape(NBLK, EBLK)
    dstp = dstp.reshape(NBLK, EBLK)
    batch2 = batch.astype(jnp.int32).reshape(N, 1)

    deg_kernel, scatter_kernel = _sc_kernels()
    degp = deg_kernel(dstp)
    dinv = _dinv_call(degp).reshape(-1)[:N].reshape(N, 1)

    Ws = [W0, W1, W2]
    bs = [b0, b1, b2]
    gws = [gn_w0, gn_w1, gn_w2]
    gbs = [gn_b0, gn_b1, gn_b2]
    gss = [gn_s0, gn_s1, gn_s2]

    history = []
    hp = _mm_call(x, Ws[0], dinv)
    for i in range(3):
        part = scatter_kernel(hp, srcp, dstp)
        y, st = _combine_call(part, hp, dinv, bs[i].reshape(1, C), batch2)
        gw = gws[i].reshape(1, C)
        gb = gbs[i].reshape(1, C)
        gs = gss[i].reshape(1, C)
        if i < 2:
            h, hp = _norm_mm_call(y, batch2, st, gw, gb, gs,
                                  Ws[i + 1], dinv)
        else:
            h = _norm_call(y, batch2, st, gw, gb, gs)
        history.append(h)
    return h, tuple(history)

# --- scband reference (transcript-rebuilt; emitter-appended) ---
"""Pipeline reference for scband-gnns-32049045962863 (READ-ONLY COPY).

The authoritative reference and input builder live on the scoring server;
editing this copy changes nothing except your own understanding.
"""

import jax, jax.numpy as jnp
import numpy as np

N = 10000
E = 320000
C = 128
G = 16
L = 3
EPS = 1e-5


def setup_inputs(seed: int = 0) -> dict:
    key = jax.random.key(seed)
    ks = jax.random.split(key, 4 + 5 * L)
    inp = {}
    inp["x"] = jax.random.normal(ks[0], (N, C), dtype=jnp.float32)
    inp["edge_index"] = jax.random.randint(ks[1], (2, E), 0, N)
    inp["batch"] = jnp.sort(jax.random.randint(ks[2], (N,), 0, G))
    for i in range(L):
        base = 3 + 5 * i
        inp[f"W{i}"] = jax.random.normal(ks[base], (C, C), dtype=jnp.float32) * 0.05
        inp[f"b{i}"] = jnp.zeros((C,), dtype=jnp.float32)
        inp[f"gn_w{i}"] = jnp.ones((C,), dtype=jnp.float32)
        inp[f"gn_b{i}"] = jnp.zeros((C,), dtype=jnp.float32)
        inp[f"gn_s{i}"] = jnp.ones((C,), dtype=jnp.float32)
    return inp


def _gcn_conv(x, edge_index, W, b):
    src = edge_index[0]
    dst = edge_index[1]
    loop = jnp.arange(N, dtype=src.dtype)
    src = jnp.concatenate([src, loop])
    dst = jnp.concatenate([dst, loop])
    deg = jax.ops.segment_sum(jnp.ones_like(dst, dtype=x.dtype), dst, num_segments=N)
    dinv = jnp.where(deg > 0, 1.0 / jnp.sqrt(deg), 0.0)
    norm = dinv[src] * dinv[dst]
    h = x @ W
    msg = h[src] * norm[:, None]
    out = jax.ops.segment_sum(msg, dst, num_segments=N)
    return out + b


def _graph_norm(x, batch, weight, bias, mean_scale):
    cnt = jax.ops.segment_sum(jnp.ones((x.shape[0],), x.dtype), batch, num_segments=G)
    cnt = jnp.maximum(cnt, 1.0)
    mean = jax.ops.segment_sum(x, batch, num_segments=G) / cnt[:, None]
    out = x - mean[batch] * mean_scale
    var = jax.ops.segment_sum(out * out, batch, num_segments=G) / cnt[:, None]
    std = jnp.sqrt(var + EPS)
    return weight * out / std[batch] + bias


def reference(x, edge_index, batch, W0, b0, gn_w0, gn_b0, gn_s0, W1, b1, gn_w1, gn_b1, gn_s1, W2, b2, gn_w2, gn_b2, gn_s2):
    Ws = [W0, W1, W2]
    bs = [b0, b1, b2]
    gws = [gn_w0, gn_w1, gn_w2]
    gbs = [gn_b0, gn_b1, gn_b2]
    gss = [gn_s0, gn_s1, gn_s2]
    h = x
    history = []
    for i in range(L):
        h = _gcn_conv(h, edge_index, Ws[i], bs[i])
        h = _graph_norm(h, batch, gws[i], gbs[i], gss[i])
        h = jnp.where(h >= 0, h, 0.01 * h)  # leaky_relu, default slope 0.01
        # dropout is identity in eval mode (training=False)
        history.append(h)
    return (h, tuple(history))

if __name__ == "__main__":
    import jax
    _d = setup_inputs()
    print(jax.jit(kernel)(*tuple(_d.values())))

</pallas_src>

<mosaic_0001>
#map = affine_map<(d0, d1) -> (0, 0)>
#map1 = affine_map<(d0, d1) -> (0, 0, 0)>
module attributes {stable_mosaic.version = 14 : i64} {
  func.func @_scatter_body(%arg0: i32, %arg1: i32, %arg2: memref<10000x128xf32, #tpu.memory_space<hbm>>, %arg3: memref<2560x128xi32, #tpu.memory_space<hbm>>, %arg4: memref<2560x128xi32, #tpu.memory_space<hbm>>, %arg5: memref<2x10112x128xf32, #tpu.memory_space<hbm>>, %arg6: memref<8x128xi32, #tpu.memory_space<vmem>>, %arg7: memref<8x128xi32, #tpu.memory_space<vmem>>, %arg8: memref<128x128xf32, #tpu.memory_space<vmem>>, %arg9: memref<128x128xf32, #tpu.memory_space<vmem>>, %arg10: memref<!tpu.dma_semaphore, #tpu.memory_space<semaphore_mem>>, %arg11: memref<!tpu.dma_semaphore, #tpu.memory_space<semaphore_mem>>, %arg12: memref<10112x128xf32, #tpu.memory_space<vmem_shared>>) attributes {dimension_semantics = [#tpu.dimension_semantics<core_parallel>, #tpu.dimension_semantics<subcore_parallel>], iteration_bounds = array<i64: 2, 16>, scalar_prefetch = 0 : i64, scratch_operands = 7 : i64, tpu.core_type = #tpu.core_type<sc_vector_subcore>, window_params = [{transform_indices = #map}, {transform_indices = #map}, {transform_indices = #map}, {transform_indices = #map1}]} {
    %mul3A = arith.constant 632 : i32
    %mul3A_0 = arith.muli %arg1, %mul3A : i32
    %broadcast_in_dim3A = arith.constant 0.000000e+00 : f32
    "tpu.trace_start"() <{level = 10 : i32, message = "zero_acc"}> : () -> ()
    %broadcast_in_dim3A_1 = vector.broadcast %broadcast_in_dim3A : f32 to vector<16xf32>
    %scan3A = arith.constant 0 : i32
    %scan3A_2 = arith.constant 0 : i32
    %scan3A_3 = arith.constant 128 : i32
    %scan3A_4 = arith.addi %scan3A_2, %scan3A_3 : i32
    %scan3A_5 = arith.constant 1 : i32
    %scan3A_6 = scf.for %scan3A_43 = %scan3A_2 to %scan3A_4 step %scan3A_5 iter_args(%scan3A_44 = %scan3A) -> (i32)  : i32 {
      %swap3A = arith.index_cast %scan3A_43 : i32 to index
      %swap3A_45 = arith.constant 0 : index
      %swap3A_46 = tpu.vector_load %arg8[%swap3A, %swap3A_45] {strides = array<i32>} : memref<128x128xf32, #tpu.memory_space<vmem>>, vector<1x16xf32>,
      %swap3A_47 = vector.shape_cast %swap3A_46 : vector<1x16xf32> to vector<16xf32>
      %swap3A_48 = vector.shape_cast %broadcast_in_dim3A_1 : vector<16xf32> to vector<1x16xf32>
      tpu.vector_store %arg8[%swap3A, %swap3A_45], %swap3A_48 {strides = array<i32>} : memref<128x128xf32, #tpu.memory_space<vmem>>, vector<1x16xf32>,
      %swap3A_49 = arith.index_cast %scan3A_43 : i32 to index
      %swap3A_50 = arith.constant 16 : index
      %swap3A_51 = tpu.vector_load %arg8[%swap3A_49, %swap3A_50] {strides = array<i32>} : memref<128x128xf32, #tpu.memory_space<vmem>>, vector<1x16xf32>,
      %swap3A_52 = vector.shape_cast %swap3A_51 : vector<1x16xf32> to vector<16xf32>
      %swap3A_53 = vector.shape_cast %broadcast_in_dim3A_1 : vector<16xf32> to vector<1x16xf32>
      tpu.vector_store %arg8[%swap3A_49, %swap3A_50], %swap3A_53 {strides = array<i32>} : memref<128x128xf32, #tpu.memory_space<vmem>>, vector<1x16xf32>,
      %swap3A_54 = arith.index_cast %scan3A_43 : i32 to index
      %swap3A_55 = arith.constant 32 : index
      %swap3A_56 = tpu.vector_load %arg8[%swap3A_54, %swap3A_55] {strides = array<i32>} : memref<128x128xf32, #tpu.memory_space<vmem>>, vector<1x16xf32>,
      %swap3A_57 = vector.shape_cast %swap3A_56 : vector<1x16xf32> to vector<16xf32>
      %swap3A_58 = vector.shape_cast %broadcast_in_dim3A_1 : vector<16xf32> to vector<1x16xf32>
      tpu.vector_store %arg8[%swap3A_54, %swap3A_55], %swap3A_58 {strides = array<i32>} : memref<128x128xf32, #tpu.memory_space<vmem>>, vector<1x16xf32>,
      %swap3A_59 = arith.index_cast %scan3A_43 : i32 to index
      %swap3A_60 = arith.constant 48 : index
      %swap3A_61 = tpu.vector_load %arg8[%swap3A_59, %swap3A_60] {strides = array<i32>} : memref<128x128xf32, #tpu.memory_space<vmem>>, vector<1x16xf32>,
      %swap3A_62 = vector.shape_cast %swap3A_61 : vector<1x16xf32> to vector<16xf32>
      %swap3A_63 = vector.shape_cast %broadcast_in_dim3A_1 : vector<16xf32> to vector<1x16xf32>
      tpu.vector_store %arg8[%swap3A_59, %swap3A_60], %swap3A_63 {strides = array<i32>} : memref<128x128xf32, #tpu.memory_space<vmem>>, vector<1x16xf32>,
      %swap3A_64 = arith.index_cast %scan3A_43 : i32 to index
      %swap3A_65 = arith.constant 64 : index
      %swap3A_66 = tpu.vector_load %arg8[%swap3A_64, %swap3A_65] {strides = array<i32>} : memref<128x128xf32, #tpu.memory_space<vmem>>, vector<1x16xf32>,
      %swap3A_67 = vector.shape_cast %swap3A_66 : vector<1x16xf32> to vector<16xf32>
      %swap3A_68 = vector.shape_cast %broadcast_in_dim3A_1 : vector<16xf32> to vector<1x16xf32>
      tpu.vector_store %arg8[%swap3A_64, %swap3A_65], %swap3A_68 {strides = array<i32>} : memref<128x128xf32, #tpu.memory_space<vmem>>, vector<1x16xf32>,
      %swap3A_69 = arith.index_cast %scan3A_43 : i32 to index
      %swap3A_70 = arith.constant 80 : index
      %swap3A_71 = tpu.vector_load %arg8[%swap3A_69, %swap3A_70] {strides = array<i32>} : memref<128x128xf32, #tpu.memory_space<vmem>>, vector<1x16xf32>,
      %swap3A_72 = vector.shape_cast %swap3A_71 : vector<1x16xf32> to vector<16xf32>
      %swap3A_73 = vector.shape_cast %broadcast_in_dim3A_1 : vector<16xf32> to vector<1x16xf32>
      tpu.vector_store %arg8[%swap3A_69, %swap3A_70], %swap3A_73 {strides = array<i32>} : memref<128x128xf32, #tpu.memory_space<vmem>>, vector<1x16xf32>,
      %swap3A_74 = arith.index_cast %scan3A_43 : i32 to index
      %swap3A_75 = arith.constant 96 : index
      %swap3A_76 = tpu.vector_load %arg8[%swap3A_74, %swap3A_75] {strides = array<i32>} : memref<128x128xf32, #tpu.memory_space<vmem>>, vector<1x16xf32>,
      %swap3A_77 = vector.shape_cast %swap3A_76 : vector<1x16xf32> to vector<16xf32>
      %swap3A_78 = vector.shape_cast %broadcast_in_dim3A_1 : vector<16xf32> to vector<1x16xf32>
      tpu.vector_store %arg8[%swap3A_74, %swap3A_75], %swap3A_78 {strides = array<i32>} : memref<128x128xf32, #tpu.memory_space<vmem>>, vector<1x16xf32>,
      %swap3A_79 = arith.index_cast %scan3A_43 : i32 to index
      %swap3A_80 = arith.constant 112 : index
      %swap3A_81 = tpu.vector_load %arg8[%swap3A_79, %swap3A_80] {strides = array<i32>} : memref<128x128xf32, #tpu.memory_space<vmem>>, vector<1x16xf32>,
      %swap3A_82 = vector.shape_cast %swap3A_81 : vector<1x16xf32> to vector<16xf32>
      %swap3A_83 = vector.shape_cast %broadcast_in_dim3A_1 : vector<16xf32> to vector<1x16xf32>
      tpu.vector_store %arg8[%swap3A_79, %swap3A_80], %swap3A_83 {strides = array<i32>} : memref<128x128xf32, #tpu.memory_space<vmem>>, vector<1x16xf32>,
      %scan3A_84 = arith.constant 0 : i32
      scf.yield %scan3A_84 : i32
    }
    %scan3A_7 = arith.constant 128 : i32
    %add3A = arith.constant 0 : i32
    %add3A_8 = arith.addi %mul3A_0, %add3A : i32
    "tpu.region"() ({
      %run_scoped3A = tpu.sem_alloc : memref<!tpu.dma_semaphore, #tpu.memory_space<semaphore_mem>>
      %dma_start3A = arith.constant 0 : i32
      %dma_start3A_43 = tpu.memref_slice %arg12[%add3A_8, %dma_start3A] : memref<10112x128xf32, #tpu.memory_space<vmem_shared>> -> memref<128x128xf32, #tpu.memory_space<vmem_shared>>
      %dma_start3A_44 = arith.constant 0 : i32
      %dma_start3A_45 = tpu.memref_slice %arg12[%add3A_8, %dma_start3A_44] : memref<10112x128xf32, #tpu.memory_space<vmem_shared>> -> memref<128x128xf32, #tpu.memory_space<vmem_shared>>
      tpu.enqueue_dma source(%arg8 : memref<128x128xf32, #tpu.memory_space<vmem>>) target(%dma_start3A_45 : memref<128x128xf32, #tpu.memory_space<vmem_shared>>) target_semaphore(%run_scoped3A : memref<!tpu.dma_semaphore, #tpu.memory_space<semaphore_mem>>)
      %dma_wait3A = arith.constant 0 : i32
      %dma_wait3A_46 = tpu.memref_slice %arg12[%add3A_8, %dma_wait3A] : memref<10112x128xf32, #tpu.memory_space<vmem_shared>> -> memref<128x128xf32, #tpu.memory_space<vmem_shared>>
      %dma_wait3A_47 = arith.constant 0 : i32
      %dma_wait3A_48 = tpu.memref_slice %arg12[%add3A_8, %dma_wait3A_47] : memref<10112x128xf32, #tpu.memory_space<vmem_shared>> -> memref<128x128xf32, #tpu.memory_space<vmem_shared>>
      tpu.wait_dma2 semaphore(%run_scoped3A : memref<!tpu.dma_semaphore, #tpu.memory_space<semaphore_mem>>) src(%arg8 : memref<128x128xf32, #tpu.memory_space<vmem>>) dst(%dma_wait3A_48 : memref<128x128xf32, #tpu.memory_space<vmem_shared>>)
      tpu.yield
    }) : () -> ()
    %add3A_9 = arith.constant 128 : i32
    %add3A_10 = arith.addi %mul3A_0, %add3A_9 : i32
    "tpu.region"() ({
      %run_scoped3A = tpu.sem_alloc : memref<!tpu.dma_semaphore, #tpu.memory_space<semaphore_mem>>
      %dma_start3A = arith.constant 0 : i32
      %dma_start3A_43 = tpu.memref_slice %arg12[%add3A_10, %dma_start3A] : memref<10112x128xf32, #tpu.memory_space<vmem_shared>> -> memref<128x128xf32, #tpu.memory_space<vmem_shared>>
      %dma_start3A_44 = arith.constant 0 : i32
      %dma_start3A_45 = tpu.memref_slice %arg12[%add3A_10, %dma_start3A_44] : memref<10112x128xf32, #tpu.memory_space<vmem_shared>> -> memref<128x128xf32, #tpu.memory_space<vmem_shared>>
      tpu.enqueue_dma source(%arg8 : memref<128x128xf32, #tpu.memory_space<vmem>>) target(%dma_start3A_45 : memref<128x128xf32, #tpu.memory_space<vmem_shared>>) target_semaphore(%run_scoped3A : memref<!tpu.dma_semaphore, #tpu.memory_space<semaphore_mem>>)
      %dma_wait3A = arith.constant 0 : i32
      %dma_wait3A_46 = tpu.memref_slice %arg12[%add3A_10, %dma_wait3A] : memref<10112x128xf32, #tpu.memory_space<vmem_shared>> -> memref<128x128xf32, #tpu.memory_space<vmem_shared>>
      %dma_wait3A_47 = arith.constant 0 : i32
      %dma_wait3A_48 = tpu.memref_slice %arg12[%add3A_10, %dma_wait3A_47] : memref<10112x128xf32, #tpu.memory_space<vmem_shared>> -> memref<128x128xf32, #tpu.memory_space<vmem_shared>>
      tpu.wait_dma2 semaphore(%run_scoped3A : memref<!tpu.dma_semaphore, #tpu.memory_space<semaphore_mem>>) src(%arg8 : memref<128x128xf32, #tpu.memory_space<vmem>>) dst(%dma_wait3A_48 : memref<128x128xf32, #tpu.memory_space<vmem_shared>>)
      tpu.yield
    }) : () -> ()
    %add3A_11 = arith.constant 256 : i32
    %add3A_12 = arith.addi %mul3A_0, %add3A_11 : i32
    "tpu.region"() ({
      %run_scoped3A = tpu.sem_alloc : memref<!tpu.dma_semaphore, #tpu.memory_space<semaphore_mem>>
      %dma_start3A = arith.constant 0 : i32
      %dma_start3A_43 = tpu.memref_slice %arg12[%add3A_12, %dma_start3A] : memref<10112x128xf32, #tpu.memory_space<vmem_shared>> -> memref<128x128xf32, #tpu.memory_space<vmem_shared>>
      %dma_start3A_44 = arith.constant 0 : i32
      %dma_start3A_45 = tpu.memref_slice %arg12[%add3A_12, %dma_start3A_44] : memref<10112x128xf32, #tpu.memory_space<vmem_shared>> -> memref<128x128xf32, #tpu.memory_space<vmem_shared>>
      tpu.enqueue_dma source(%arg8 : memref<128x128xf32, #tpu.memory_space<vmem>>) target(%dma_start3A_45 : memref<128x128xf32, #tpu.memory_space<vmem_shared>>) target_semaphore(%run_scoped3A : memref<!tpu.dma_semaphore, #tpu.memory_space<semaphore_mem>>)
      %dma_wait3A = arith.constant 0 : i32
      %dma_wait3A_46 = tpu.memref_slice %arg12[%add3A_12, %dma_wait3A] : memref<10112x128xf32, #tpu.memory_space<vmem_shared>> -> memref<128x128xf32, #tpu.memory_space<vmem_shared>>
      %dma_wait3A_47 = arith.constant 0 : i32
      %dma_wait3A_48 = tpu.memref_slice %arg12[%add3A_12, %dma_wait3A_47] : memref<10112x128xf32, #tpu.memory_space<vmem_shared>> -> memref<128x128xf32, #tpu.memory_space<vmem_shared>>
      tpu.wait_dma2 semaphore(%run_scoped3A : memref<!tpu.dma_semaphore, #tpu.memory_space<semaphore_mem>>) src(%arg8 : memref<128x128xf32, #tpu.memory_space<vmem>>) dst(%dma_wait3A_48 : memref<128x128xf32, #tpu.memory_space<vmem_shared>>)
      tpu.yield
    }) : () -> ()
    %add3A_13 = arith.constant 384 : i32
    %add3A_14 = arith.addi %mul3A_0, %add3A_13 : i32
    "tpu.region"() ({
      %run_scoped3A = tpu.sem_alloc : memref<!tpu.dma_semaphore, #tpu.memory_space<semaphore_mem>>
      %dma_start3A = arith.constant 0 : i32
      %dma_start3A_43 = tpu.memref_slice %arg12[%add3A_14, %dma_start3A] : memref<10112x128xf32, #tpu.memory_space<vmem_shared>> -> memref<128x128xf32, #tpu.memory_space<vmem_shared>>
      %dma_start3A_44 = arith.constant 0 : i32
      %dma_start3A_45 = tpu.memref_slice %arg12[%add3A_14, %dma_start3A_44] : memref<10112x128xf32, #tpu.memory_space<vmem_shared>> -> memref<128x128xf32, #tpu.memory_space<vmem_shared>>
      tpu.enqueue_dma source(%arg8 : memref<128x128xf32, #tpu.memory_space<vmem>>) target(%dma_start3A_45 : memref<128x128xf32, #tpu.memory_space<vmem_shared>>) target_semaphore(%run_scoped3A : memref<!tpu.dma_semaphore, #tpu.memory_space<semaphore_mem>>)
      %dma_wait3A = arith.constant 0 : i32
      %dma_wait3A_46 = tpu.memref_slice %arg12[%add3A_14, %dma_wait3A] : memref<10112x128xf32, #tpu.memory_space<vmem_shared>> -> memref<128x128xf32, #tpu.memory_space<vmem_shared>>
      %dma_wait3A_47 = arith.constant 0 : i32
      %dma_wait3A_48 = tpu.memref_slice %arg12[%add3A_14, %dma_wait3A_47] : memref<10112x128xf32, #tpu.memory_space<vmem_shared>> -> memref<128x128xf32, #tpu.memory_space<vmem_shared>>
      tpu.wait_dma2 semaphore(%run_scoped3A : memref<!tpu.dma_semaphore, #tpu.memory_space<semaphore_mem>>) src(%arg8 : memref<128x128xf32, #tpu.memory_space<vmem>>) dst(%dma_wait3A_48 : memref<128x128xf32, #tpu.memory_space<vmem_shared>>)
      tpu.yield
    }) : () -> ()
    %add3A_15 = arith.constant 512 : i32
    %add3A_16 = arith.addi %mul3A_0, %add3A_15 : i32
    "tpu.region"() ({
      %run_scoped3A = tpu.sem_alloc : memref<!tpu.dma_semaphore, #tpu.memory_space<semaphore_mem>>
      %dma_start3A = arith.constant 0 : i32
      %dma_start3A_43 = arith.constant 0 : i32
      %dma_start3A_44 = tpu.memref_slice %arg8[%dma_start3A, %dma_start3A_43] : memref<128x128xf32, #tpu.memory_space<vmem>> -> memref<120x128xf32, #tpu.memory_space<vmem>>
      %dma_start3A_45 = arith.constant 0 : i32
      %dma_start3A_46 = tpu.memref_slice %arg12[%add3A_16, %dma_start3A_45] : memref<10112x128xf32, #tpu.memory_space<vmem_shared>> -> memref<120x128xf32, #tpu.memory_space<vmem_shared>>
      %dma_start3A_47 = arith.constant 0 : i32
      %dma_start3A_48 = tpu.memref_slice %arg12[%add3A_16, %dma_start3A_47] : memref<10112x128xf32, #tpu.memory_space<vmem_shared>> -> memref<120x128xf32, #tpu.memory_space<vmem_shared>>
      %dma_start3A_49 = arith.constant 0 : i32
      %dma_start3A_50 = arith.constant 0 : i32
      %dma_start3A_51 = tpu.memref_slice %arg8[%dma_start3A_49, %dma_start3A_50] : memref<128x128xf32, #tpu.memory_space<vmem>> -> memref<120x128xf32, #tpu.memory_space<vmem>>
      tpu.enqueue_dma source(%dma_start3A_51 : memref<120x128xf32, #tpu.memory_space<vmem>>) target(%dma_start3A_48 : memref<120x128xf32, #tpu.memory_space<vmem_shared>>) target_semaphore(%run_scoped3A : memref<!tpu.dma_semaphore, #tpu.memory_space<semaphore_mem>>)
      %dma_wait3A = arith.constant 0 : i32
      %dma_wait3A_52 = arith.constant 0 : i32
      %dma_wait3A_53 = tpu.memref_slice %arg8[%dma_wait3A, %dma_wait3A_52] : memref<128x128xf32, #tpu.memory_space<vmem>> -> memref<120x128xf32, #tpu.memory_space<vmem>>
      %dma_wait3A_54 = arith.constant 0 : i32
      %dma_wait3A_55 = tpu.memref_slice %arg12[%add3A_16, %dma_wait3A_54] : memref<10112x128xf32, #tpu.memory_space<vmem_shared>> -> memref<120x128xf32, #tpu.memory_space<vmem_shared>>
      %dma_wait3A_56 = arith.constant 0 : i32
      %dma_wait3A_57 = tpu.memref_slice %arg12[%add3A_16, %dma_wait3A_56] : memref<10112x128xf32, #tpu.memory_space<vmem_shared>> -> memref<120x128xf32, #tpu.memory_space<vmem_shared>>
      %dma_wait3A_58 = arith.constant 0 : i32
      %dma_wait3A_59 = arith.constant 0 : i32
      %dma_wait3A_60 = tpu.memref_slice %arg8[%dma_wait3A_58, %dma_wait3A_59] : memref<128x128xf32, #tpu.memory_space<vmem>> -> memref<120x128xf32, #tpu.memory_space<vmem>>
      tpu.wait_dma2 semaphore(%run_scoped3A : memref<!tpu.dma_semaphore, #tpu.memory_space<semaphore_mem>>) src(%dma_wait3A_60 : memref<120x128xf32, #tpu.memory_space<vmem>>) dst(%dma_wait3A_57 : memref<120x128xf32, #tpu.memory_space<vmem_shared>>)
      tpu.yield
    }) : () -> ()
    %barrier3A = arith.constant 0 : index
    tpu.barrier barrier_id(%barrier3A)
    %eq3A = arith.constant 0 : i32
    "tpu.trace_stop"() : () -> ()
    %eq3A_17 = arith.cmpi eq, %arg0, %eq3A : i32
    %select_n3A = arith.constant 1 : i32
    %select_n3A_18 = arith.constant 19 : i32
    %select_n3A_19 = arith.select %eq3A_17, %select_n3A_18, %select_n3A : i32
    %eq3A_20 = arith.constant 0 : i32
    %eq3A_21 = arith.cmpi eq, %arg0, %eq3A_20 : i32
    %mul3A_22 = arith.constant 152 : i32
    %mul3A_23 = arith.muli %arg1, %mul3A_22 : i32
    %mul3A_24 = arith.constant 8 : i32
    %mul3A_25 = arith.muli %arg1, %mul3A_24 : i32
    %add3A_26 = arith.constant 2432 : i32
    %add3A_27 = arith.addi %add3A_26, %mul3A_25 : i32
    %select_n3A_28 = arith.select %eq3A_21, %mul3A_23, %add3A_27 : i32
    %while3A = arith.constant 0 : i32
    %while3A_29 = arith.constant 0 : i32
    "tpu.trace_start"() <{level = 10 : i32, message = "edge_loop"}> : () -> ()
    %while3A_30 = arith.subi %select_n3A_19, %while3A : i32
    %while3A_31 = arith.addi %while3A, %while3A_30 : i32
    %while3A_32 = arith.constant 1 : i32
    %while3A_33 = arith.divsi %while3A_30, %while3A_32 : i32
    %while3A_34 = arith.muli %while3A_33, %while3A_32 : i32
    %while3A_35 = arith.addi %while3A, %while3A_34 : i32
    %while3A_36 = arith.constant 1 : i32
    %while3A_37 = scf.for %while3A_43 = %while3A to %while3A_35 step %while3A_36 iter_args(%while3A_44 = %while3A_29) -> (i32)  : i32 {
      %gt3A_45 = arith.constant 0 : i32
      %gt3A_46 = arith.cmpi sgt, %while3A_43, %gt3A_45 : i32
      %convert_element_type3A_47 = arith.extui %gt3A_46 : i1 to i32
      %cond3A_48 = arith.constant 0 : i32
      %cond3A_49 = arith.cmpi ne, %convert_element_type3A_47, %cond3A_48 : i32
      scf.if %cond3A_49 {
        %dma_wait3A = arith.constant 0 : i32
        %dma_wait3A_64 = arith.constant 0 : i32
        %dma_wait3A_65 = tpu.memref_slice %arg2[%dma_wait3A, %dma_wait3A_64] : memref<10000x128xf32, #tpu.memory_space<hbm>> -> memref<128x128xf32, #tpu.memory_space<hbm>>
        %dma_wait3A_66 = arith.constant 0 : i32
        %dma_wait3A_67 = arith.constant 0 : i32
        %dma_wait3A_68 = tpu.memref_slice %arg2[%dma_wait3A_66, %dma_wait3A_67] : memref<10000x128xf32, #tpu.memory_space<hbm>> -> memref<128x128xf32, #tpu.memory_space<hbm>>
        tpu.wait_dma2 semaphore(%arg10 : memref<!tpu.dma_semaphore, #tpu.memory_space<semaphore_mem>>) src(%dma_wait3A_68 : memref<128x128xf32, #tpu.memory_space<hbm>>) dst(%arg8 : memref<128x128xf32, #tpu.memory_space<vmem>>)
        %dma_wait3A_69 = arith.constant 0 : i32
        %dma_wait3A_70 = arith.constant 0 : i32
        %dma_wait3A_71 = tpu.memref_slice %arg2[%dma_wait3A_69, %dma_wait3A_70] : memref<10000x128xf32, #tpu.memory_space<hbm>> -> memref<128x128xf32, #tpu.memory_space<hbm>>
        %dma_wait3A_72 = arith.constant 0 : i32
        %dma_wait3A_73 = arith.constant 0 : i32
        %dma_wait3A_74 = tpu.memref_slice %arg2[%dma_wait3A_72, %dma_wait3A_73] : memref<10000x128xf32, #tpu.memory_space<hbm>> -> memref<128x128xf32, #tpu.memory_space<hbm>>
        tpu.wait_dma2 semaphore(%arg11 : memref<!tpu.dma_semaphore, #tpu.memory_space<semaphore_mem>>) src(%dma_wait3A_74 : memref<128x128xf32, #tpu.memory_space<hbm>>) dst(%arg9 : memref<128x128xf32, #tpu.memory_space<vmem>>)
      } else {
      }
      %mul3A_50 = arith.constant 8 : i32
      %mul3A_51 = arith.muli %while3A_43, %mul3A_50 : i32
      %add3A_52 = arith.addi %select_n3A_28, %mul3A_51 : i32
      "tpu.region"() ({
        %run_scoped3A = tpu.sem_alloc : memref<!tpu.dma_semaphore, #tpu.memory_space<semaphore_mem>>
        %dma_start3A = arith.constant 0 : i32
        %dma_start3A_64 = tpu.memref_slice %arg3[%add3A_52, %dma_start3A] : memref<2560x128xi32, #tpu.memory_space<hbm>> -> memref<8x128xi32, #tpu.memory_space<hbm>>
        %dma_start3A_65 = arith.constant 0 : i32
        %dma_start3A_66 = tpu.memref_slice %arg3[%add3A_52, %dma_start3A_65] : memref<2560x128xi32, #tpu.memory_space<hbm>> -> memref<8x128xi32, #tpu.memory_space<hbm>>
        tpu.enqueue_dma source(%dma_start3A_66 : memref<8x128xi32, #tpu.memory_space<hbm>>) target(%arg6 : memref<8x128xi32, #tpu.memory_space<vmem>>) target_semaphore(%run_scoped3A : memref<!tpu.dma_semaphore, #tpu.memory_space<semaphore_mem>>)
        %dma_wait3A = arith.constant 0 : i32
        %dma_wait3A_67 = tpu.memref_slice %arg3[%add3A_52, %dma_wait3A] : memref<2560x128xi32, #tpu.memory_space<hbm>> -> memref<8x128xi32, #tpu.memory_space<hbm>>
        %dma_wait3A_68 = arith.constant 0 : i32
        %dma_wait3A_69 = tpu.memref_slice %arg3[%add3A_52, %dma_wait3A_68] : memref<2560x128xi32, #tpu.memory_space<hbm>> -> memref<8x128xi32, #tpu.memory_space<hbm>>
        tpu.wait_dma2 semaphore(%run_scoped3A : memref<!tpu.dma_semaphore, #tpu.memory_space<semaphore_mem>>) src(%dma_wait3A_69 : memref<8x128xi32, #tpu.memory_space<hbm>>) dst(%arg6 : memref<8x128xi32, #tpu.memory_space<vmem>>)
        tpu.yield
      }) : () -> ()
      %mul3A_53 = arith.constant 8 : i32
      %mul3A_54 = arith.muli %while3A_43, %mul3A_53 : i32
      %add3A_55 = arith.addi %select_n3A_28, %mul3A_54 : i32
      "tpu.region"() ({
        %run_scoped3A = tpu.sem_alloc : memref<!tpu.dma_semaphore, #tpu.memory_space<semaphore_mem>>
        %dma_start3A = arith.constant 0 : i32
        %dma_start3A_64 = tpu.memref_slice %arg4[%add3A_55, %dma_start3A] : memref<2560x128xi32, #tpu.memory_space<hbm>> -> memref<8x128xi32, #tpu.memory_space<hbm>>
        %dma_start3A_65 = arith.constant 0 : i32
        %dma_start3A_66 = tpu.memref_slice %arg4[%add3A_55, %dma_start3A_65] : memref<2560x128xi32, #tpu.memory_space<hbm>> -> memref<8x128xi32, #tpu.memory_space<hbm>>
        tpu.enqueue_dma source(%dma_start3A_66 : memref<8x128xi32, #tpu.memory_space<hbm>>) target(%arg7 : memref<8x128xi32, #tpu.memory_space<vmem>>) target_semaphore(%run_scoped3A : memref<!tpu.dma_semaphore, #tpu.memory_space<semaphore_mem>>)
        %dma_wait3A = arith.constant 0 : i32
        %dma_wait3A_67 = tpu.memref_slice %arg4[%add3A_55, %dma_wait3A] : memref<2560x128xi32, #tpu.memory_space<hbm>> -> memref<8x128xi32, #tpu.memory_space<hbm>>
        %dma_wait3A_68 = arith.constant 0 : i32
        %dma_wait3A_69 = tpu.memref_slice %arg4[%add3A_55, %dma_wait3A_68] : memref<2560x128xi32, #tpu.memory_space<hbm>> -> memref<8x128xi32, #tpu.memory_space<hbm>>
        tpu.wait_dma2 semaphore(%run_scoped3A : memref<!tpu.dma_semaphore, #tpu.memory_space<semaphore_mem>>) src(%dma_wait3A_69 : memref<8x128xi32, #tpu.memory_space<hbm>>) dst(%arg7 : memref<8x128xi32, #tpu.memory_space<vmem>>)
        tpu.yield
      }) : () -> ()
      %scan3A_56 = arith.constant 0 : i32
      %scan3A_57 = arith.constant 0 : i32
      %scan3A_58 = arith.constant 4 : i32
      %scan3A_59 = arith.addi %scan3A_57, %scan3A_58 : i32
      %scan3A_60 = arith.constant 1 : i32
      %scan3A_61 = scf.for %scan3A_64 = %scan3A_57 to %scan3A_59 step %scan3A_60 iter_args(%scan3A_65 = %scan3A_56) -> (i32)  : i32 {
        %gt3A_66 = arith.constant 0 : i32
        %gt3A_67 = arith.cmpi sgt, %scan3A_64, %gt3A_66 : i32
        %convert_element_type3A_68 = arith.extui %gt3A_67 : i1 to i32
        %cond3A_69 = arith.constant 0 : i32
        %cond3A_70 = arith.cmpi ne, %convert_element_type3A_68, %cond3A_69 : i32
        scf.if %cond3A_70 {
          %dma_wait3A_112 = arith.constant 0 : i32
          %dma_wait3A_113 = arith.constant 0 : i32
          %dma_wait3A_114 = tpu.memref_slice %arg2[%dma_wait3A_112, %dma_wait3A_113] : memref<10000x128xf32, #tpu.memory_space<hbm>> -> memref<128x128xf32, #tpu.memory_space<hbm>>
          %dma_wait3A_115 = arith.constant 0 : i32
          %dma_wait3A_116 = arith.constant 0 : i32
          %dma_wait3A_117 = tpu.memref_slice %arg2[%dma_wait3A_115, %dma_wait3A_116] : memref<10000x128xf32, #tpu.memory_space<hbm>> -> memref<128x128xf32, #tpu.memory_space<hbm>>
          tpu.wait_dma2 semaphore(%arg10 : memref<!tpu.dma_semaphore, #tpu.memory_space<semaphore_mem>>) src(%dma_wait3A_117 : memref<128x128xf32, #tpu.memory_space<hbm>>) dst(%arg8 : memref<128x128xf32, #tpu.memory_space<vmem>>)
          %dma_wait3A_118 = arith.constant 0 : i32
          %dma_wait3A_119 = arith.constant 0 : i32
          %dma_wait3A_120 = tpu.memref_slice %arg2[%dma_wait3A_118, %dma_wait3A_119] : memref<10000x128xf32, #tpu.memory_space<hbm>> -> memref<128x128xf32, #tpu.memory_space<hbm>>
          %dma_wait3A_121 = arith.constant 0 : i32
          %dma_wait3A_122 = arith.constant 0 : i32
          %dma_wait3A_123 = tpu.memref_slice %arg2[%dma_wait3A_121, %dma_wait3A_122] : memref<10000x128xf32, #tpu.memory_space<hbm>> -> memref<128x128xf32, #tpu.memory_space<hbm>>
          tpu.wait_dma2 semaphore(%arg11 : memref<!tpu.dma_semaphore, #tpu.memory_space<semaphore_mem>>) src(%dma_wait3A_123 : memref<128x128xf32, #tpu.memory_space<hbm>>) dst(%arg9 : memref<128x128xf32, #tpu.memory_space<vmem>>)
        } else {
        }
        %mul3A_71 = arith.constant 2 : i32
        %mul3A_72 = arith.muli %mul3A_71, %scan3A_64 : i32
        %mul3A_73 = arith.constant 2 : i32
        %mul3A_74 = arith.muli %mul3A_73, %scan3A_64 : i32
        %add3A_75 = arith.constant 1 : i32
        %add3A_76 = arith.addi %mul3A_74, %add3A_75 : i32
        %dma_start3A = arith.constant 0 : i32
        %dma_start3A_77 = tpu.memref_slice %arg6[%mul3A_72, %dma_start3A] : memref<8x128xi32, #tpu.memory_space<vmem>> -> memref<1x128xi32, #tpu.memory_space<vmem>>
        %dma_start3A_78 = tpu.memref_squeeze %dma_start3A_77 : memref<1x128xi32, #tpu.memory_space<vmem>> -> memref<128xi32, #tpu.memory_space<vmem>>
        %dma_start3A_79 = arith.constant 0 : i32
        %dma_start3A_80 = arith.constant 0 : i32
        %dma_start3A_81 = tpu.memref_slice %arg2[%dma_start3A_79, %dma_start3A_80] : memref<10000x128xf32, #tpu.memory_space<hbm>> -> memref<10000x128xf32, #tpu.memory_space<hbm>>
        tpu.enqueue_indirect_dma source(%dma_start3A_81 : memref<10000x128xf32, #tpu.memory_space<hbm>>) target(%arg8 : memref<128x128xf32, #tpu.memory_space<vmem>>) offsets(%dma_start3A_78 : memref<128xi32, #tpu.memory_space<vmem>>) semaphore(%arg10 : memref<!tpu.dma_semaphore, #tpu.memory_space<semaphore_mem>>)
        %dma_start3A_82 = arith.constant 0 : i32
        %dma_start3A_83 = tpu.memref_slice %arg6[%add3A_76, %dma_start3A_82] : memref<8x128xi32, #tpu.memory_space<vmem>> -> memref<1x128xi32, #tpu.memory_space<vmem>>
        %dma_start3A_84 = tpu.memref_squeeze %dma_start3A_83 : memref<1x128xi32, #tpu.memory_space<vmem>> -> memref<128xi32, #tpu.memory_space<vmem>>
        %dma_start3A_85 = arith.constant 0 : i32
        %dma_start3A_86 = arith.constant 0 : i32
        %dma_start3A_87 = tpu.memref_slice %arg2[%dma_start3A_85, %dma_start3A_86] : memref<10000x128xf32, #tpu.memory_space<hbm>> -> memref<10000x128xf32, #tpu.memory_space<hbm>>
        tpu.enqueue_indirect_dma source(%dma_start3A_87 : memref<10000x128xf32, #tpu.memory_space<hbm>>) target(%arg9 : memref<128x128xf32, #tpu.memory_space<vmem>>) offsets(%dma_start3A_84 : memref<128xi32, #tpu.memory_space<vmem>>) semaphore(%arg11 : memref<!tpu.dma_semaphore, #tpu.memory_space<semaphore_mem>>)
        %dma_wait3A = arith.constant 0 : i32
        %dma_wait3A_88 = tpu.memref_slice %arg6[%mul3A_72, %dma_wait3A] : memref<8x128xi32, #tpu.memory_space<vmem>> -> memref<1x128xi32, #tpu.memory_space<vmem>>
        %dma_wait3A_89 = tpu.memref_squeeze %dma_wait3A_88 : memref<1x128xi32, #tpu.memory_space<vmem>> -> memref<128xi32, #tpu.memory_space<vmem>>
        %dma_wait3A_90 = arith.constant 0 : i32
        %dma_wait3A_91 = arith.constant 0 : i32
        %dma_wait3A_92 = tpu.memref_slice %arg2[%dma_wait3A_90, %dma_wait3A_91] : memref<10000x128xf32, #tpu.memory_space<hbm>> -> memref<10000x128xf32, #tpu.memory_space<hbm>>
        tpu.wait_indirect_dma semaphore(%arg10 : memref<!tpu.dma_semaphore, #tpu.memory_space<semaphore_mem>>) src(%dma_wait3A_92 : memref<10000x128xf32, #tpu.memory_space<hbm>>) dst(%arg8 : memref<128x128xf32, #tpu.memory_space<vmem>>)
        %dma_start3A_93 = arith.constant 0 : i32
        %dma_start3A_94 = tpu.memref_slice %arg7[%mul3A_72, %dma_start3A_93] : memref<8x128xi32, #tpu.memory_space<vmem>> -> memref<1x128xi32, #tpu.memory_space<vmem>>
        %dma_start3A_95 = tpu.memref_squeeze %dma_start3A_94 : memref<1x128xi32, #tpu.memory_space<vmem>> -> memref<128xi32, #tpu.memory_space<vmem>>
        %dma_start3A_96 = arith.constant 0 : i32
        %dma_start3A_97 = arith.constant 0 : i32
        %dma_start3A_98 = tpu.memref_slice %arg12[%dma_start3A_96, %dma_start3A_97] : memref<10112x128xf32, #tpu.memory_space<vmem_shared>> -> memref<10112x128xf32, #tpu.memory_space<vmem_shared>>
        tpu.enqueue_indirect_dma source(%arg8 : memref<128x128xf32, #tpu.memory_space<vmem>>) target(%dma_start3A_98 : memref<10112x128xf32, #tpu.memory_space<vmem_shared>>) offsets(%dma_start3A_95 : memref<128xi32, #tpu.memory_space<vmem>>) semaphore(%arg10 : memref<!tpu.dma_semaphore, #tpu.memory_space<semaphore_mem>>) {add = true}
        %dma_wait3A_99 = arith.constant 0 : i32
        %dma_wait3A_100 = tpu.memref_slice %arg6[%add3A_76, %dma_wait3A_99] : memref<8x128xi32, #tpu.memory_space<vmem>> -> memref<1x128xi32, #tpu.memory_space<vmem>>
        %dma_wait3A_101 = tpu.memref_squeeze %dma_wait3A_100 : memref<1x128xi32, #tpu.memory_space<vmem>> -> memref<128xi32, #tpu.memory_space<vmem>>
        %dma_wait3A_102 = arith.constant 0 : i32
        %dma_wait3A_103 = arith.constant 0 : i32
        %dma_wait3A_104 = tpu.memref_slice %arg2[%dma_wait3A_102, %dma_wait3A_103] : memref<10000x128xf32, #tpu.memory_space<hbm>> -> memref<10000x128xf32, #tpu.memory_space<hbm>>
        tpu.wait_indirect_dma semaphore(%arg11 : memref<!tpu.dma_semaphore, #tpu.memory_space<semaphore_mem>>) src(%dma_wait3A_104 : memref<10000x128xf32, #tpu.memory_space<hbm>>) dst(%arg9 : memref<128x128xf32, #tpu.memory_space<vmem>>)
        %dma_start3A_105 = arith.constant 0 : i32
        %dma_start3A_106 = tpu.memref_slice %arg7[%add3A_76, %dma_start3A_105] : memref<8x128xi32, #tpu.memory_space<vmem>> -> memref<1x128xi32, #tpu.memory_space<vmem>>
        %dma_start3A_107 = tpu.memref_squeeze %dma_start3A_106 : memref<1x128xi32, #tpu.memory_space<vmem>> -> memref<128xi32, #tpu.memory_space<vmem>>
        %dma_start3A_108 = arith.constant 0 : i32
        %dma_start3A_109 = arith.constant 0 : i32
        %dma_start3A_110 = tpu.memref_slice %arg12[%dma_start3A_108, %dma_start3A_109] : memref<10112x128xf32, #tpu.memory_space<vmem_shared>> -> memref<10112x128xf32, #tpu.memory_space<vmem_shared>>
        tpu.enqueue_indirect_dma source(%arg9 : memref<128x128xf32, #tpu.memory_space<vmem>>) target(%dma_start3A_110 : memref<10112x128xf32, #tpu.memory_space<vmem_shared>>) offsets(%dma_start3A_107 : memref<128xi32, #tpu.memory_space<vmem>>) semaphore(%arg11 : memref<!tpu.dma_semaphore, #tpu.memory_space<semaphore_mem>>) {add = true}
        %scan3A_111 = arith.constant 0 : i32
        scf.yield %scan3A_111 : i32
      }
      %scan3A_62 = arith.constant 4 : i32
      %while3A_63 = arith.constant 0 : i32
      scf.yield %while3A_63 : i32
    }
    %while3A_38 = arith.constant 1 : i32
    %while3A_39 = scf.for %while3A_43 = %while3A_35 to %while3A_31 step %while3A_38 iter_args(%while3A_44 = %while3A_37) -> (i32)  : i32 {
      %gt3A_45 = arith.constant 0 : i32
      %gt3A_46 = arith.cmpi sgt, %while3A_43, %gt3A_45 : i32
      %convert_element_type3A_47 = arith.extui %gt3A_46 : i1 to i32
      %cond3A_48 = arith.constant 0 : i32
      %cond3A_49 = arith.cmpi ne, %convert_element_type3A_47, %cond3A_48 : i32
      scf.if %cond3A_49 {
        %dma_wait3A = arith.constant 0 : i32
        %dma_wait3A_64 = arith.constant 0 : i32
        %dma_wait3A_65 = tpu.memref_slice %arg2[%dma_wait3A, %dma_wait3A_64] : memref<10000x128xf32, #tpu.memory_space<hbm>> -> memref<128x128xf32, #tpu.memory_space<hbm>>
        %dma_wait3A_66 = arith.constant 0 : i32
        %dma_wait3A_67 = arith.constant 0 : i32
        %dma_wait3A_68 = tpu.memref_slice %arg2[%dma_wait3A_66, %dma_wait3A_67] : memref<10000x128xf32, #tpu.memory_space<hbm>> -> memref<128x128xf32, #tpu.memory_space<hbm>>
        tpu.wait_dma2 semaphore(%arg10 : memref<!tpu.dma_semaphore, #tpu.memory_space<semaphore_mem>>) src(%dma_wait3A_68 : memref<128x128xf32, #tpu.memory_space<hbm>>) dst(%arg8 : memref<128x128xf32, #tpu.memory_space<vmem>>)
        %dma_wait3A_69 = arith.constant 0 : i32
        %dma_wait3A_70 = arith.constant 0 : i32
        %dma_wait3A_71 = tpu.memref_slice %arg2[%dma_wait3A_69, %dma_wait3A_70] : memref<10000x128xf32, #tpu.memory_space<hbm>> -> memref<128x128xf32, #tpu.memory_space<hbm>>
        %dma_wait3A_72 = arith.constant 0 : i32
        %dma_wait3A_73 = arith.constant 0 : i32
        %dma_wait3A_74 = tpu.memref_slice %arg2[%dma_wait3A_72, %dma_wait3A_73] : memref<10000x128xf32, #tpu.memory_space<hbm>> -> memref<128x128xf32, #tpu.memory_space<hbm>>
        tpu.wait_dma2 semaphore(%arg11 : memref<!tpu.dma_semaphore, #tpu.memory_space<semaphore_mem>>) src(%dma_wait3A_74 : memref<128x128xf32, #tpu.memory_space<hbm>>) dst(%arg9 : memref<128x128xf32, #tpu.memory_space<vmem>>)
      } else {
      }
      %mul3A_50 = arith.constant 8 : i32
      %mul3A_51 = arith.muli %while3A_43, %mul3A_50 : i32
      %add3A_52 = arith.addi %select_n3A_28, %mul3A_51 : i32
      "tpu.region"() ({
        %run_scoped3A = tpu.sem_alloc : memref<!tpu.dma_semaphore, #tpu.memory_space<semaphore_mem>>
        %dma_start3A = arith.constant 0 : i32
        %dma_start3A_64 = tpu.memref_slice %arg3[%add3A_52, %dma_start3A] : memref<2560x128xi32, #tpu.memory_space<hbm>> -> memref<8x128xi32, #tpu.memory_space<hbm>>
        %dma_start3A_65 = arith.constant 0 : i32
        %dma_start3A_66 = tpu.memref_slice %arg3[%add3A_52, %dma_start3A_65] : memref<2560x128xi32, #tpu.memory_space<hbm>> -> memref<8x128xi32, #tpu.memory_space<hbm>>
        tpu.enqueue_dma source(%dma_start3A_66 : memref<8x128xi32, #tpu.memory_space<hbm>>) target(%arg6 : memref<8x128xi32, #tpu.memory_space<vmem>>) target_semaphore(%run_scoped3A : memref<!tpu.dma_semaphore, #tpu.memory_space<semaphore_mem>>)
        %dma_wait3A = arith.constant 0 : i32
        %dma_wait3A_67 = tpu.memref_slice %arg3[%add3A_52, %dma_wait3A] : memref<2560x128xi32, #tpu.memory_space<hbm>> -> memref<8x128xi32, #tpu.memory_space<hbm>>
        %dma_wait3A_68 = arith.constant 0 : i32
        %dma_wait3A_69 = tpu.memref_slice %arg3[%add3A_52, %dma_wait3A_68] : memref<2560x128xi32, #tpu.memory_space<hbm>> -> memref<8x128xi32, #tpu.memory_space<hbm>>
        tpu.wait_dma2 semaphore(%run_scoped3A : memref<!tpu.dma_semaphore, #tpu.memory_space<semaphore_mem>>) src(%dma_wait3A_69 : memref<8x128xi32, #tpu.memory_space<hbm>>) dst(%arg6 : memref<8x128xi32, #tpu.memory_space<vmem>>)
        tpu.yield
      }) : () -> ()
      %mul3A_53 = arith.constant 8 : i32
      %mul3A_54 = arith.muli %while3A_43, %mul3A_53 : i32
      %add3A_55 = arith.addi %select_n3A_28, %mul3A_54 : i32
      "tpu.region"() ({
        %run_scoped3A = tpu.sem_alloc : memref<!tpu.dma_semaphore, #tpu.memory_space<semaphore_mem>>
        %dma_start3A = arith.constant 0 : i32
        %dma_start3A_64 = tpu.memref_slice %arg4[%add3A_55, %dma_start3A] : memref<2560x128xi32, #tpu.memory_space<hbm>> -> memref<8x128xi32, #tpu.memory_space<hbm>>
        %dma_start3A_65 = arith.constant 0 : i32
        %dma_start3A_66 = tpu.memref_slice %arg4[%add3A_55, %dma_start3A_65] : memref<2560x128xi32, #tpu.memory_space<hbm>> -> memref<8x128xi32, #tpu.memory_space<hbm>>
        tpu.enqueue_dma source(%dma_start3A_66 : memref<8x128xi32, #tpu.memory_space<hbm>>) target(%arg7 : memref<8x128xi32, #tpu.memory_space<vmem>>) target_semaphore(%run_scoped3A : memref<!tpu.dma_semaphore, #tpu.memory_space<semaphore_mem>>)
        %dma_wait3A = arith.constant 0 : i32
        %dma_wait3A_67 = tpu.memref_slice %arg4[%add3A_55, %dma_wait3A] : memref<2560x128xi32, #tpu.memory_space<hbm>> -> memref<8x128xi32, #tpu.memory_space<hbm>>
        %dma_wait3A_68 = arith.constant 0 : i32
        %dma_wait3A_69 = tpu.memref_slice %arg4[%add3A_55, %dma_wait3A_68] : memref<2560x128xi32, #tpu.memory_space<hbm>> -> memref<8x128xi32, #tpu.memory_space<hbm>>
        tpu.wait_dma2 semaphore(%run_scoped3A : memref<!tpu.dma_semaphore, #tpu.memory_space<semaphore_mem>>) src(%dma_wait3A_69 : memref<8x128xi32, #tpu.memory_space<hbm>>) dst(%arg7 : memref<8x128xi32, #tpu.memory_space<vmem>>)
        tpu.yield
      }) : () -> ()
      %scan3A_56 = arith.constant 0 : i32
      %scan3A_57 = arith.constant 0 : i32
      %scan3A_58 = arith.constant 4 : i32
      %scan3A_59 = arith.addi %scan3A_57, %scan3A_58 : i32
      %scan3A_60 = arith.constant 1 : i32
      %scan3A_61 = scf.for %scan3A_64 = %scan3A_57 to %scan3A_59 step %scan3A_60 iter_args(%scan3A_65 = %scan3A_56) -> (i32)  : i32 {
        %gt3A_66 = arith.constant 0 : i32
        %gt3A_67 = arith.cmpi sgt, %scan3A_64, %gt3A_66 : i32
        %convert_element_type3A_68 = arith.extui %gt3A_67 : i1 to i32
        %cond3A_69 = arith.constant 0 : i32
        %cond3A_70 = arith.cmpi ne, %convert_element_type3A_68, %cond3A_69 : i32
        scf.if %cond3A_70 {
          %dma_wait3A_112 = arith.constant 0 : i32
          %dma_wait3A_113 = arith.constant 0 : i32
          %dma_wait3A_114 = tpu.memref_slice %arg2[%dma_wait3A_112, %dma_wait3A_113] : memref<10000x128xf32, #tpu.memory_space<hbm>> -> memref<128x128xf32, #tpu.memory_space<hbm>>
          %dma_wait3A_115 = arith.constant 0 : i32
          %dma_wait3A_116 = arith.constant 0 : i32
          %dma_wait3A_117 = tpu.memref_slice %arg2[%dma_wait3A_115, %dma_wait3A_116] : memref<10000x128xf32, #tpu.memory_space<hbm>> -> memref<128x128xf32, #tpu.memory_space<hbm>>
          tpu.wait_dma2 semaphore(%arg10 : memref<!tpu.dma_semaphore, #tpu.memory_space<semaphore_mem>>) src(%dma_wait3A_117 : memref<128x128xf32, #tpu.memory_space<hbm>>) dst(%arg8 : memref<128x128xf32, #tpu.memory_space<vmem>>)
          %dma_wait3A_118 = arith.constant 0 : i32
          %dma_wait3A_119 = arith.constant 0 : i32
          %dma_wait3A_120 = tpu.memref_slice %arg2[%dma_wait3A_118, %dma_wait3A_119] : memref<10000x128xf32, #tpu.memory_space<hbm>> -> memref<128x128xf32, #tpu.memory_space<hbm>>
          %dma_wait3A_121 = arith.constant 0 : i32
          %dma_wait3A_122 = arith.constant 0 : i32
          %dma_wait3A_123 = tpu.memref_slice %arg2[%dma_wait3A_121, %dma_wait3A_122] : memref<10000x128xf32, #tpu.memory_space<hbm>> -> memref<128x128xf32, #tpu.memory_space<hbm>>
          tpu.wait_dma2 semaphore(%arg11 : memref<!tpu.dma_semaphore, #tpu.memory_space<semaphore_mem>>) src(%dma_wait3A_123 : memref<128x128xf32, #tpu.memory_space<hbm>>) dst(%arg9 : memref<128x128xf32, #tpu.memory_space<vmem>>)
        } else {
        }
        %mul3A_71 = arith.constant 2 : i32
        %mul3A_72 = arith.muli %mul3A_71, %scan3A_64 : i32
        %mul3A_73 = arith.constant 2 : i32
        %mul3A_74 = arith.muli %mul3A_73, %scan3A_64 : i32
        %add3A_75 = arith.constant 1 : i32
        %add3A_76 = arith.addi %mul3A_74, %add3A_75 : i32
        %dma_start3A = arith.constant 0 : i32
        %dma_start3A_77 = tpu.memref_slice %arg6[%mul3A_72, %dma_start3A] : memref<8x128xi32, #tpu.memory_space<vmem>> -> memref<1x128xi32, #tpu.memory_space<vmem>>
        %dma_start3A_78 = tpu.memref_squeeze %dma_start3A_77 : memref<1x128xi32, #tpu.memory_space<vmem>> -> memref<128xi32, #tpu.memory_space<vmem>>
        %dma_start3A_79 = arith.constant 0 : i32
        %dma_start3A_80 = arith.constant 0 : i32
        %dma_start3A_81 = tpu.memref_slice %arg2[%dma_start3A_79, %dma_start3A_80] : memref<10000x128xf32, #tpu.memory_space<hbm>> -> memref<10000x128xf32, #tpu.memory_space<hbm>>
        tpu.enqueue_indirect_dma source(%dma_start3A_81 : memref<10000x128xf32, #tpu.memory_space<hbm>>) target(%arg8 : memref<128x128xf32, #tpu.memory_space<vmem>>) offsets(%dma_start3A_78 : memref<128xi32, #tpu.memory_space<vmem>>) semaphore(%arg10 : memref<!tpu.dma_semaphore, #tpu.memory_space<semaphore_mem>>)
        %dma_start3A_82 = arith.constant 0 : i32
        %dma_start3A_83 = tpu.memref_slice %arg6[%add3A_76, %dma_start3A_82] : memref<8x128xi32, #tpu.memory_space<vmem>> -> memref<1x128xi32, #tpu.memory_space<vmem>>
        %dma_start3A_84 = tpu.memref_squeeze %dma_start3A_83 : memref<1x128xi32, #tpu.memory_space<vmem>> -> memref<128xi32, #tpu.memory_space<vmem>>
        %dma_start3A_85 = arith.constant 0 : i32
        %dma_start3A_86 = arith.constant 0 : i32
        %dma_start3A_87 = tpu.memref_slice %arg2[%dma_start3A_85, %dma_start3A_86] : memref<10000x128xf32, #tpu.memory_space<hbm>> -> memref<10000x128xf32, #tpu.memory_space<hbm>>
        tpu.enqueue_indirect_dma source(%dma_start3A_87 : memref<10000x128xf32, #tpu.memory_space<hbm>>) target(%arg9 : memref<128x128xf32, #tpu.memory_space<vmem>>) offsets(%dma_start3A_84 : memref<128xi32, #tpu.memory_space<vmem>>) semaphore(%arg11 : memref<!tpu.dma_semaphore, #tpu.memory_space<semaphore_mem>>)
        %dma_wait3A = arith.constant 0 : i32
        %dma_wait3A_88 = tpu.memref_slice %arg6[%mul3A_72, %dma_wait3A] : memref<8x128xi32, #tpu.memory_space<vmem>> -> memref<1x128xi32, #tpu.memory_space<vmem>>
        %dma_wait3A_89 = tpu.memref_squeeze %dma_wait3A_88 : memref<1x128xi32, #tpu.memory_space<vmem>> -> memref<128xi32, #tpu.memory_space<vmem>>
        %dma_wait3A_90 = arith.constant 0 : i32
        %dma_wait3A_91 = arith.constant 0 : i32
        %dma_wait3A_92 = tpu.memref_slice %arg2[%dma_wait3A_90, %dma_wait3A_91] : memref<10000x128xf32, #tpu.memory_space<hbm>> -> memref<10000x128xf32, #tpu.memory_space<hbm>>
        tpu.wait_indirect_dma semaphore(%arg10 : memref<!tpu.dma_semaphore, #tpu.memory_space<semaphore_mem>>) src(%dma_wait3A_92 : memref<10000x128xf32, #tpu.memory_space<hbm>>) dst(%arg8 : memref<128x128xf32, #tpu.memory_space<vmem>>)
        %dma_start3A_93 = arith.constant 0 : i32
        %dma_start3A_94 = tpu.memref_slice %arg7[%mul3A_72, %dma_start3A_93] : memref<8x128xi32, #tpu.memory_space<vmem>> -> memref<1x128xi32, #tpu.memory_space<vmem>>
        %dma_start3A_95 = tpu.memref_squeeze %dma_start3A_94 : memref<1x128xi32, #tpu.memory_space<vmem>> -> memref<128xi32, #tpu.memory_space<vmem>>
        %dma_start3A_96 = arith.constant 0 : i32
        %dma_start3A_97 = arith.constant 0 : i32
        %dma_start3A_98 = tpu.memref_slice %arg12[%dma_start3A_96, %dma_start3A_97] : memref<10112x128xf32, #tpu.memory_space<vmem_shared>> -> memref<10112x128xf32, #tpu.memory_space<vmem_shared>>
        tpu.enqueue_indirect_dma source(%arg8 : memref<128x128xf32, #tpu.memory_space<vmem>>) target(%dma_start3A_98 : memref<10112x128xf32, #tpu.memory_space<vmem_shared>>) offsets(%dma_start3A_95 : memref<128xi32, #tpu.memory_space<vmem>>) semaphore(%arg10 : memref<!tpu.dma_semaphore, #tpu.memory_space<semaphore_mem>>) {add = true}
        %dma_wait3A_99 = arith.constant 0 : i32
        %dma_wait3A_100 = tpu.memref_slice %arg6[%add3A_76, %dma_wait3A_99] : memref<8x128xi32, #tpu.memory_space<vmem>> -> memref<1x128xi32, #tpu.memory_space<vmem>>
        %dma_wait3A_101 = tpu.memref_squeeze %dma_wait3A_100 : memref<1x128xi32, #tpu.memory_space<vmem>> -> memref<128xi32, #tpu.memory_space<vmem>>
        %dma_wait3A_102 = arith.constant 0 : i32
        %dma_wait3A_103 = arith.constant 0 : i32
        %dma_wait3A_104 = tpu.memref_slice %arg2[%dma_wait3A_102, %dma_wait3A_103] : memref<10000x128xf32, #tpu.memory_space<hbm>> -> memref<10000x128xf32, #tpu.memory_space<hbm>>
        tpu.wait_indirect_dma semaphore(%arg11 : memref<!tpu.dma_semaphore, #tpu.memory_space<semaphore_mem>>) src(%dma_wait3A_104 : memref<10000x128xf32, #tpu.memory_space<hbm>>) dst(%arg9 : memref<128x128xf32, #tpu.memory_space<vmem>>)
        %dma_start3A_105 = arith.constant 0 : i32
        %dma_start3A_106 = tpu.memref_slice %arg7[%add3A_76, %dma_start3A_105] : memref<8x128xi32, #tpu.memory_space<vmem>> -> memref<1x128xi32, #tpu.memory_space<vmem>>
        %dma_start3A_107 = tpu.memref_squeeze %dma_start3A_106 : memref<1x128xi32, #tpu.memory_space<vmem>> -> memref<128xi32, #tpu.memory_space<vmem>>
        %dma_start3A_108 = arith.constant 0 : i32
        %dma_start3A_109 = arith.constant 0 : i32
        %dma_start3A_110 = tpu.memref_slice %arg12[%dma_start3A_108, %dma_start3A_109] : memref<10112x128xf32, #tpu.memory_space<vmem_shared>> -> memref<10112x128xf32, #tpu.memory_space<vmem_shared>>
        tpu.enqueue_indirect_dma source(%arg9 : memref<128x128xf32, #tpu.memory_space<vmem>>) target(%dma_start3A_110 : memref<10112x128xf32, #tpu.memory_space<vmem_shared>>) offsets(%dma_start3A_107 : memref<128xi32, #tpu.memory_space<vmem>>) semaphore(%arg11 : memref<!tpu.dma_semaphore, #tpu.memory_space<semaphore_mem>>) {add = true}
        %scan3A_111 = arith.constant 0 : i32
        scf.yield %scan3A_111 : i32
      }
      %scan3A_62 = arith.constant 4 : i32
      %while3A_63 = arith.constant 0 : i32
      scf.yield %while3A_63 : i32
    }
    %gt3A = arith.constant 0 : i32
    %gt3A_40 = arith.cmpi sgt, %select_n3A_19, %gt3A : i32
    %convert_element_type3A = arith.extui %gt3A_40 : i1 to i32
    %cond3A = arith.constant 0 : i32
    %cond3A_41 = arith.cmpi ne, %convert_element_type3A, %cond3A : i32
    scf.if %cond3A_41 {
      %dma_wait3A = arith.constant 0 : i32
      %dma_wait3A_43 = arith.constant 0 : i32
      %dma_wait3A_44 = tpu.memref_slice %arg2[%dma_wait3A, %dma_wait3A_43] : memref<10000x128xf32, #tpu.memory_space<hbm>> -> memref<128x128xf32, #tpu.memory_space<hbm>>
      %dma_wait3A_45 = arith.constant 0 : i32
      %dma_wait3A_46 = arith.constant 0 : i32
      %dma_wait3A_47 = tpu.memref_slice %arg2[%dma_wait3A_45, %dma_wait3A_46] : memref<10000x128xf32, #tpu.memory_space<hbm>> -> memref<128x128xf32, #tpu.memory_space<hbm>>
      tpu.wait_dma2 semaphore(%arg10 : memref<!tpu.dma_semaphore, #tpu.memory_space<semaphore_mem>>) src(%dma_wait3A_47 : memref<128x128xf32, #tpu.memory_space<hbm>>) dst(%arg8 : memref<128x128xf32, #tpu.memory_space<vmem>>)
      %dma_wait3A_48 = arith.constant 0 : i32
      %dma_wait3A_49 = arith.constant 0 : i32
      %dma_wait3A_50 = tpu.memref_slice %arg2[%dma_wait3A_48, %dma_wait3A_49] : memref<10000x128xf32, #tpu.memory_space<hbm>> -> memref<128x128xf32, #tpu.memory_space<hbm>>
      %dma_wait3A_51 = arith.constant 0 : i32
      %dma_wait3A_52 = arith.constant 0 : i32
      %dma_wait3A_53 = tpu.memref_slice %arg2[%dma_wait3A_51, %dma_wait3A_52] : memref<10000x128xf32, #tpu.memory_space<hbm>> -> memref<128x128xf32, #tpu.memory_space<hbm>>
      tpu.wait_dma2 semaphore(%arg11 : memref<!tpu.dma_semaphore, #tpu.memory_space<semaphore_mem>>) src(%dma_wait3A_53 : memref<128x128xf32, #tpu.memory_space<hbm>>) dst(%arg9 : memref<128x128xf32, #tpu.memory_space<vmem>>)
    } else {
    }
    %barrier3A_42 = arith.constant 0 : index
    tpu.barrier barrier_id(%barrier3A_42)
    "tpu.trace_stop"() : () -> ()
    "tpu.trace_start"() <{level = 10 : i32, message = "writeback"}> : () -> ()
    "tpu.region"() ({
      %run_scoped3A = tpu.sem_alloc : memref<!tpu.dma_semaphore, #tpu.memory_space<semaphore_mem>>
      %dma_start3A = arith.constant 0 : i32
      %dma_start3A_43 = tpu.memref_slice %arg5[%arg0, %mul3A_0, %dma_start3A] : memref<2x10112x128xf32, #tpu.memory_space<hbm>> -> memref<1x632x128xf32, #tpu.memory_space<hbm>>
      %dma_start3A_44 = tpu.memref_squeeze %dma_start3A_43 : memref<1x632x128xf32, #tpu.memory_space<hbm>> -> memref<632x128xf32, #tpu.memory_space<hbm>>
      %dma_start3A_45 = arith.constant 0 : i32
      %dma_start3A_46 = tpu.memref_slice %arg12[%mul3A_0, %dma_start3A_45] : memref<10112x128xf32, #tpu.memory_space<vmem_shared>> -> memref<632x128xf32, #tpu.memory_space<vmem_shared>>
      tpu.enqueue_dma source(%dma_start3A_46 : memref<632x128xf32, #tpu.memory_space<vmem_shared>>) target(%dma_start3A_44 : memref<632x128xf32, #tpu.memory_space<hbm>>) target_semaphore(%run_scoped3A : memref<!tpu.dma_semaphore, #tpu.memory_space<semaphore_mem>>)
      %dma_wait3A = arith.constant 0 : i32
      %dma_wait3A_47 = tpu.memref_slice %arg5[%arg0, %mul3A_0, %dma_wait3A] : memref<2x10112x128xf32, #tpu.memory_space<hbm>> -> memref<1x632x128xf32, #tpu.memory_space<hbm>>
      %dma_wait3A_48 = tpu.memref_squeeze %dma_wait3A_47 : memref<1x632x128xf32, #tpu.memory_space<hbm>> -> memref<632x128xf32, #tpu.memory_space<hbm>>
      %dma_wait3A_49 = arith.constant 0 : i32
      %dma_wait3A_50 = tpu.memref_slice %arg12[%mul3A_0, %dma_wait3A_49] : memref<10112x128xf32, #tpu.memory_space<vmem_shared>> -> memref<632x128xf32, #tpu.memory_space<vmem_shared>>
      tpu.wait_dma2 semaphore(%run_scoped3A : memref<!tpu.dma_semaphore, #tpu.memory_space<semaphore_mem>>) src(%dma_wait3A_50 : memref<632x128xf32, #tpu.memory_space<vmem_shared>>) dst(%dma_wait3A_48 : memref<632x128xf32, #tpu.memory_space<hbm>>)
      tpu.yield
    }) : () -> ()
    "tpu.trace_stop"() : () -> ()
    return
  }
}

#map = affine_map<(d0, d1) -> (0, 0)>
#map1 = affine_map<(d0, d1) -> (0)>
module attributes {stable_mosaic.version = 14 : i64} {
  func.func @_deg_body(%arg0: i32, %arg1: i32, %arg2: memref<2560x128xi32, #tpu.memory_space<hbm>>, %arg3: memref<20224xf32, #tpu.memory_space<hbm>>, %arg4: memref<80x128xi32, #tpu.memory_space<vmem>>, %arg5: memref<128xf32, #tpu.memory_space<vmem>>, %arg6: memref<128xf32, #tpu.memory_space<vmem>>, %arg7: memref<632xf32, #tpu.memory_space<vmem>>, %arg8: memref<10112xf32, #tpu.memory_space<vmem_shared>>) attributes {dimension_semantics = [#tpu.dimension_semantics<core_parallel>, #tpu.dimension_semantics<subcore_parallel>], iteration_bounds = array<i64: 2, 16>, scalar_prefetch = 0 : i64, scratch_operands = 5 : i64, tpu.core_type = #tpu.core_type<sc_vector_subcore>, window_params = [{transform_indices = #map}, {transform_indices = #map1}]} {
    %mul3A = arith.constant 16 : i32
    %mul3A_0 = arith.muli %arg0, %mul3A : i32
    %add3A = arith.addi %mul3A_0, %arg1 : i32
    %mul3A_1 = arith.constant 80 : i32
    %mul3A_2 = arith.muli %add3A, %mul3A_1 : i32
    "tpu.region"() ({
      %run_scoped3A = tpu.sem_alloc : memref<!tpu.dma_semaphore, #tpu.memory_space<semaphore_mem>>
      %dma_start3A = arith.constant 0 : i32
      %dma_start3A_89 = tpu.memref_slice %arg2[%mul3A_2, %dma_start3A] : memref<2560x128xi32, #tpu.memory_space<hbm>> -> memref<80x128xi32, #tpu.memory_space<hbm>>
      %dma_start3A_90 = arith.constant 0 : i32
      %dma_start3A_91 = tpu.memref_slice %arg2[%mul3A_2, %dma_start3A_90] : memref<2560x128xi32, #tpu.memory_space<hbm>> -> memref<80x128xi32, #tpu.memory_space<hbm>>
      tpu.enqueue_dma source(%dma_start3A_91 : memref<80x128xi32, #tpu.memory_space<hbm>>) target(%arg4 : memref<80x128xi32, #tpu.memory_space<vmem>>) target_semaphore(%run_scoped3A : memref<!tpu.dma_semaphore, #tpu.memory_space<semaphore_mem>>)
      %dma_wait3A = arith.constant 0 : i32
      %dma_wait3A_92 = tpu.memref_slice %arg2[%mul3A_2, %dma_wait3A] : memref<2560x128xi32, #tpu.memory_space<hbm>> -> memref<80x128xi32, #tpu.memory_space<hbm>>
      %dma_wait3A_93 = arith.constant 0 : i32
      %dma_wait3A_94 = tpu.memref_slice %arg2[%mul3A_2, %dma_wait3A_93] : memref<2560x128xi32, #tpu.memory_space<hbm>> -> memref<80x128xi32, #tpu.memory_space<hbm>>
      tpu.wait_dma2 semaphore(%run_scoped3A : memref<!tpu.dma_semaphore, #tpu.memory_space<semaphore_mem>>) src(%dma_wait3A_94 : memref<80x128xi32, #tpu.memory_space<hbm>>) dst(%arg4 : memref<80x128xi32, #tpu.memory_space<vmem>>)
      tpu.yield
    }) : () -> ()
    %broadcast_in_dim3A = arith.constant 0.000000e+00 : f32
    %broadcast_in_dim3A_3 = vector.broadcast %broadcast_in_dim3A : f32 to vector<16xf32>
    %broadcast_in_dim3A_4 = arith.constant 1.000000e+00 : f32
    %broadcast_in_dim3A_5 = vector.broadcast %broadcast_in_dim3A_4 : f32 to vector<16xf32>
    %swap3A = arith.constant 0 : index
    %swap3A_6 = tpu.vector_load %arg5[%swap3A] {strides = array<i32>} : memref<128xf32, #tpu.memory_space<vmem>>, vector<16xf32>,
    %swap3A_7 = vector.shape_cast %swap3A_6 : vector<16xf32> to vector<16xf32>
    %swap3A_8 = vector.shape_cast %broadcast_in_dim3A_3 : vector<16xf32> to vector<16xf32>
    tpu.vector_store %arg5[%swap3A], %swap3A_8 {strides = array<i32>} : memref<128xf32, #tpu.memory_space<vmem>>, vector<16xf32>,
    %swap3A_9 = arith.constant 16 : index
    %swap3A_10 = tpu.vector_load %arg5[%swap3A_9] {strides = array<i32>} : memref<128xf32, #tpu.memory_space<vmem>>, vector<16xf32>,
    %swap3A_11 = vector.shape_cast %swap3A_10 : vector<16xf32> to vector<16xf32>
    %swap3A_12 = vector.shape_cast %broadcast_in_dim3A_3 : vector<16xf32> to vector<16xf32>
    tpu.vector_store %arg5[%swap3A_9], %swap3A_12 {strides = array<i32>} : memref<128xf32, #tpu.memory_space<vmem>>, vector<16xf32>,
    %swap3A_13 = arith.constant 32 : index
    %swap3A_14 = tpu.vector_load %arg5[%swap3A_13] {strides = array<i32>} : memref<128xf32, #tpu.memory_space<vmem>>, vector<16xf32>,
    %swap3A_15 = vector.shape_cast %swap3A_14 : vector<16xf32> to vector<16xf32>
    %swap3A_16 = vector.shape_cast %broadcast_in_dim3A_3 : vector<16xf32> to vector<16xf32>
    tpu.vector_store %arg5[%swap3A_13], %swap3A_16 {strides = array<i32>} : memref<128xf32, #tpu.memory_space<vmem>>, vector<16xf32>,
    %swap3A_17 = arith.constant 48 : index
    %swap3A_18 = tpu.vector_load %arg5[%swap3A_17] {strides = array<i32>} : memref<128xf32, #tpu.memory_space<vmem>>, vector<16xf32>,
    %swap3A_19 = vector.shape_cast %swap3A_18 : vector<16xf32> to vector<16xf32>
    %swap3A_20 = vector.shape_cast %broadcast_in_dim3A_3 : vector<16xf32> to vector<16xf32>
    tpu.vector_store %arg5[%swap3A_17], %swap3A_20 {strides = array<i32>} : memref<128xf32, #tpu.memory_space<vmem>>, vector<16xf32>,
    %swap3A_21 = arith.constant 64 : index
    %swap3A_22 = tpu.vector_load %arg5[%swap3A_21] {strides = array<i32>} : memref<128xf32, #tpu.memory_space<vmem>>, vector<16xf32>,
    %swap3A_23 = vector.shape_cast %swap3A_22 : vector<16xf32> to vector<16xf32>
    %swap3A_24 = vector.shape_cast %broadcast_in_dim3A_3 : vector<16xf32> to vector<16xf32>
    tpu.vector_store %arg5[%swap3A_21], %swap3A_24 {strides = array<i32>} : memref<128xf32, #tpu.memory_space<vmem>>, vector<16xf32>,
    %swap3A_25 = arith.constant 80 : index
    %swap3A_26 = tpu.vector_load %arg5[%swap3A_25] {strides = array<i32>} : memref<128xf32, #tpu.memory_space<vmem>>, vector<16xf32>,
    %swap3A_27 = vector.shape_cast %swap3A_26 : vector<16xf32> to vector<16xf32>
    %swap3A_28 = vector.shape_cast %broadcast_in_dim3A_3 : vector<16xf32> to vector<16xf32>
    tpu.vector_store %arg5[%swap3A_25], %swap3A_28 {strides = array<i32>} : memref<128xf32, #tpu.memory_space<vmem>>, vector<16xf32>,
    %swap3A_29 = arith.constant 96 : index
    %swap3A_30 = tpu.vector_load %arg5[%swap3A_29] {strides = array<i32>} : memref<128xf32, #tpu.memory_space<vmem>>, vector<16xf32>,
    %swap3A_31 = vector.shape_cast %swap3A_30 : vector<16xf32> to vector<16xf32>
    %swap3A_32 = vector.shape_cast %broadcast_in_dim3A_3 : vector<16xf32> to vector<16xf32>
    tpu.vector_store %arg5[%swap3A_29], %swap3A_32 {strides = array<i32>} : memref<128xf32, #tpu.memory_space<vmem>>, vector<16xf32>,
    %swap3A_33 = arith.constant 112 : index
    %swap3A_34 = tpu.vector_load %arg5[%swap3A_33] {strides = array<i32>} : memref<128xf32, #tpu.memory_space<vmem>>, vector<16xf32>,
    %swap3A_35 = vector.shape_cast %swap3A_34 : vector<16xf32> to vector<16xf32>
    %swap3A_36 = vector.shape_cast %broadcast_in_dim3A_3 : vector<16xf32> to vector<16xf32>
    tpu.vector_store %arg5[%swap3A_33], %swap3A_36 {strides = array<i32>} : memref<128xf32, #tpu.memory_space<vmem>>, vector<16xf32>,
    %swap3A_37 = arith.constant 0 : index
    %swap3A_38 = tpu.vector_load %arg6[%swap3A_37] {strides = array<i32>} : memref<128xf32, #tpu.memory_space<vmem>>, vector<16xf32>,
    %swap3A_39 = vector.shape_cast %swap3A_38 : vector<16xf32> to vector<16xf32>
    %swap3A_40 = vector.shape_cast %broadcast_in_dim3A_5 : vector<16xf32> to vector<16xf32>
    tpu.vector_store %arg6[%swap3A_37], %swap3A_40 {strides = array<i32>} : memref<128xf32, #tpu.memory_space<vmem>>, vector<16xf32>,
    %swap3A_41 = arith.constant 16 : index
    %swap3A_42 = tpu.vector_load %arg6[%swap3A_41] {strides = array<i32>} : memref<128xf32, #tpu.memory_space<vmem>>, vector<16xf32>,
    %swap3A_43 = vector.shape_cast %swap3A_42 : vector<16xf32> to vector<16xf32>
    %swap3A_44 = vector.shape_cast %broadcast_in_dim3A_5 : vector<16xf32> to vector<16xf32>
    tpu.vector_store %arg6[%swap3A_41], %swap3A_44 {strides = array<i32>} : memref<128xf32, #tpu.memory_space<vmem>>, vector<16xf32>,
    %swap3A_45 = arith.constant 32 : index
    %swap3A_46 = tpu.vector_load %arg6[%swap3A_45] {strides = array<i32>} : memref<128xf32, #tpu.memory_space<vmem>>, vector<16xf32>,
    %swap3A_47 = vector.shape_cast %swap3A_46 : vector<16xf32> to vector<16xf32>
    %swap3A_48 = vector.shape_cast %broadcast_in_dim3A_5 : vector<16xf32> to vector<16xf32>
    tpu.vector_store %arg6[%swap3A_45], %swap3A_48 {strides = array<i32>} : memref<128xf32, #tpu.memory_space<vmem>>, vector<16xf32>,
    %swap3A_49 = arith.constant 48 : index
    %swap3A_50 = tpu.vector_load %arg6[%swap3A_49] {strides = array<i32>} : memref<128xf32, #tpu.memory_space<vmem>>, vector<16xf32>,
    %swap3A_51 = vector.shape_cast %swap3A_50 : vector<16xf32> to vector<16xf32>
    %swap3A_52 = vector.shape_cast %broadcast_in_dim3A_5 : vector<16xf32> to vector<16xf32>
    tpu.vector_store %arg6[%swap3A_49], %swap3A_52 {strides = array<i32>} : memref<128xf32, #tpu.memory_space<vmem>>, vector<16xf32>,
    %swap3A_53 = arith.constant 64 : index
    %swap3A_54 = tpu.vector_load %arg6[%swap3A_53] {strides = array<i32>} : memref<128xf32, #tpu.memory_space<vmem>>, vector<16xf32>,
    %swap3A_55 = vector.shape_cast %swap3A_54 : vector<16xf32> to vector<16xf32>
    %swap3A_56 = vector.shape_cast %broadcast_in_dim3A_5 : vector<16xf32> to vector<16xf32>
    tpu.vector_store %arg6[%swap3A_53], %swap3A_56 {strides = array<i32>} : memref<128xf32, #tpu.memory_space<vmem>>, vector<16xf32>,
    %swap3A_57 = arith.constant 80 : index
    %swap3A_58 = tpu.vector_load %arg6[%swap3A_57] {strides = array<i32>} : memref<128xf32, #tpu.memory_space<vmem>>, vector<16xf32>,
    %swap3A_59 = vector.shape_cast %swap3A_58 : vector<16xf32> to vector<16xf32>
    %swap3A_60 = vector.shape_cast %broadcast_in_dim3A_5 : vector<16xf32> to vector<16xf32>
    tpu.vector_store %arg6[%swap3A_57], %swap3A_60 {strides = array<i32>} : memref<128xf32, #tpu.memory_space<vmem>>, vector<16xf32>,
    %swap3A_61 = arith.constant 96 : index
    %swap3A_62 = tpu.vector_load %arg6[%swap3A_61] {strides = array<i32>} : memref<128xf32, #tpu.memory_space<vmem>>, vector<16xf32>,
    %swap3A_63 = vector.shape_cast %swap3A_62 : vector<16xf32> to vector<16xf32>
    %swap3A_64 = vector.shape_cast %broadcast_in_dim3A_5 : vector<16xf32> to vector<16xf32>
    tpu.vector_store %arg6[%swap3A_61], %swap3A_64 {strides = array<i32>} : memref<128xf32, #tpu.memory_space<vmem>>, vector<16xf32>,
    %swap3A_65 = arith.constant 112 : index
    %swap3A_66 = tpu.vector_load %arg6[%swap3A_65] {strides = array<i32>} : memref<128xf32, #tpu.memory_space<vmem>>, vector<16xf32>,
    %swap3A_67 = vector.shape_cast %swap3A_66 : vector<16xf32> to vector<16xf32>
    %swap3A_68 = vector.shape_cast %broadcast_in_dim3A_5 : vector<16xf32> to vector<16xf32>
    tpu.vector_store %arg6[%swap3A_65], %swap3A_68 {strides = array<i32>} : memref<128xf32, #tpu.memory_space<vmem>>, vector<16xf32>,
    %mul3A_69 = arith.constant 632 : i32
    %mul3A_70 = arith.muli %arg1, %mul3A_69 : i32
    "tpu.region"() ({
      %run_scoped3A = tpu.sem_alloc : memref<!tpu.dma_semaphore, #tpu.memory_space<semaphore_mem>>
      %dma_start3A = tpu.memref_slice %arg8[%mul3A_70] : memref<10112xf32, #tpu.memory_space<vmem_shared>> -> memref<128xf32, #tpu.memory_space<vmem_shared>>
      %dma_start3A_89 = tpu.memref_slice %arg8[%mul3A_70] : memref<10112xf32, #tpu.memory_space<vmem_shared>> -> memref<128xf32, #tpu.memory_space<vmem_shared>>
      tpu.enqueue_dma source(%arg5 : memref<128xf32, #tpu.memory_space<vmem>>) target(%dma_start3A_89 : memref<128xf32, #tpu.memory_space<vmem_shared>>) target_semaphore(%run_scoped3A : memref<!tpu.dma_semaphore, #tpu.memory_space<semaphore_mem>>)
      %dma_wait3A = tpu.memref_slice %arg8[%mul3A_70] : memref<10112xf32, #tpu.memory_space<vmem_shared>> -> memref<128xf32, #tpu.memory_space<vmem_shared>>
      %dma_wait3A_90 = tpu.memref_slice %arg8[%mul3A_70] : memref<10112xf32, #tpu.memory_space<vmem_shared>> -> memref<128xf32, #tpu.memory_space<vmem_shared>>
      tpu.wait_dma2 semaphore(%run_scoped3A : memref<!tpu.dma_semaphore, #tpu.memory_space<semaphore_mem>>) src(%arg5 : memref<128xf32, #tpu.memory_space<vmem>>) dst(%dma_wait3A_90 : memref<128xf32, #tpu.memory_space<vmem_shared>>)
      tpu.yield
    }) : () -> ()
    %add3A_71 = arith.constant 128 : i32
    %add3A_72 = arith.addi %mul3A_70, %add3A_71 : i32
    "tpu.region"() ({
      %run_scoped3A = tpu.sem_alloc : memref<!tpu.dma_semaphore, #tpu.memory_space<semaphore_mem>>
      %dma_start3A = tpu.memref_slice %arg8[%add3A_72] : memref<10112xf32, #tpu.memory_space<vmem_shared>> -> memref<128xf32, #tpu.memory_space<vmem_shared>>
      %dma_start3A_89 = tpu.memref_slice %arg8[%add3A_72] : memref<10112xf32, #tpu.memory_space<vmem_shared>> -> memref<128xf32, #tpu.memory_space<vmem_shared>>
      tpu.enqueue_dma source(%arg5 : memref<128xf32, #tpu.memory_space<vmem>>) target(%dma_start3A_89 : memref<128xf32, #tpu.memory_space<vmem_shared>>) target_semaphore(%run_scoped3A : memref<!tpu.dma_semaphore, #tpu.memory_space<semaphore_mem>>)
      %dma_wait3A = tpu.memref_slice %arg8[%add3A_72] : memref<10112xf32, #tpu.memory_space<vmem_shared>> -> memref<128xf32, #tpu.memory_space<vmem_shared>>
      %dma_wait3A_90 = tpu.memref_slice %arg8[%add3A_72] : memref<10112xf32, #tpu.memory_space<vmem_shared>> -> memref<128xf32, #tpu.memory_space<vmem_shared>>
      tpu.wait_dma2 semaphore(%run_scoped3A : memref<!tpu.dma_semaphore, #tpu.memory_space<semaphore_mem>>) src(%arg5 : memref<128xf32, #tpu.memory_space<vmem>>) dst(%dma_wait3A_90 : memref<128xf32, #tpu.memory_space<vmem_shared>>)
      tpu.yield
    }) : () -> ()
    %add3A_73 = arith.constant 256 : i32
    %add3A_74 = arith.addi %mul3A_70, %add3A_73 : i32
    "tpu.region"() ({
      %run_scoped3A = tpu.sem_alloc : memref<!tpu.dma_semaphore, #tpu.memory_space<semaphore_mem>>
      %dma_start3A = tpu.memref_slice %arg8[%add3A_74] : memref<10112xf32, #tpu.memory_space<vmem_shared>> -> memref<128xf32, #tpu.memory_space<vmem_shared>>
      %dma_start3A_89 = tpu.memref_slice %arg8[%add3A_74] : memref<10112xf32, #tpu.memory_space<vmem_shared>> -> memref<128xf32, #tpu.memory_space<vmem_shared>>
      tpu.enqueue_dma source(%arg5 : memref<128xf32, #tpu.memory_space<vmem>>) target(%dma_start3A_89 : memref<128xf32, #tpu.memory_space<vmem_shared>>) target_semaphore(%run_scoped3A : memref<!tpu.dma_semaphore, #tpu.memory_space<semaphore_mem>>)
      %dma_wait3A = tpu.memref_slice %arg8[%add3A_74] : memref<10112xf32, #tpu.memory_space<vmem_shared>> -> memref<128xf32, #tpu.memory_space<vmem_shared>>
      %dma_wait3A_90 = tpu.memref_slice %arg8[%add3A_74] : memref<10112xf32, #tpu.memory_space<vmem_shared>> -> memref<128xf32, #tpu.memory_space<vmem_shared>>
      tpu.wait_dma2 semaphore(%run_scoped3A : memref<!tpu.dma_semaphore, #tpu.memory_space<semaphore_mem>>) src(%arg5 : memref<128xf32, #tpu.memory_space<vmem>>) dst(%dma_wait3A_90 : memref<128xf32, #tpu.memory_space<vmem_shared>>)
      tpu.yield
    }) : () -> ()
    %add3A_75 = arith.constant 384 : i32
    %add3A_76 = arith.addi %mul3A_70, %add3A_75 : i32
    "tpu.region"() ({
      %run_scoped3A = tpu.sem_alloc : memref<!tpu.dma_semaphore, #tpu.memory_space<semaphore_mem>>
      %dma_start3A = tpu.memref_slice %arg8[%add3A_76] : memref<10112xf32, #tpu.memory_space<vmem_shared>> -> memref<128xf32, #tpu.memory_space<vmem_shared>>
      %dma_start3A_89 = tpu.memref_slice %arg8[%add3A_76] : memref<10112xf32, #tpu.memory_space<vmem_shared>> -> memref<128xf32, #tpu.memory_space<vmem_shared>>
      tpu.enqueue_dma source(%arg5 : memref<128xf32, #tpu.memory_space<vmem>>) target(%dma_start3A_89 : memref<128xf32, #tpu.memory_space<vmem_shared>>) target_semaphore(%run_scoped3A : memref<!tpu.dma_semaphore, #tpu.memory_space<semaphore_mem>>)
      %dma_wait3A = tpu.memref_slice %arg8[%add3A_76] : memref<10112xf32, #tpu.memory_space<vmem_shared>> -> memref<128xf32, #tpu.memory_space<vmem_shared>>
      %dma_wait3A_90 = tpu.memref_slice %arg8[%add3A_76] : memref<10112xf32, #tpu.memory_space<vmem_shared>> -> memref<128xf32, #tpu.memory_space<vmem_shared>>
      tpu.wait_dma2 semaphore(%run_scoped3A : memref<!tpu.dma_semaphore, #tpu.memory_space<semaphore_mem>>) src(%arg5 : memref<128xf32, #tpu.memory_space<vmem>>) dst(%dma_wait3A_90 : memref<128xf32, #tpu.memory_space<vmem_shared>>)
      tpu.yield
    }) : () -> ()
    %add3A_77 = arith.constant 512 : i32
    %add3A_78 = arith.addi %mul3A_70, %add3A_77 : i32
    "tpu.region"() ({
      %run_scoped3A = tpu.sem_alloc : memref<!tpu.dma_semaphore, #tpu.memory_space<semaphore_mem>>
      %dma_start3A = arith.constant 0 : i32
      %dma_start3A_89 = tpu.memref_slice %arg5[%dma_start3A] : memref<128xf32, #tpu.memory_space<vmem>> -> memref<120xf32, #tpu.memory_space<vmem>>
      %dma_start3A_90 = tpu.memref_slice %arg8[%add3A_78] : memref<10112xf32, #tpu.memory_space<vmem_shared>> -> memref<120xf32, #tpu.memory_space<vmem_shared>>
      %dma_start3A_91 = tpu.memref_slice %arg8[%add3A_78] : memref<10112xf32, #tpu.memory_space<vmem_shared>> -> memref<120xf32, #tpu.memory_space<vmem_shared>>
      %dma_start3A_92 = arith.constant 0 : i32
      %dma_start3A_93 = tpu.memref_slice %arg5[%dma_start3A_92] : memref<128xf32, #tpu.memory_space<vmem>> -> memref<120xf32, #tpu.memory_space<vmem>>
      tpu.enqueue_dma source(%dma_start3A_93 : memref<120xf32, #tpu.memory_space<vmem>>) target(%dma_start3A_91 : memref<120xf32, #tpu.memory_space<vmem_shared>>) target_semaphore(%run_scoped3A : memref<!tpu.dma_semaphore, #tpu.memory_space<semaphore_mem>>)
      %dma_wait3A = arith.constant 0 : i32
      %dma_wait3A_94 = tpu.memref_slice %arg5[%dma_wait3A] : memref<128xf32, #tpu.memory_space<vmem>> -> memref<120xf32, #tpu.memory_space<vmem>>
      %dma_wait3A_95 = tpu.memref_slice %arg8[%add3A_78] : memref<10112xf32, #tpu.memory_space<vmem_shared>> -> memref<120xf32, #tpu.memory_space<vmem_shared>>
      %dma_wait3A_96 = tpu.memref_slice %arg8[%add3A_78] : memref<10112xf32, #tpu.memory_space<vmem_shared>> -> memref<120xf32, #tpu.memory_space<vmem_shared>>
      %dma_wait3A_97 = arith.constant 0 : i32
      %dma_wait3A_98 = tpu.memref_slice %arg5[%dma_wait3A_97] : memref<128xf32, #tpu.memory_space<vmem>> -> memref<120xf32, #tpu.memory_space<vmem>>
      tpu.wait_dma2 semaphore(%run_scoped3A : memref<!tpu.dma_semaphore, #tpu.memory_space<semaphore_mem>>) src(%dma_wait3A_98 : memref<120xf32, #tpu.memory_space<vmem>>) dst(%dma_wait3A_96 : memref<120xf32, #tpu.memory_space<vmem_shared>>)
      tpu.yield
    }) : () -> ()
    %barrier3A = arith.constant 0 : index
    tpu.barrier barrier_id(%barrier3A)
    %scan3A = arith.constant 0 : i32
    %scan3A_79 = arith.constant 0 : i32
    %scan3A_80 = arith.constant 80 : i32
    %scan3A_81 = arith.addi %scan3A_79, %scan3A_80 : i32
    %scan3A_82 = arith.constant 1 : i32
    %scan3A_83 = scf.for %scan3A_89 = %scan3A_79 to %scan3A_81 step %scan3A_82 iter_args(%scan3A_90 = %scan3A) -> (i32)  : i32 {
      "tpu.region"() ({
        %run_scoped3A = tpu.sem_alloc : memref<!tpu.dma_semaphore, #tpu.memory_space<semaphore_mem>>
        %dma_start3A = arith.constant 0 : i32
        %dma_start3A_92 = tpu.memref_slice %arg4[%scan3A_89, %dma_start3A] : memref<80x128xi32, #tpu.memory_space<vmem>> -> memref<1x128xi32, #tpu.memory_space<vmem>>
        %dma_start3A_93 = tpu.memref_squeeze %dma_start3A_92 : memref<1x128xi32, #tpu.memory_space<vmem>> -> memref<128xi32, #tpu.memory_space<vmem>>
        %dma_start3A_94 = arith.constant 0 : i32
        %dma_start3A_95 = tpu.memref_slice %arg8[%dma_start3A_94] : memref<10112xf32, #tpu.memory_space<vmem_shared>> -> memref<10112xf32, #tpu.memory_space<vmem_shared>>
        tpu.enqueue_indirect_dma source(%arg6 : memref<128xf32, #tpu.memory_space<vmem>>) target(%dma_start3A_95 : memref<10112xf32, #tpu.memory_space<vmem_shared>>) offsets(%dma_start3A_93 : memref<128xi32, #tpu.memory_space<vmem>>) semaphore(%run_scoped3A : memref<!tpu.dma_semaphore, #tpu.memory_space<semaphore_mem>>) {add = true}
        %dma_wait3A = arith.constant 0 : i32
        %dma_wait3A_96 = tpu.memref_slice %arg4[%scan3A_89, %dma_wait3A] : memref<80x128xi32, #tpu.memory_space<vmem>> -> memref<1x128xi32, #tpu.memory_space<vmem>>
        %dma_wait3A_97 = tpu.memref_squeeze %dma_wait3A_96 : memref<1x128xi32, #tpu.memory_space<vmem>> -> memref<128xi32, #tpu.memory_space<vmem>>
        %dma_wait3A_98 = arith.constant 0 : i32
        %dma_wait3A_99 = tpu.memref_slice %arg8[%dma_wait3A_98] : memref<10112xf32, #tpu.memory_space<vmem_shared>> -> memref<10112xf32, #tpu.memory_space<vmem_shared>>
        tpu.wait_indirect_dma semaphore(%run_scoped3A : memref<!tpu.dma_semaphore, #tpu.memory_space<semaphore_mem>>) src(%arg6 : memref<128xf32, #tpu.memory_space<vmem>>) dst(%dma_wait3A_99 : memref<10112xf32, #tpu.memory_space<vmem_shared>>)
        tpu.yield
      }) : () -> ()
      %scan3A_91 = arith.constant 0 : i32
      scf.yield %scan3A_91 : i32
    }
    %scan3A_84 = arith.constant 80 : i32
    %barrier3A_85 = arith.constant 0 : index
    tpu.barrier barrier_id(%barrier3A_85)
    "tpu.region"() ({
      %run_scoped3A = tpu.sem_alloc : memref<!tpu.dma_semaphore, #tpu.memory_space<semaphore_mem>>
      %dma_start3A = tpu.memref_slice %arg8[%mul3A_70] : memref<10112xf32, #tpu.memory_space<vmem_shared>> -> memref<632xf32, #tpu.memory_space<vmem_shared>>
      %dma_start3A_89 = tpu.memref_slice %arg8[%mul3A_70] : memref<10112xf32, #tpu.memory_space<vmem_shared>> -> memref<632xf32, #tpu.memory_space<vmem_shared>>
      tpu.enqueue_dma source(%dma_start3A_89 : memref<632xf32, #tpu.memory_space<vmem_shared>>) target(%arg7 : memref<632xf32, #tpu.memory_space<vmem>>) target_semaphore(%run_scoped3A : memref<!tpu.dma_semaphore, #tpu.memory_space<semaphore_mem>>)
      %dma_wait3A = tpu.memref_slice %arg8[%mul3A_70] : memref<10112xf32, #tpu.memory_space<vmem_shared>> -> memref<632xf32, #tpu.memory_space<vmem_shared>>
      %dma_wait3A_90 = tpu.memref_slice %arg8[%mul3A_70] : memref<10112xf32, #tpu.memory_space<vmem_shared>> -> memref<632xf32, #tpu.memory_space<vmem_shared>>
      tpu.wait_dma2 semaphore(%run_scoped3A : memref<!tpu.dma_semaphore, #tpu.memory_space<semaphore_mem>>) src(%dma_wait3A_90 : memref<632xf32, #tpu.memory_space<vmem_shared>>) dst(%arg7 : memref<632xf32, #tpu.memory_space<vmem>>)
      tpu.yield
    }) : () -> ()
    %mul3A_86 = arith.constant 10112 : i32
    %mul3A_87 = arith.muli %arg0, %mul3A_86 : i32
    %add3A_88 = arith.addi %mul3A_87, %mul3A_70 : i32
    "tpu.region"() ({
      %run_scoped3A = tpu.sem_alloc : memref<!tpu.dma_semaphore, #tpu.memory_space<semaphore_mem>>
      %dma_start3A = tpu.memref_slice %arg3[%add3A_88] : memref<20224xf32, #tpu.memory_space<hbm>> -> memref<632xf32, #tpu.memory_space<hbm>>
      %dma_start3A_89 = tpu.memref_slice %arg3[%add3A_88] : memref<20224xf32, #tpu.memory_space<hbm>> -> memref<632xf32, #tpu.memory_space<hbm>>
      tpu.enqueue_dma source(%arg7 : memref<632xf32, #tpu.memory_space<vmem>>) target(%dma_start3A_89 : memref<632xf32, #tpu.memory_space<hbm>>) target_semaphore(%run_scoped3A : memref<!tpu.dma_semaphore, #tpu.memory_space<semaphore_mem>>)
      %dma_wait3A = tpu.memref_slice %arg3[%add3A_88] : memref<20224xf32, #tpu.memory_space<hbm>> -> memref<632xf32, #tpu.memory_space<hbm>>
      %dma_wait3A_90 = tpu.memref_slice %arg3[%add3A_88] : memref<20224xf32, #tpu.memory_space<hbm>> -> memref<632xf32, #tpu.memory_space<hbm>>
      tpu.wait_dma2 semaphore(%run_scoped3A : memref<!tpu.dma_semaphore, #tpu.memory_space<semaphore_mem>>) src(%arg7 : memref<632xf32, #tpu.memory_space<vmem>>) dst(%dma_wait3A_90 : memref<632xf32, #tpu.memory_space<hbm>>)
      tpu.yield
    }) : () -> ()
    return
  }
}

#map = affine_map<(d0, d1) -> (0, 0)>
#map1 = affine_map<(d0, d1) -> (0, 0, 0)>
module attributes {stable_mosaic.version = 14 : i64} {
  func.func @_scatter_body(%arg0: i32, %arg1: i32, %arg2: memref<10000x128xf32, #tpu.memory_space<hbm>>, %arg3: memref<2560x128xi32, #tpu.memory_space<hbm>>, %arg4: memref<2560x128xi32, #tpu.memory_space<hbm>>, %arg5: memref<2x10112x128xf32, #tpu.memory_space<hbm>>, %arg6: memref<8x128xi32, #tpu.memory_space<vmem>>, %arg7: memref<8x128xi32, #tpu.memory_space<vmem>>, %arg8: memref<128x128xf32, #tpu.memory_space<vmem>>, %arg9: memref<128x128xf32, #tpu.memory_space<vmem>>, %arg10: memref<!tpu.dma_semaphore, #tpu.memory_space<semaphore_mem>>, %arg11: memref<!tpu.dma_semaphore, #tpu.memory_space<semaphore_mem>>, %arg12: memref<10112x128xf32, #tpu.memory_space<vmem_shared>>) attributes {dimension_semantics = [#tpu.dimension_semantics<core_parallel>, #tpu.dimension_semantics<subcore_parallel>], iteration_bounds = array<i64: 2, 16>, scalar_prefetch = 0 : i64, scratch_operands = 7 : i64, tpu.core_type = #tpu.core_type<sc_vector_subcore>, window_params = [{transform_indices = #map}, {transform_indices = #map}, {transform_indices = #map}, {transform_indices = #map1}]} {
    %mul3A = arith.constant 632 : i32
    %mul3A_0 = arith.muli %arg1, %mul3A : i32
    %broadcast_in_dim3A = arith.constant 0.000000e+00 : f32
    "tpu.trace_start"() <{level = 10 : i32, message = "zero_acc"}> : () -> ()
    %broadcast_in_dim3A_1 = vector.broadcast %broadcast_in_dim3A : f32 to vector<16xf32>
    %scan3A = arith.constant 0 : i32
    %scan3A_2 = arith.constant 0 : i32
    %scan3A_3 = arith.constant 128 : i32
    %scan3A_4 = arith.addi %scan3A_2, %scan3A_3 : i32
    %scan3A_5 = arith.constant 1 : i32
    %scan3A_6 = scf.for %scan3A_43 = %scan3A_2 to %scan3A_4 step %scan3A_5 iter_args(%scan3A_44 = %scan3A) -> (i32)  : i32 {
      %swap3A = arith.index_cast %scan3A_43 : i32 to index
      %swap3A_45 = arith.constant 0 : index
      %swap3A_46 = tpu.vector_load %arg8[%swap3A, %swap3A_45] {strides = array<i32>} : memref<128x128xf32, #tpu.memory_space<vmem>>, vector<1x16xf32>,
      %swap3A_47 = vector.shape_cast %swap3A_46 : vector<1x16xf32> to vector<16xf32>
      %swap3A_48 = vector.shape_cast %broadcast_in_dim3A_1 : vector<16xf32> to vector<1x16xf32>
      tpu.vector_store %arg8[%swap3A, %swap3A_45], %swap3A_48 {strides = array<i32>} : memref<128x128xf32, #tpu.memory_space<vmem>>, vector<1x16xf32>,
      %swap3A_49 = arith.index_cast %scan3A_43 : i32 to index
      %swap3A_50 = arith.constant 16 : index
      %swap3A_51 = tpu.vector_load %arg8[%swap3A_49, %swap3A_50] {strides = array<i32>} : memref<128x128xf32, #tpu.memory_space<vmem>>, vector<1x16xf32>,
      %swap3A_52 = vector.shape_cast %swap3A_51 : vector<1x16xf32> to vector<16xf32>
      %swap3A_53 = vector.shape_cast %broadcast_in_dim3A_1 : vector<16xf32> to vector<1x16xf32>
      tpu.vector_store %arg8[%swap3A_49, %swap3A_50], %swap3A_53 {strides = array<i32>} : memref<128x128xf32, #tpu.memory_space<vmem>>, vector<1x16xf32>,
      %swap3A_54 = arith.index_cast %scan3A_43 : i32 to index
      %swap3A_55 = arith.constant 32 : index
      %swap3A_56 = tpu.vector_load %arg8[%swap3A_54, %swap3A_55] {strides = array<i32>} : memref<128x128xf32, #tpu.memory_space<vmem>>, vector<1x16xf32>,
      %swap3A_57 = vector.shape_cast %swap3A_56 : vector<1x16xf32> to vector<16xf32>
      %swap3A_58 = vector.shape_cast %broadcast_in_dim3A_1 : vector<16xf32> to vector<1x16xf32>
      tpu.vector_store %arg8[%swap3A_54, %swap3A_55], %swap3A_58 {strides = array<i32>} : memref<128x128xf32, #tpu.memory_space<vmem>>, vector<1x16xf32>,
      %swap3A_59 = arith.index_cast %scan3A_43 : i32 to index
      %swap3A_60 = arith.constant 48 : index
      %swap3A_61 = tpu.vector_load %arg8[%swap3A_59, %swap3A_60] {strides = array<i32>} : memref<128x128xf32, #tpu.memory_space<vmem>>, vector<1x16xf32>,
      %swap3A_62 = vector.shape_cast %swap3A_61 : vector<1x16xf32> to vector<16xf32>
      %swap3A_63 = vector.shape_cast %broadcast_in_dim3A_1 : vector<16xf32> to vector<1x16xf32>
      tpu.vector_store %arg8[%swap3A_59, %swap3A_60], %swap3A_63 {strides = array<i32>} : memref<128x128xf32, #tpu.memory_space<vmem>>, vector<1x16xf32>,
      %swap3A_64 = arith.index_cast %scan3A_43 : i32 to index
      %swap3A_65 = arith.constant 64 : index
      %swap3A_66 = tpu.vector_load %arg8[%swap3A_64, %swap3A_65] {strides = array<i32>} : memref<128x128xf32, #tpu.memory_space<vmem>>, vector<1x16xf32>,
      %swap3A_67 = vector.shape_cast %swap3A_66 : vector<1x16xf32> to vector<16xf32>
      %swap3A_68 = vector.shape_cast %broadcast_in_dim3A_1 : vector<16xf32> to vector<1x16xf32>
      tpu.vector_store %arg8[%swap3A_64, %swap3A_65], %swap3A_68 {strides = array<i32>} : memref<128x128xf32, #tpu.memory_space<vmem>>, vector<1x16xf32>,
      %swap3A_69 = arith.index_cast %scan3A_43 : i32 to index
      %swap3A_70 = arith.constant 80 : index
      %swap3A_71 = tpu.vector_load %arg8[%swap3A_69, %swap3A_70] {strides = array<i32>} : memref<128x128xf32, #tpu.memory_space<vmem>>, vector<1x16xf32>,
      %swap3A_72 = vector.shape_cast %swap3A_71 : vector<1x16xf32> to vector<16xf32>
      %swap3A_73 = vector.shape_cast %broadcast_in_dim3A_1 : vector<16xf32> to vector<1x16xf32>
      tpu.vector_store %arg8[%swap3A_69, %swap3A_70], %swap3A_73 {strides = array<i32>} : memref<128x128xf32, #tpu.memory_space<vmem>>, vector<1x16xf32>,
      %swap3A_74 = arith.index_cast %scan3A_43 : i32 to index
      %swap3A_75 = arith.constant 96 : index
      %swap3A_76 = tpu.vector_load %arg8[%swap3A_74, %swap3A_75] {strides = array<i32>} : memref<128x128xf32, #tpu.memory_space<vmem>>, vector<1x16xf32>,
      %swap3A_77 = vector.shape_cast %swap3A_76 : vector<1x16xf32> to vector<16xf32>
      %swap3A_78 = vector.shape_cast %broadcast_in_dim3A_1 : vector<16xf32> to vector<1x16xf32>
      tpu.vector_store %arg8[%swap3A_74, %swap3A_75], %swap3A_78 {strides = array<i32>} : memref<128x128xf32, #tpu.memory_space<vmem>>, vector<1x16xf32>,
      %swap3A_79 = arith.index_cast %scan3A_43 : i32 to index
      %swap3A_80 = arith.constant 112 : index
      %swap3A_81 = tpu.vector_load %arg8[%swap3A_79, %swap3A_80] {strides = array<i32>} : memref<128x128xf32, #tpu.memory_space<vmem>>, vector<1x16xf32>,
      %swap3A_82 = vector.shape_cast %swap3A_81 : vector<1x16xf32> to vector<16xf32>
      %swap3A_83 = vector.shape_cast %broadcast_in_dim3A_1 : vector<16xf32> to vector<1x16xf32>
      tpu.vector_store %arg8[%swap3A_79, %swap3A_80], %swap3A_83 {strides = array<i32>} : memref<128x128xf32, #tpu.memory_space<vmem>>, vector<1x16xf32>,
      %scan3A_84 = arith.constant 0 : i32
      scf.yield %scan3A_84 : i32
    }
    %scan3A_7 = arith.constant 128 : i32
    %add3A = arith.constant 0 : i32
    %add3A_8 = arith.addi %mul3A_0, %add3A : i32
    "tpu.region"() ({
      %run_scoped3A = tpu.sem_alloc : memref<!tpu.dma_semaphore, #tpu.memory_space<semaphore_mem>>
      %dma_start3A = arith.constant 0 : i32
      %dma_start3A_43 = tpu.memref_slice %arg12[%add3A_8, %dma_start3A] : memref<10112x128xf32, #tpu.memory_space<vmem_shared>> -> memref<128x128xf32, #tpu.memory_space<vmem_shared>>
      %dma_start3A_44 = arith.constant 0 : i32
      %dma_start3A_45 = tpu.memref_slice %arg12[%add3A_8, %dma_start3A_44] : memref<10112x128xf32, #tpu.memory_space<vmem_shared>> -> memref<128x128xf32, #tpu.memory_space<vmem_shared>>
      tpu.enqueue_dma source(%arg8 : memref<128x128xf32, #tpu.memory_space<vmem>>) target(%dma_start3A_45 : memref<128x128xf32, #tpu.memory_space<vmem_shared>>) target_semaphore(%run_scoped3A : memref<!tpu.dma_semaphore, #tpu.memory_space<semaphore_mem>>)
      %dma_wait3A = arith.constant 0 : i32
      %dma_wait3A_46 = tpu.memref_slice %arg12[%add3A_8, %dma_wait3A] : memref<10112x128xf32, #tpu.memory_space<vmem_shared>> -> memref<128x128xf32, #tpu.memory_space<vmem_shared>>
      %dma_wait3A_47 = arith.constant 0 : i32
      %dma_wait3A_48 = tpu.memref_slice %arg12[%add3A_8, %dma_wait3A_47] : memref<10112x128xf32, #tpu.memory_space<vmem_shared>> -> memref<128x128xf32, #tpu.memory_space<vmem_shared>>
      tpu.wait_dma2 semaphore(%run_scoped3A : memref<!tpu.dma_semaphore, #tpu.memory_space<semaphore_mem>>) src(%arg8 : memref<128x128xf32, #tpu.memory_space<vmem>>) dst(%dma_wait3A_48 : memref<128x128xf32, #tpu.memory_space<vmem_shared>>)
      tpu.yield
    }) : () -> ()
    %add3A_9 = arith.constant 128 : i32
    %add3A_10 = arith.addi %mul3A_0, %add3A_9 : i32
    "tpu.region"() ({
      %run_scoped3A = tpu.sem_alloc : memref<!tpu.dma_semaphore, #tpu.memory_space<semaphore_mem>>
      %dma_start3A = arith.constant 0 : i32
      %dma_start3A_43 = tpu.memref_slice %arg12[%add3A_10, %dma_start3A] : memref<10112x128xf32, #tpu.memory_space<vmem_shared>> -> memref<128x128xf32, #tpu.memory_space<vmem_shared>>
      %dma_start3A_44 = arith.constant 0 : i32
      %dma_start3A_45 = tpu.memref_slice %arg12[%add3A_10, %dma_start3A_44] : memref<10112x128xf32, #tpu.memory_space<vmem_shared>> -> memref<128x128xf32, #tpu.memory_space<vmem_shared>>
      tpu.enqueue_dma source(%arg8 : memref<128x128xf32, #tpu.memory_space<vmem>>) target(%dma_start3A_45 : memref<128x128xf32, #tpu.memory_space<vmem_shared>>) target_semaphore(%run_scoped3A : memref<!tpu.dma_semaphore, #tpu.memory_space<semaphore_mem>>)
      %dma_wait3A = arith.constant 0 : i32
      %dma_wait3A_46 = tpu.memref_slice %arg12[%add3A_10, %dma_wait3A] : memref<10112x128xf32, #tpu.memory_space<vmem_shared>> -> memref<128x128xf32, #tpu.memory_space<vmem_shared>>
      %dma_wait3A_47 = arith.constant 0 : i32
      %dma_wait3A_48 = tpu.memref_slice %arg12[%add3A_10, %dma_wait3A_47] : memref<10112x128xf32, #tpu.memory_space<vmem_shared>> -> memref<128x128xf32, #tpu.memory_space<vmem_shared>>
      tpu.wait_dma2 semaphore(%run_scoped3A : memref<!tpu.dma_semaphore, #tpu.memory_space<semaphore_mem>>) src(%arg8 : memref<128x128xf32, #tpu.memory_space<vmem>>) dst(%dma_wait3A_48 : memref<128x128xf32, #tpu.memory_space<vmem_shared>>)
      tpu.yield
    }) : () -> ()
    %add3A_11 = arith.constant 256 : i32
    %add3A_12 = arith.addi %mul3A_0, %add3A_11 : i32
    "tpu.region"() ({
      %run_scoped3A = tpu.sem_alloc : memref<!tpu.dma_semaphore, #tpu.memory_space<semaphore_mem>>
      %dma_start3A = arith.constant 0 : i32
      %dma_start3A_43 = tpu.memref_slice %arg12[%add3A_12, %dma_start3A] : memref<10112x128xf32, #tpu.memory_space<vmem_shared>> -> memref<128x128xf32, #tpu.memory_space<vmem_shared>>
      %dma_start3A_44 = arith.constant 0 : i32
      %dma_start3A_45 = tpu.memref_slice %arg12[%add3A_12, %dma_start3A_44] : memref<10112x128xf32, #tpu.memory_space<vmem_shared>> -> memref<128x128xf32, #tpu.memory_space<vmem_shared>>
      tpu.enqueue_dma source(%arg8 : memref<128x128xf32, #tpu.memory_space<vmem>>) target(%dma_start3A_45 : memref<128x128xf32, #tpu.memory_space<vmem_shared>>) target_semaphore(%run_scoped3A : memref<!tpu.dma_semaphore, #tpu.memory_space<semaphore_mem>>)
      %dma_wait3A = arith.constant 0 : i32
      %dma_wait3A_46 = tpu.memref_slice %arg12[%add3A_12, %dma_wait3A] : memref<10112x128xf32, #tpu.memory_space<vmem_shared>> -> memref<128x128xf32, #tpu.memory_space<vmem_shared>>
      %dma_wait3A_47 = arith.constant 0 : i32
      %dma_wait3A_48 = tpu.memref_slice %arg12[%add3A_12, %dma_wait3A_47] : memref<10112x128xf32, #tpu.memory_space<vmem_shared>> -> memref<128x128xf32, #tpu.memory_space<vmem_shared>>
      tpu.wait_dma2 semaphore(%run_scoped3A : memref<!tpu.dma_semaphore, #tpu.memory_space<semaphore_mem>>) src(%arg8 : memref<128x128xf32, #tpu.memory_space<vmem>>) dst(%dma_wait3A_48 : memref<128x128xf32, #tpu.memory_space<vmem_shared>>)
      tpu.yield
    }) : () -> ()
    %add3A_13 = arith.constant 384 : i32
    %add3A_14 = arith.addi %mul3A_0, %add3A_13 : i32
    "tpu.region"() ({
      %run_scoped3A = tpu.sem_alloc : memref<!tpu.dma_semaphore, #tpu.memory_space<semaphore_mem>>
      %dma_start3A = arith.constant 0 : i32
      %dma_start3A_43 = tpu.memref_slice %arg12[%add3A_14, %dma_start3A] : memref<10112x128xf32, #tpu.memory_space<vmem_shared>> -> memref<128x128xf32, #tpu.memory_space<vmem_shared>>
      %dma_start3A_44 = arith.constant 0 : i32
      %dma_start3A_45 = tpu.memref_slice %arg12[%add3A_14, %dma_start3A_44] : memref<10112x128xf32, #tpu.memory_space<vmem_shared>> -> memref<128x128xf32, #tpu.memory_space<vmem_shared>>
      tpu.enqueue_dma source(%arg8 : memref<128x128xf32, #tpu.memory_space<vmem>>) target(%dma_start3A_45 : memref<128x128xf32, #tpu.memory_space<vmem_shared>>) target_semaphore(%run_scoped3A : memref<!tpu.dma_semaphore, #tpu.memory_space<semaphore_mem>>)
      %dma_wait3A = arith.constant 0 : i32
      %dma_wait3A_46 = tpu.memref_slice %arg12[%add3A_14, %dma_wait3A] : memref<10112x128xf32, #tpu.memory_space<vmem_shared>> -> memref<128x128xf32, #tpu.memory_space<vmem_shared>>
      %dma_wait3A_47 = arith.constant 0 : i32
      %dma_wait3A_48 = tpu.memref_slice %arg12[%add3A_14, %dma_wait3A_47] : memref<10112x128xf32, #tpu.memory_space<vmem_shared>> -> memref<128x128xf32, #tpu.memory_space<vmem_shared>>
      tpu.wait_dma2 semaphore(%run_scoped3A : memref<!tpu.dma_semaphore, #tpu.memory_space<semaphore_mem>>) src(%arg8 : memref<128x128xf32, #tpu.memory_space<vmem>>) dst(%dma_wait3A_48 : memref<128x128xf32, #tpu.memory_space<vmem_shared>>)
      tpu.yield
    }) : () -> ()
    %add3A_15 = arith.constant 512 : i32
    %add3A_16 = arith.addi %mul3A_0, %add3A_15 : i32
    "tpu.region"() ({
      %run_scoped3A = tpu.sem_alloc : memref<!tpu.dma_semaphore, #tpu.memory_space<semaphore_mem>>
      %dma_start3A = arith.constant 0 : i32
      %dma_start3A_43 = arith.constant 0 : i32
      %dma_start3A_44 = tpu.memref_slice %arg8[%dma_start3A, %dma_start3A_43] : memref<128x128xf32, #tpu.memory_space<vmem>> -> memref<120x128xf32, #tpu.memory_space<vmem>>
      %dma_start3A_45 = arith.constant 0 : i32
      %dma_start3A_46 = tpu.memref_slice %arg12[%add3A_16, %dma_start3A_45] : memref<10112x128xf32, #tpu.memory_space<vmem_shared>> -> memref<120x128xf32, #tpu.memory_space<vmem_shared>>
      %dma_start3A_47 = arith.constant 0 : i32
      %dma_start3A_48 = tpu.memref_slice %arg12[%add3A_16, %dma_start3A_47] : memref<10112x128xf32, #tpu.memory_space<vmem_shared>> -> memref<120x128xf32, #tpu.memory_space<vmem_shared>>
      %dma_start3A_49 = arith.constant 0 : i32
      %dma_start3A_50 = arith.constant 0 : i32
      %dma_start3A_51 = tpu.memref_slice %arg8[%dma_start3A_49, %dma_start3A_50] : memref<128x128xf32, #tpu.memory_space<vmem>> -> memref<120x128xf32, #tpu.memory_space<vmem>>
      tpu.enqueue_dma source(%dma_start3A_51 : memref<120x128xf32, #tpu.memory_space<vmem>>) target(%dma_start3A_48 : memref<120x128xf32, #tpu.memory_space<vmem_shared>>) target_semaphore(%run_scoped3A : memref<!tpu.dma_semaphore, #tpu.memory_space<semaphore_mem>>)
      %dma_wait3A = arith.constant 0 : i32
      %dma_wait3A_52 = arith.constant 0 : i32
      %dma_wait3A_53 = tpu.memref_slice %arg8[%dma_wait3A, %dma_wait3A_52] : memref<128x128xf32, #tpu.memory_space<vmem>> -> memref<120x128xf32, #tpu.memory_space<vmem>>
      %dma_wait3A_54 = arith.constant 0 : i32
      %dma_wait3A_55 = tpu.memref_slice %arg12[%add3A_16, %dma_wait3A_54] : memref<10112x128xf32, #tpu.memory_space<vmem_shared>> -> memref<120x128xf32, #tpu.memory_space<vmem_shared>>
      %dma_wait3A_56 = arith.constant 0 : i32
      %dma_wait3A_57 = tpu.memref_slice %arg12[%add3A_16, %dma_wait3A_56] : memref<10112x128xf32, #tpu.memory_space<vmem_shared>> -> memref<120x128xf32, #tpu.memory_space<vmem_shared>>
      %dma_wait3A_58 = arith.constant 0 : i32
      %dma_wait3A_59 = arith.constant 0 : i32
      %dma_wait3A_60 = tpu.memref_slice %arg8[%dma_wait3A_58, %dma_wait3A_59] : memref<128x128xf32, #tpu.memory_space<vmem>> -> memref<120x128xf32, #tpu.memory_space<vmem>>
      tpu.wait_dma2 semaphore(%run_scoped3A : memref<!tpu.dma_semaphore, #tpu.memory_space<semaphore_mem>>) src(%dma_wait3A_60 : memref<120x128xf32, #tpu.memory_space<vmem>>) dst(%dma_wait3A_57 : memref<120x128xf32, #tpu.memory_space<vmem_shared>>)
      tpu.yield
    }) : () -> ()
    %barrier3A = arith.constant 0 : index
    tpu.barrier barrier_id(%barrier3A)
    %eq3A = arith.constant 0 : i32
    "tpu.trace_stop"() : () -> ()
    %eq3A_17 = arith.cmpi eq, %arg0, %eq3A : i32
    %select_n3A = arith.constant 1 : i32
    %select_n3A_18 = arith.constant 19 : i32
    %select_n3A_19 = arith.select %eq3A_17, %select_n3A_18, %select_n3A : i32
    %eq3A_20 = arith.constant 0 : i32
    %eq3A_21 = arith.cmpi eq, %arg0, %eq3A_20 : i32
    %mul3A_22 = arith.constant 152 : i32
    %mul3A_23 = arith.muli %arg1, %mul3A_22 : i32
    %mul3A_24 = arith.constant 8 : i32
    %mul3A_25 = arith.muli %arg1, %mul3A_24 : i32
    %add3A_26 = arith.constant 2432 : i32
    %add3A_27 = arith.addi %add3A_26, %mul3A_25 : i32
    %select_n3A_28 = arith.select %eq3A_21, %mul3A_23, %add3A_27 : i32
    %while3A = arith.constant 0 : i32
    %while3A_29 = arith.constant 0 : i32
    "tpu.trace_start"() <{level = 10 : i32, message = "edge_loop"}> : () -> ()
    %while3A_30 = arith.subi %select_n3A_19, %while3A : i32
    %while3A_31 = arith.addi %while3A, %while3A_30 : i32
    %while3A_32 = arith.constant 1 : i32
    %while3A_33 = arith.divsi %while3A_30, %while3A_32 : i32
    %while3A_34 = arith.muli %while3A_33, %while3A_32 : i32
    %while3A_35 = arith.addi %while3A, %while3A_34 : i32
    %while3A_36 = arith.constant 1 : i32
    %while3A_37 = scf.for %while3A_43 = %while3A to %while3A_35 step %while3A_36 iter_args(%while3A_44 = %while3A_29) -> (i32)  : i32 {
      %gt3A_45 = arith.constant 0 : i32
      %gt3A_46 = arith.cmpi sgt, %while3A_43, %gt3A_45 : i32
      %convert_element_type3A_47 = arith.extui %gt3A_46 : i1 to i32
      %cond3A_48 = arith.constant 0 : i32
      %cond3A_49 = arith.cmpi ne, %convert_element_type3A_47, %cond3A_48 : i32
      scf.if %cond3A_49 {
        %dma_wait3A = arith.constant 0 : i32
        %dma_wait3A_64 = arith.constant 0 : i32
        %dma_wait3A_65 = tpu.memref_slice %arg2[%dma_wait3A, %dma_wait3A_64] : memref<10000x128xf32, #tpu.memory_space<hbm>> -> memref<128x128xf32, #tpu.memory_space<hbm>>
        %dma_wait3A_66 = arith.constant 0 : i32
        %dma_wait3A_67 = arith.constant 0 : i32
        %dma_wait3A_68 = tpu.memref_slice %arg2[%dma_wait3A_66, %dma_wait3A_67] : memref<10000x128xf32, #tpu.memory_space<hbm>> -> memref<128x128xf32, #tpu.memory_space<hbm>>
        tpu.wait_dma2 semaphore(%arg10 : memref<!tpu.dma_semaphore, #tpu.memory_space<semaphore_mem>>) src(%dma_wait3A_68 : memref<128x128xf32, #tpu.memory_space<hbm>>) dst(%arg8 : memref<128x128xf32, #tpu.memory_space<vmem>>)
        %dma_wait3A_69 = arith.constant 0 : i32
        %dma_wait3A_70 = arith.constant 0 : i32
        %dma_wait3A_71 = tpu.memref_slice %arg2[%dma_wait3A_69, %dma_wait3A_70] : memref<10000x128xf32, #tpu.memory_space<hbm>> -> memref<128x128xf32, #tpu.memory_space<hbm>>
        %dma_wait3A_72 = arith.constant 0 : i32
        %dma_wait3A_73 = arith.constant 0 : i32
        %dma_wait3A_74 = tpu.memref_slice %arg2[%dma_wait3A_72, %dma_wait3A_73] : memref<10000x128xf32, #tpu.memory_space<hbm>> -> memref<128x128xf32, #tpu.memory_space<hbm>>
        tpu.wait_dma2 semaphore(%arg11 : memref<!tpu.dma_semaphore, #tpu.memory_space<semaphore_mem>>) src(%dma_wait3A_74 : memref<128x128xf32, #tpu.memory_space<hbm>>) dst(%arg9 : memref<128x128xf32, #tpu.memory_space<vmem>>)
      } else {
      }
      %mul3A_50 = arith.constant 8 : i32
      %mul3A_51 = arith.muli %while3A_43, %mul3A_50 : i32
      %add3A_52 = arith.addi %select_n3A_28, %mul3A_51 : i32
      "tpu.region"() ({
        %run_scoped3A = tpu.sem_alloc : memref<!tpu.dma_semaphore, #tpu.memory_space<semaphore_mem>>
        %dma_start3A = arith.constant 0 : i32
        %dma_start3A_64 = tpu.memref_slice %arg3[%add3A_52, %dma_start3A] : memref<2560x128xi32, #tpu.memory_space<hbm>> -> memref<8x128xi32, #tpu.memory_space<hbm>>
        %dma_start3A_65 = arith.constant 0 : i32
        %dma_start3A_66 = tpu.memref_slice %arg3[%add3A_52, %dma_start3A_65] : memref<2560x128xi32, #tpu.memory_space<hbm>> -> memref<8x128xi32, #tpu.memory_space<hbm>>
        tpu.enqueue_dma source(%dma_start3A_66 : memref<8x128xi32, #tpu.memory_space<hbm>>) target(%arg6 : memref<8x128xi32, #tpu.memory_space<vmem>>) target_semaphore(%run_scoped3A : memref<!tpu.dma_semaphore, #tpu.memory_space<semaphore_mem>>)
        %dma_wait3A = arith.constant 0 : i32
        %dma_wait3A_67 = tpu.memref_slice %arg3[%add3A_52, %dma_wait3A] : memref<2560x128xi32, #tpu.memory_space<hbm>> -> memref<8x128xi32, #tpu.memory_space<hbm>>
        %dma_wait3A_68 = arith.constant 0 : i32
        %dma_wait3A_69 = tpu.memref_slice %arg3[%add3A_52, %dma_wait3A_68] : memref<2560x128xi32, #tpu.memory_space<hbm>> -> memref<8x128xi32, #tpu.memory_space<hbm>>
        tpu.wait_dma2 semaphore(%run_scoped3A : memref<!tpu.dma_semaphore, #tpu.memory_space<semaphore_mem>>) src(%dma_wait3A_69 : memref<8x128xi32, #tpu.memory_space<hbm>>) dst(%arg6 : memref<8x128xi32, #tpu.memory_space<vmem>>)
        tpu.yield
      }) : () -> ()
      %mul3A_53 = arith.constant 8 : i32
      %mul3A_54 = arith.muli %while3A_43, %mul3A_53 : i32
      %add3A_55 = arith.addi %select_n3A_28, %mul3A_54 : i32
      "tpu.region"() ({
        %run_scoped3A = tpu.sem_alloc : memref<!tpu.dma_semaphore, #tpu.memory_space<semaphore_mem>>
        %dma_start3A = arith.constant 0 : i32
        %dma_start3A_64 = tpu.memref_slice %arg4[%add3A_55, %dma_start3A] : memref<2560x128xi32, #tpu.memory_space<hbm>> -> memref<8x128xi32, #tpu.memory_space<hbm>>
        %dma_start3A_65 = arith.constant 0 : i32
        %dma_start3A_66 = tpu.memref_slice %arg4[%add3A_55, %dma_start3A_65] : memref<2560x128xi32, #tpu.memory_space<hbm>> -> memref<8x128xi32, #tpu.memory_space<hbm>>
        tpu.enqueue_dma source(%dma_start3A_66 : memref<8x128xi32, #tpu.memory_space<hbm>>) target(%arg7 : memref<8x128xi32, #tpu.memory_space<vmem>>) target_semaphore(%run_scoped3A : memref<!tpu.dma_semaphore, #tpu.memory_space<semaphore_mem>>)
        %dma_wait3A = arith.constant 0 : i32
        %dma_wait3A_67 = tpu.memref_slice %arg4[%add3A_55, %dma_wait3A] : memref<2560x128xi32, #tpu.memory_space<hbm>> -> memref<8x128xi32, #tpu.memory_space<hbm>>
        %dma_wait3A_68 = arith.constant 0 : i32
        %dma_wait3A_69 = tpu.memref_slice %arg4[%add3A_55, %dma_wait3A_68] : memref<2560x128xi32, #tpu.memory_space<hbm>> -> memref<8x128xi32, #tpu.memory_space<hbm>>
        tpu.wait_dma2 semaphore(%run_scoped3A : memref<!tpu.dma_semaphore, #tpu.memory_space<semaphore_mem>>) src(%dma_wait3A_69 : memref<8x128xi32, #tpu.memory_space<hbm>>) dst(%arg7 : memref<8x128xi32, #tpu.memory_space<vmem>>)
        tpu.yield
      }) : () -> ()
      %scan3A_56 = arith.constant 0 : i32
      %scan3A_57 = arith.constant 0 : i32
      %scan3A_58 = arith.constant 4 : i32
      %scan3A_59 = arith.addi %scan3A_57, %scan3A_58 : i32
      %scan3A_60 = arith.constant 1 : i32
      %scan3A_61 = scf.for %scan3A_64 = %scan3A_57 to %scan3A_59 step %scan3A_60 iter_args(%scan3A_65 = %scan3A_56) -> (i32)  : i32 {
        %gt3A_66 = arith.constant 0 : i32
        %gt3A_67 = arith.cmpi sgt, %scan3A_64, %gt3A_66 : i32
        %convert_element_type3A_68 = arith.extui %gt3A_67 : i1 to i32
        %cond3A_69 = arith.constant 0 : i32
        %cond3A_70 = arith.cmpi ne, %convert_element_type3A_68, %cond3A_69 : i32
        scf.if %cond3A_70 {
          %dma_wait3A_112 = arith.constant 0 : i32
          %dma_wait3A_113 = arith.constant 0 : i32
          %dma_wait3A_114 = tpu.memref_slice %arg2[%dma_wait3A_112, %dma_wait3A_113] : memref<10000x128xf32, #tpu.memory_space<hbm>> -> memref<128x128xf32, #tpu.memory_space<hbm>>
          %dma_wait3A_115 = arith.constant 0 : i32
          %dma_wait3A_116 = arith.constant 0 : i32
          %dma_wait3A_117 = tpu.memref_slice %arg2[%dma_wait3A_115, %dma_wait3A_116] : memref<10000x128xf32, #tpu.memory_space<hbm>> -> memref<128x128xf32, #tpu.memory_space<hbm>>
          tpu.wait_dma2 semaphore(%arg10 : memref<!tpu.dma_semaphore, #tpu.memory_space<semaphore_mem>>) src(%dma_wait3A_117 : memref<128x128xf32, #tpu.memory_space<hbm>>) dst(%arg8 : memref<128x128xf32, #tpu.memory_space<vmem>>)
          %dma_wait3A_118 = arith.constant 0 : i32
          %dma_wait3A_119 = arith.constant 0 : i32
          %dma_wait3A_120 = tpu.memref_slice %arg2[%dma_wait3A_118, %dma_wait3A_119] : memref<10000x128xf32, #tpu.memory_space<hbm>> -> memref<128x128xf32, #tpu.memory_space<hbm>>
          %dma_wait3A_121 = arith.constant 0 : i32
          %dma_wait3A_122 = arith.constant 0 : i32
          %dma_wait3A_123 = tpu.memref_slice %arg2[%dma_wait3A_121, %dma_wait3A_122] : memref<10000x128xf32, #tpu.memory_space<hbm>> -> memref<128x128xf32, #tpu.memory_space<hbm>>
          tpu.wait_dma2 semaphore(%arg11 : memref<!tpu.dma_semaphore, #tpu.memory_space<semaphore_mem>>) src(%dma_wait3A_123 : memref<128x128xf32, #tpu.memory_space<hbm>>) dst(%arg9 : memref<128x128xf32, #tpu.memory_space<vmem>>)
        } else {
        }
        %mul3A_71 = arith.constant 2 : i32
        %mul3A_72 = arith.muli %mul3A_71, %scan3A_64 : i32
        %mul3A_73 = arith.constant 2 : i32
        %mul3A_74 = arith.muli %mul3A_73, %scan3A_64 : i32
        %add3A_75 = arith.constant 1 : i32
        %add3A_76 = arith.addi %mul3A_74, %add3A_75 : i32
        %dma_start3A = arith.constant 0 : i32
        %dma_start3A_77 = tpu.memref_slice %arg6[%mul3A_72, %dma_start3A] : memref<8x128xi32, #tpu.memory_space<vmem>> -> memref<1x128xi32, #tpu.memory_space<vmem>>
        %dma_start3A_78 = tpu.memref_squeeze %dma_start3A_77 : memref<1x128xi32, #tpu.memory_space<vmem>> -> memref<128xi32, #tpu.memory_space<vmem>>
        %dma_start3A_79 = arith.constant 0 : i32
        %dma_start3A_80 = arith.constant 0 : i32
        %dma_start3A_81 = tpu.memref_slice %arg2[%dma_start3A_79, %dma_start3A_80] : memref<10000x128xf32, #tpu.memory_space<hbm>> -> memref<10000x128xf32, #tpu.memory_space<hbm>>
        tpu.enqueue_indirect_dma source(%dma_start3A_81 : memref<10000x128xf32, #tpu.memory_space<hbm>>) target(%arg8 : memref<128x128xf32, #tpu.memory_space<vmem>>) offsets(%dma_start3A_78 : memref<128xi32, #tpu.memory_space<vmem>>) semaphore(%arg10 : memref<!tpu.dma_semaphore, #tpu.memory_space<semaphore_mem>>)
        %dma_start3A_82 = arith.constant 0 : i32
        %dma_start3A_83 = tpu.memref_slice %arg6[%add3A_76, %dma_start3A_82] : memref<8x128xi32, #tpu.memory_space<vmem>> -> memref<1x128xi32, #tpu.memory_space<vmem>>
        %dma_start3A_84 = tpu.memref_squeeze %dma_start3A_83 : memref<1x128xi32, #tpu.memory_space<vmem>> -> memref<128xi32, #tpu.memory_space<vmem>>
        %dma_start3A_85 = arith.constant 0 : i32
        %dma_start3A_86 = arith.constant 0 : i32
        %dma_start3A_87 = tpu.memref_slice %arg2[%dma_start3A_85, %dma_start3A_86] : memref<10000x128xf32, #tpu.memory_space<hbm>> -> memref<10000x128xf32, #tpu.memory_space<hbm>>
        tpu.enqueue_indirect_dma source(%dma_start3A_87 : memref<10000x128xf32, #tpu.memory_space<hbm>>) target(%arg9 : memref<128x128xf32, #tpu.memory_space<vmem>>) offsets(%dma_start3A_84 : memref<128xi32, #tpu.memory_space<vmem>>) semaphore(%arg11 : memref<!tpu.dma_semaphore, #tpu.memory_space<semaphore_mem>>)
        %dma_wait3A = arith.constant 0 : i32
        %dma_wait3A_88 = tpu.memref_slice %arg6[%mul3A_72, %dma_wait3A] : memref<8x128xi32, #tpu.memory_space<vmem>> -> memref<1x128xi32, #tpu.memory_space<vmem>>
        %dma_wait3A_89 = tpu.memref_squeeze %dma_wait3A_88 : memref<1x128xi32, #tpu.memory_space<vmem>> -> memref<128xi32, #tpu.memory_space<vmem>>
        %dma_wait3A_90 = arith.constant 0 : i32
        %dma_wait3A_91 = arith.constant 0 : i32
        %dma_wait3A_92 = tpu.memref_slice %arg2[%dma_wait3A_90, %dma_wait3A_91] : memref<10000x128xf32, #tpu.memory_space<hbm>> -> memref<10000x128xf32, #tpu.memory_space<hbm>>
        tpu.wait_indirect_dma semaphore(%arg10 : memref<!tpu.dma_semaphore, #tpu.memory_space<semaphore_mem>>) src(%dma_wait3A_92 : memref<10000x128xf32, #tpu.memory_space<hbm>>) dst(%arg8 : memref<128x128xf32, #tpu.memory_space<vmem>>)
        %dma_start3A_93 = arith.constant 0 : i32
        %dma_start3A_94 = tpu.memref_slice %arg7[%mul3A_72, %dma_start3A_93] : memref<8x128xi32, #tpu.memory_space<vmem>> -> memref<1x128xi32, #tpu.memory_space<vmem>>
        %dma_start3A_95 = tpu.memref_squeeze %dma_start3A_94 : memref<1x128xi32, #tpu.memory_space<vmem>> -> memref<128xi32, #tpu.memory_space<vmem>>
        %dma_start3A_96 = arith.constant 0 : i32
        %dma_start3A_97 = arith.constant 0 : i32
        %dma_start3A_98 = tpu.memref_slice %arg12[%dma_start3A_96, %dma_start3A_97] : memref<10112x128xf32, #tpu.memory_space<vmem_shared>> -> memref<10112x128xf32, #tpu.memory_space<vmem_shared>>
        tpu.enqueue_indirect_dma source(%arg8 : memref<128x128xf32, #tpu.memory_space<vmem>>) target(%dma_start3A_98 : memref<10112x128xf32, #tpu.memory_space<vmem_shared>>) offsets(%dma_start3A_95 : memref<128xi32, #tpu.memory_space<vmem>>) semaphore(%arg10 : memref<!tpu.dma_semaphore, #tpu.memory_space<semaphore_mem>>) {add = true}
        %dma_wait3A_99 = arith.constant 0 : i32
        %dma_wait3A_100 = tpu.memref_slice %arg6[%add3A_76, %dma_wait3A_99] : memref<8x128xi32, #tpu.memory_space<vmem>> -> memref<1x128xi32, #tpu.memory_space<vmem>>
        %dma_wait3A_101 = tpu.memref_squeeze %dma_wait3A_100 : memref<1x128xi32, #tpu.memory_space<vmem>> -> memref<128xi32, #tpu.memory_space<vmem>>
        %dma_wait3A_102 = arith.constant 0 : i32
        %dma_wait3A_103 = arith.constant 0 : i32
        %dma_wait3A_104 = tpu.memref_slice %arg2[%dma_wait3A_102, %dma_wait3A_103] : memref<10000x128xf32, #tpu.memory_space<hbm>> -> memref<10000x128xf32, #tpu.memory_space<hbm>>
        tpu.wait_indirect_dma semaphore(%arg11 : memref<!tpu.dma_semaphore, #tpu.memory_space<semaphore_mem>>) src(%dma_wait3A_104 : memref<10000x128xf32, #tpu.memory_space<hbm>>) dst(%arg9 : memref<128x128xf32, #tpu.memory_space<vmem>>)
        %dma_start3A_105 = arith.constant 0 : i32
        %dma_start3A_106 = tpu.memref_slice %arg7[%add3A_76, %dma_start3A_105] : memref<8x128xi32, #tpu.memory_space<vmem>> -> memref<1x128xi32, #tpu.memory_space<vmem>>
        %dma_start3A_107 = tpu.memref_squeeze %dma_start3A_106 : memref<1x128xi32, #tpu.memory_space<vmem>> -> memref<128xi32, #tpu.memory_space<vmem>>
        %dma_start3A_108 = arith.constant 0 : i32
        %dma_start3A_109 = arith.constant 0 : i32
        %dma_start3A_110 = tpu.memref_slice %arg12[%dma_start3A_108, %dma_start3A_109] : memref<10112x128xf32, #tpu.memory_space<vmem_shared>> -> memref<10112x128xf32, #tpu.memory_space<vmem_shared>>
        tpu.enqueue_indirect_dma source(%arg9 : memref<128x128xf32, #tpu.memory_space<vmem>>) target(%dma_start3A_110 : memref<10112x128xf32, #tpu.memory_space<vmem_shared>>) offsets(%dma_start3A_107 : memref<128xi32, #tpu.memory_space<vmem>>) semaphore(%arg11 : memref<!tpu.dma_semaphore, #tpu.memory_space<semaphore_mem>>) {add = true}
        %scan3A_111 = arith.constant 0 : i32
        scf.yield %scan3A_111 : i32
      }
      %scan3A_62 = arith.constant 4 : i32
      %while3A_63 = arith.constant 0 : i32
      scf.yield %while3A_63 : i32
    }
    %while3A_38 = arith.constant 1 : i32
    %while3A_39 = scf.for %while3A_43 = %while3A_35 to %while3A_31 step %while3A_38 iter_args(%while3A_44 = %while3A_37) -> (i32)  : i32 {
      %gt3A_45 = arith.constant 0 : i32
      %gt3A_46 = arith.cmpi sgt, %while3A_43, %gt3A_45 : i32
      %convert_element_type3A_47 = arith.extui %gt3A_46 : i1 to i32
      %cond3A_48 = arith.constant 0 : i32
      %cond3A_49 = arith.cmpi ne, %convert_element_type3A_47, %cond3A_48 : i32
      scf.if %cond3A_49 {
        %dma_wait3A = arith.constant 0 : i32
        %dma_wait3A_64 = arith.constant 0 : i32
        %dma_wait3A_65 = tpu.memref_slice %arg2[%dma_wait3A, %dma_wait3A_64] : memref<10000x128xf32, #tpu.memory_space<hbm>> -> memref<128x128xf32, #tpu.memory_space<hbm>>
        %dma_wait3A_66 = arith.constant 0 : i32
        %dma_wait3A_67 = arith.constant 0 : i32
        %dma_wait3A_68 = tpu.memref_slice %arg2[%dma_wait3A_66, %dma_wait3A_67] : memref<10000x128xf32, #tpu.memory_space<hbm>> -> memref<128x128xf32, #tpu.memory_space<hbm>>
        tpu.wait_dma2 semaphore(%arg10 : memref<!tpu.dma_semaphore, #tpu.memory_space<semaphore_mem>>) src(%dma_wait3A_68 : memref<128x128xf32, #tpu.memory_space<hbm>>) dst(%arg8 : memref<128x128xf32, #tpu.memory_space<vmem>>)
        %dma_wait3A_69 = arith.constant 0 : i32
        %dma_wait3A_70 = arith.constant 0 : i32
        %dma_wait3A_71 = tpu.memref_slice %arg2[%dma_wait3A_69, %dma_wait3A_70] : memref<10000x128xf32, #tpu.memory_space<hbm>> -> memref<128x128xf32, #tpu.memory_space<hbm>>
        %dma_wait3A_72 = arith.constant 0 : i32
        %dma_wait3A_73 = arith.constant 0 : i32
        %dma_wait3A_74 = tpu.memref_slice %arg2[%dma_wait3A_72, %dma_wait3A_73] : memref<10000x128xf32, #tpu.memory_space<hbm>> -> memref<128x128xf32, #tpu.memory_space<hbm>>
        tpu.wait_dma2 semaphore(%arg11 : memref<!tpu.dma_semaphore, #tpu.memory_space<semaphore_mem>>) src(%dma_wait3A_74 : memref<128x128xf32, #tpu.memory_space<hbm>>) dst(%arg9 : memref<128x128xf32, #tpu.memory_space<vmem>>)
      } else {
      }
      %mul3A_50 = arith.constant 8 : i32
      %mul3A_51 = arith.muli %while3A_43, %mul3A_50 : i32
      %add3A_52 = arith.addi %select_n3A_28, %mul3A_51 : i32
      "tpu.region"() ({
        %run_scoped3A = tpu.sem_alloc : memref<!tpu.dma_semaphore, #tpu.memory_space<semaphore_mem>>
        %dma_start3A = arith.constant 0 : i32
        %dma_start3A_64 = tpu.memref_slice %arg3[%add3A_52, %dma_start3A] : memref<2560x128xi32, #tpu.memory_space<hbm>> -> memref<8x128xi32, #tpu.memory_space<hbm>>
        %dma_start3A_65 = arith.constant 0 : i32
        %dma_start3A_66 = tpu.memref_slice %arg3[%add3A_52, %dma_start3A_65] : memref<2560x128xi32, #tpu.memory_space<hbm>> -> memref<8x128xi32, #tpu.memory_space<hbm>>
        tpu.enqueue_dma source(%dma_start3A_66 : memref<8x128xi32, #tpu.memory_space<hbm>>) target(%arg6 : memref<8x128xi32, #tpu.memory_space<vmem>>) target_semaphore(%run_scoped3A : memref<!tpu.dma_semaphore, #tpu.memory_space<semaphore_mem>>)
        %dma_wait3A = arith.constant 0 : i32
        %dma_wait3A_67 = tpu.memref_slice %arg3[%add3A_52, %dma_wait3A] : memref<2560x128xi32, #tpu.memory_space<hbm>> -> memref<8x128xi32, #tpu.memory_space<hbm>>
        %dma_wait3A_68 = arith.constant 0 : i32
        %dma_wait3A_69 = tpu.memref_slice %arg3[%add3A_52, %dma_wait3A_68] : memref<2560x128xi32, #tpu.memory_space<hbm>> -> memref<8x128xi32, #tpu.memory_space<hbm>>
        tpu.wait_dma2 semaphore(%run_scoped3A : memref<!tpu.dma_semaphore, #tpu.memory_space<semaphore_mem>>) src(%dma_wait3A_69 : memref<8x128xi32, #tpu.memory_space<hbm>>) dst(%arg6 : memref<8x128xi32, #tpu.memory_space<vmem>>)
        tpu.yield
      }) : () -> ()
      %mul3A_53 = arith.constant 8 : i32
      %mul3A_54 = arith.muli %while3A_43, %mul3A_53 : i32
      %add3A_55 = arith.addi %select_n3A_28, %mul3A_54 : i32
      "tpu.region"() ({
        %run_scoped3A = tpu.sem_alloc : memref<!tpu.dma_semaphore, #tpu.memory_space<semaphore_mem>>
        %dma_start3A = arith.constant 0 : i32
        %dma_start3A_64 = tpu.memref_slice %arg4[%add3A_55, %dma_start3A] : memref<2560x128xi32, #tpu.memory_space<hbm>> -> memref<8x128xi32, #tpu.memory_space<hbm>>
        %dma_start3A_65 = arith.constant 0 : i32
        %dma_start3A_66 = tpu.memref_slice %arg4[%add3A_55, %dma_start3A_65] : memref<2560x128xi32, #tpu.memory_space<hbm>> -> memref<8x128xi32, #tpu.memory_space<hbm>>
        tpu.enqueue_dma source(%dma_start3A_66 : memref<8x128xi32, #tpu.memory_space<hbm>>) target(%arg7 : memref<8x128xi32, #tpu.memory_space<vmem>>) target_semaphore(%run_scoped3A : memref<!tpu.dma_semaphore, #tpu.memory_space<semaphore_mem>>)
        %dma_wait3A = arith.constant 0 : i32
        %dma_wait3A_67 = tpu.memref_slice %arg4[%add3A_55, %dma_wait3A] : memref<2560x128xi32, #tpu.memory_space<hbm>> -> memref<8x128xi32, #tpu.memory_space<hbm>>
        %dma_wait3A_68 = arith.constant 0 : i32
        %dma_wait3A_69 = tpu.memref_slice %arg4[%add3A_55, %dma_wait3A_68] : memref<2560x128xi32, #tpu.memory_space<hbm>> -> memref<8x128xi32, #tpu.memory_space<hbm>>
        tpu.wait_dma2 semaphore(%run_scoped3A : memref<!tpu.dma_semaphore, #tpu.memory_space<semaphore_mem>>) src(%dma_wait3A_69 : memref<8x128xi32, #tpu.memory_space<hbm>>) dst(%arg7 : memref<8x128xi32, #tpu.memory_space<vmem>>)
        tpu.yield
      }) : () -> ()
      %scan3A_56 = arith.constant 0 : i32
      %scan3A_57 = arith.constant 0 : i32
      %scan3A_58 = arith.constant 4 : i32
      %scan3A_59 = arith.addi %scan3A_57, %scan3A_58 : i32
      %scan3A_60 = arith.constant 1 : i32
      %scan3A_61 = scf.for %scan3A_64 = %scan3A_57 to %scan3A_59 step %scan3A_60 iter_args(%scan3A_65 = %scan3A_56) -> (i32)  : i32 {
        %gt3A_66 = arith.constant 0 : i32
        %gt3A_67 = arith.cmpi sgt, %scan3A_64, %gt3A_66 : i32
        %convert_element_type3A_68 = arith.extui %gt3A_67 : i1 to i32
        %cond3A_69 = arith.constant 0 : i32
        %cond3A_70 = arith.cmpi ne, %convert_element_type3A_68, %cond3A_69 : i32
        scf.if %cond3A_70 {
          %dma_wait3A_112 = arith.constant 0 : i32
          %dma_wait3A_113 = arith.constant 0 : i32
          %dma_wait3A_114 = tpu.memref_slice %arg2[%dma_wait3A_112, %dma_wait3A_113] : memref<10000x128xf32, #tpu.memory_space<hbm>> -> memref<128x128xf32, #tpu.memory_space<hbm>>
          %dma_wait3A_115 = arith.constant 0 : i32
          %dma_wait3A_116 = arith.constant 0 : i32
          %dma_wait3A_117 = tpu.memref_slice %arg2[%dma_wait3A_115, %dma_wait3A_116] : memref<10000x128xf32, #tpu.memory_space<hbm>> -> memref<128x128xf32, #tpu.memory_space<hbm>>
          tpu.wait_dma2 semaphore(%arg10 : memref<!tpu.dma_semaphore, #tpu.memory_space<semaphore_mem>>) src(%dma_wait3A_117 : memref<128x128xf32, #tpu.memory_space<hbm>>) dst(%arg8 : memref<128x128xf32, #tpu.memory_space<vmem>>)
          %dma_wait3A_118 = arith.constant 0 : i32
          %dma_wait3A_119 = arith.constant 0 : i32
          %dma_wait3A_120 = tpu.memref_slice %arg2[%dma_wait3A_118, %dma_wait3A_119] : memref<10000x128xf32, #tpu.memory_space<hbm>> -> memref<128x128xf32, #tpu.memory_space<hbm>>
          %dma_wait3A_121 = arith.constant 0 : i32
          %dma_wait3A_122 = arith.constant 0 : i32
          %dma_wait3A_123 = tpu.memref_slice %arg2[%dma_wait3A_121, %dma_wait3A_122] : memref<10000x128xf32, #tpu.memory_space<hbm>> -> memref<128x128xf32, #tpu.memory_space<hbm>>
          tpu.wait_dma2 semaphore(%arg11 : memref<!tpu.dma_semaphore, #tpu.memory_space<semaphore_mem>>) src(%dma_wait3A_123 : memref<128x128xf32, #tpu.memory_space<hbm>>) dst(%arg9 : memref<128x128xf32, #tpu.memory_space<vmem>>)
        } else {
        }
        %mul3A_71 = arith.constant 2 : i32
        %mul3A_72 = arith.muli %mul3A_71, %scan3A_64 : i32
        %mul3A_73 = arith.constant 2 : i32
        %mul3A_74 = arith.muli %mul3A_73, %scan3A_64 : i32
        %add3A_75 = arith.constant 1 : i32
        %add3A_76 = arith.addi %mul3A_74, %add3A_75 : i32
        %dma_start3A = arith.constant 0 : i32
        %dma_start3A_77 = tpu.memref_slice %arg6[%mul3A_72, %dma_start3A] : memref<8x128xi32, #tpu.memory_space<vmem>> -> memref<1x128xi32, #tpu.memory_space<vmem>>
        %dma_start3A_78 = tpu.memref_squeeze %dma_start3A_77 : memref<1x128xi32, #tpu.memory_space<vmem>> -> memref<128xi32, #tpu.memory_space<vmem>>
        %dma_start3A_79 = arith.constant 0 : i32
        %dma_start3A_80 = arith.constant 0 : i32
        %dma_start3A_81 = tpu.memref_slice %arg2[%dma_start3A_79, %dma_start3A_80] : memref<10000x128xf32, #tpu.memory_space<hbm>> -> memref<10000x128xf32, #tpu.memory_space<hbm>>
        tpu.enqueue_indirect_dma source(%dma_start3A_81 : memref<10000x128xf32, #tpu.memory_space<hbm>>) target(%arg8 : memref<128x128xf32, #tpu.memory_space<vmem>>) offsets(%dma_start3A_78 : memref<128xi32, #tpu.memory_space<vmem>>) semaphore(%arg10 : memref<!tpu.dma_semaphore, #tpu.memory_space<semaphore_mem>>)
        %dma_start3A_82 = arith.constant 0 : i32
        %dma_start3A_83 = tpu.memref_slice %arg6[%add3A_76, %dma_start3A_82] : memref<8x128xi32, #tpu.memory_space<vmem>> -> memref<1x128xi32, #tpu.memory_space<vmem>>
        %dma_start3A_84 = tpu.memref_squeeze %dma_start3A_83 : memref<1x128xi32, #tpu.memory_space<vmem>> -> memref<128xi32, #tpu.memory_space<vmem>>
        %dma_start3A_85 = arith.constant 0 : i32
        %dma_start3A_86 = arith.constant 0 : i32
        %dma_start3A_87 = tpu.memref_slice %arg2[%dma_start3A_85, %dma_start3A_86] : memref<10000x128xf32, #tpu.memory_space<hbm>> -> memref<10000x128xf32, #tpu.memory_space<hbm>>
        tpu.enqueue_indirect_dma source(%dma_start3A_87 : memref<10000x128xf32, #tpu.memory_space<hbm>>) target(%arg9 : memref<128x128xf32, #tpu.memory_space<vmem>>) offsets(%dma_start3A_84 : memref<128xi32, #tpu.memory_space<vmem>>) semaphore(%arg11 : memref<!tpu.dma_semaphore, #tpu.memory_space<semaphore_mem>>)
        %dma_wait3A = arith.constant 0 : i32
        %dma_wait3A_88 = tpu.memref_slice %arg6[%mul3A_72, %dma_wait3A] : memref<8x128xi32, #tpu.memory_space<vmem>> -> memref<1x128xi32, #tpu.memory_space<vmem>>
        %dma_wait3A_89 = tpu.memref_squeeze %dma_wait3A_88 : memref<1x128xi32, #tpu.memory_space<vmem>> -> memref<128xi32, #tpu.memory_space<vmem>>
        %dma_wait3A_90 = arith.constant 0 : i32
        %dma_wait3A_91 = arith.constant 0 : i32
        %dma_wait3A_92 = tpu.memref_slice %arg2[%dma_wait3A_90, %dma_wait3A_91] : memref<10000x128xf32, #tpu.memory_space<hbm>> -> memref<10000x128xf32, #tpu.memory_space<hbm>>
        tpu.wait_indirect_dma semaphore(%arg10 : memref<!tpu.dma_semaphore, #tpu.memory_space<semaphore_mem>>) src(%dma_wait3A_92 : memref<10000x128xf32, #tpu.memory_space<hbm>>) dst(%arg8 : memref<128x128xf32, #tpu.memory_space<vmem>>)
        %dma_start3A_93 = arith.constant 0 : i32
        %dma_start3A_94 = tpu.memref_slice %arg7[%mul3A_72, %dma_start3A_93] : memref<8x128xi32, #tpu.memory_space<vmem>> -> memref<1x128xi32, #tpu.memory_space<vmem>>
        %dma_start3A_95 = tpu.memref_squeeze %dma_start3A_94 : memref<1x128xi32, #tpu.memory_space<vmem>> -> memref<128xi32, #tpu.memory_space<vmem>>
        %dma_start3A_96 = arith.constant 0 : i32
        %dma_start3A_97 = arith.constant 0 : i32
        %dma_start3A_98 = tpu.memref_slice %arg12[%dma_start3A_96, %dma_start3A_97] : memref<10112x128xf32, #tpu.memory_space<vmem_shared>> -> memref<10112x128xf32, #tpu.memory_space<vmem_shared>>
        tpu.enqueue_indirect_dma source(%arg8 : memref<128x128xf32, #tpu.memory_space<vmem>>) target(%dma_start3A_98 : memref<10112x128xf32, #tpu.memory_space<vmem_shared>>) offsets(%dma_start3A_95 : memref<128xi32, #tpu.memory_space<vmem>>) semaphore(%arg10 : memref<!tpu.dma_semaphore, #tpu.memory_space<semaphore_mem>>) {add = true}
        %dma_wait3A_99 = arith.constant 0 : i32
        %dma_wait3A_100 = tpu.memref_slice %arg6[%add3A_76, %dma_wait3A_99] : memref<8x128xi32, #tpu.memory_space<vmem>> -> memref<1x128xi32, #tpu.memory_space<vmem>>
        %dma_wait3A_101 = tpu.memref_squeeze %dma_wait3A_100 : memref<1x128xi32, #tpu.memory_space<vmem>> -> memref<128xi32, #tpu.memory_space<vmem>>
        %dma_wait3A_102 = arith.constant 0 : i32
        %dma_wait3A_103 = arith.constant 0 : i32
        %dma_wait3A_104 = tpu.memref_slice %arg2[%dma_wait3A_102, %dma_wait3A_103] : memref<10000x128xf32, #tpu.memory_space<hbm>> -> memref<10000x128xf32, #tpu.memory_space<hbm>>
        tpu.wait_indirect_dma semaphore(%arg11 : memref<!tpu.dma_semaphore, #tpu.memory_space<semaphore_mem>>) src(%dma_wait3A_104 : memref<10000x128xf32, #tpu.memory_space<hbm>>) dst(%arg9 : memref<128x128xf32, #tpu.memory_space<vmem>>)
        %dma_start3A_105 = arith.constant 0 : i32
        %dma_start3A_106 = tpu.memref_slice %arg7[%add3A_76, %dma_start3A_105] : memref<8x128xi32, #tpu.memory_space<vmem>> -> memref<1x128xi32, #tpu.memory_space<vmem>>
        %dma_start3A_107 = tpu.memref_squeeze %dma_start3A_106 : memref<1x128xi32, #tpu.memory_space<vmem>> -> memref<128xi32, #tpu.memory_space<vmem>>
        %dma_start3A_108 = arith.constant 0 : i32
        %dma_start3A_109 = arith.constant 0 : i32
        %dma_start3A_110 = tpu.memref_slice %arg12[%dma_start3A_108, %dma_start3A_109] : memref<10112x128xf32, #tpu.memory_space<vmem_shared>> -> memref<10112x128xf32, #tpu.memory_space<vmem_shared>>
        tpu.enqueue_indirect_dma source(%arg9 : memref<128x128xf32, #tpu.memory_space<vmem>>) target(%dma_start3A_110 : memref<10112x128xf32, #tpu.memory_space<vmem_shared>>) offsets(%dma_start3A_107 : memref<128xi32, #tpu.memory_space<vmem>>) semaphore(%arg11 : memref<!tpu.dma_semaphore, #tpu.memory_space<semaphore_mem>>) {add = true}
        %scan3A_111 = arith.constant 0 : i32
        scf.yield %scan3A_111 : i32
      }
      %scan3A_62 = arith.constant 4 : i32
      %while3A_63 = arith.constant 0 : i32
      scf.yield %while3A_63 : i32
    }
    %gt3A = arith.constant 0 : i32
    %gt3A_40 = arith.cmpi sgt, %select_n3A_19, %gt3A : i32
    %convert_element_type3A = arith.extui %gt3A_40 : i1 to i32
    %cond3A = arith.constant 0 : i32
    %cond3A_41 = arith.cmpi ne, %convert_element_type3A, %cond3A : i32
    scf.if %cond3A_41 {
      %dma_wait3A = arith.constant 0 : i32
      %dma_wait3A_43 = arith.constant 0 : i32
      %dma_wait3A_44 = tpu.memref_slice %arg2[%dma_wait3A, %dma_wait3A_43] : memref<10000x128xf32, #tpu.memory_space<hbm>> -> memref<128x128xf32, #tpu.memory_space<hbm>>
      %dma_wait3A_45 = arith.constant 0 : i32
      %dma_wait3A_46 = arith.constant 0 : i32
      %dma_wait3A_47 = tpu.memref_slice %arg2[%dma_wait3A_45, %dma_wait3A_46] : memref<10000x128xf32, #tpu.memory_space<hbm>> -> memref<128x128xf32, #tpu.memory_space<hbm>>
      tpu.wait_dma2 semaphore(%arg10 : memref<!tpu.dma_semaphore, #tpu.memory_space<semaphore_mem>>) src(%dma_wait3A_47 : memref<128x128xf32, #tpu.memory_space<hbm>>) dst(%arg8 : memref<128x128xf32, #tpu.memory_space<vmem>>)
      %dma_wait3A_48 = arith.constant 0 : i32
      %dma_wait3A_49 = arith.constant 0 : i32
      %dma_wait3A_50 = tpu.memref_slice %arg2[%dma_wait3A_48, %dma_wait3A_49] : memref<10000x128xf32, #tpu.memory_space<hbm>> -> memref<128x128xf32, #tpu.memory_space<hbm>>
      %dma_wait3A_51 = arith.constant 0 : i32
      %dma_wait3A_52 = arith.constant 0 : i32
      %dma_wait3A_53 = tpu.memref_slice %arg2[%dma_wait3A_51, %dma_wait3A_52] : memref<10000x128xf32, #tpu.memory_space<hbm>> -> memref<128x128xf32, #tpu.memory_space<hbm>>
      tpu.wait_dma2 semaphore(%arg11 : memref<!tpu.dma_semaphore, #tpu.memory_space<semaphore_mem>>) src(%dma_wait3A_53 : memref<128x128xf32, #tpu.memory_space<hbm>>) dst(%arg9 : memref<128x128xf32, #tpu.memory_space<vmem>>)
    } else {
    }
    %barrier3A_42 = arith.constant 0 : index
    tpu.barrier barrier_id(%barrier3A_42)
    "tpu.trace_stop"() : () -> ()
    "tpu.trace_start"() <{level = 10 : i32, message = "writeback"}> : () -> ()
    "tpu.region"() ({
      %run_scoped3A = tpu.sem_alloc : memref<!tpu.dma_semaphore, #tpu.memory_space<semaphore_mem>>
      %dma_start3A = arith.constant 0 : i32
      %dma_start3A_43 = tpu.memref_slice %arg5[%arg0, %mul3A_0, %dma_start3A] : memref<2x10112x128xf32, #tpu.memory_space<hbm>> -> memref<1x632x128xf32, #tpu.memory_space<hbm>>
      %dma_start3A_44 = tpu.memref_squeeze %dma_start3A_43 : memref<1x632x128xf32, #tpu.memory_space<hbm>> -> memref<632x128xf32, #tpu.memory_space<hbm>>
      %dma_start3A_45 = arith.constant 0 : i32
      %dma_start3A_46 = tpu.memref_slice %arg12[%mul3A_0, %dma_start3A_45] : memref<10112x128xf32, #tpu.memory_space<vmem_shared>> -> memref<632x128xf32, #tpu.memory_space<vmem_shared>>
      tpu.enqueue_dma source(%dma_start3A_46 : memref<632x128xf32, #tpu.memory_space<vmem_shared>>) target(%dma_start3A_44 : memref<632x128xf32, #tpu.memory_space<hbm>>) target_semaphore(%run_scoped3A : memref<!tpu.dma_semaphore, #tpu.memory_space<semaphore_mem>>)
      %dma_wait3A = arith.constant 0 : i32
      %dma_wait3A_47 = tpu.memref_slice %arg5[%arg0, %mul3A_0, %dma_wait3A] : memref<2x10112x128xf32, #tpu.memory_space<hbm>> -> memref<1x632x128xf32, #tpu.memory_space<hbm>>
      %dma_wait3A_48 = tpu.memref_squeeze %dma_wait3A_47 : memref<1x632x128xf32, #tpu.memory_space<hbm>> -> memref<632x128xf32, #tpu.memory_space<hbm>>
      %dma_wait3A_49 = arith.constant 0 : i32
      %dma_wait3A_50 = tpu.memref_slice %arg12[%mul3A_0, %dma_wait3A_49] : memref<10112x128xf32, #tpu.memory_space<vmem_shared>> -> memref<632x128xf32, #tpu.memory_space<vmem_shared>>
      tpu.wait_dma2 semaphore(%run_scoped3A : memref<!tpu.dma_semaphore, #tpu.memory_space<semaphore_mem>>) src(%dma_wait3A_50 : memref<632x128xf32, #tpu.memory_space<vmem_shared>>) dst(%dma_wait3A_48 : memref<632x128xf32, #tpu.memory_space<hbm>>)
      tpu.yield
    }) : () -> ()
    "tpu.trace_stop"() : () -> ()
    return
  }
}

#map = affine_map<(d0, d1) -> (0, 0)>
#map1 = affine_map<(d0, d1) -> (0, 0, 0)>
module attributes {stable_mosaic.version = 14 : i64} {
  func.func @_scatter_body(%arg0: i32, %arg1: i32, %arg2: memref<10000x128xf32, #tpu.memory_space<hbm>>, %arg3: memref<2560x128xi32, #tpu.memory_space<hbm>>, %arg4: memref<2560x128xi32, #tpu.memory_space<hbm>>, %arg5: memref<2x10112x128xf32, #tpu.memory_space<hbm>>, %arg6: memref<8x128xi32, #tpu.memory_space<vmem>>, %arg7: memref<8x128xi32, #tpu.memory_space<vmem>>, %arg8: memref<128x128xf32, #tpu.memory_space<vmem>>, %arg9: memref<128x128xf32, #tpu.memory_space<vmem>>, %arg10: memref<!tpu.dma_semaphore, #tpu.memory_space<semaphore_mem>>, %arg11: memref<!tpu.dma_semaphore, #tpu.memory_space<semaphore_mem>>, %arg12: memref<10112x128xf32, #tpu.memory_space<vmem_shared>>) attributes {dimension_semantics = [#tpu.dimension_semantics<core_parallel>, #tpu.dimension_semantics<subcore_parallel>], iteration_bounds = array<i64: 2, 16>, scalar_prefetch = 0 : i64, scratch_operands = 7 : i64, tpu.core_type = #tpu.core_type<sc_vector_subcore>, window_params = [{transform_indices = #map}, {transform_indices = #map}, {transform_indices = #map}, {transform_indices = #map1}]} {
    %mul3A = arith.constant 632 : i32
    %mul3A_0 = arith.muli %arg1, %mul3A : i32
    %broadcast_in_dim3A = arith.constant 0.000000e+00 : f32
    "tpu.trace_start"() <{level = 10 : i32, message = "zero_acc"}> : () -> ()
    %broadcast_in_dim3A_1 = vector.broadcast %broadcast_in_dim3A : f32 to vector<16xf32>
    %scan3A = arith.constant 0 : i32
    %scan3A_2 = arith.constant 0 : i32
    %scan3A_3 = arith.constant 128 : i32
    %scan3A_4 = arith.addi %scan3A_2, %scan3A_3 : i32
    %scan3A_5 = arith.constant 1 : i32
    %scan3A_6 = scf.for %scan3A_43 = %scan3A_2 to %scan3A_4 step %scan3A_5 iter_args(%scan3A_44 = %scan3A) -> (i32)  : i32 {
      %swap3A = arith.index_cast %scan3A_43 : i32 to index
      %swap3A_45 = arith.constant 0 : index
      %swap3A_46 = tpu.vector_load %arg8[%swap3A, %swap3A_45] {strides = array<i32>} : memref<128x128xf32, #tpu.memory_space<vmem>>, vector<1x16xf32>,
      %swap3A_47 = vector.shape_cast %swap3A_46 : vector<1x16xf32> to vector<16xf32>
      %swap3A_48 = vector.shape_cast %broadcast_in_dim3A_1 : vector<16xf32> to vector<1x16xf32>
      tpu.vector_store %arg8[%swap3A, %swap3A_45], %swap3A_48 {strides = array<i32>} : memref<128x128xf32, #tpu.memory_space<vmem>>, vector<1x16xf32>,
      %swap3A_49 = arith.index_cast %scan3A_43 : i32 to index
      %swap3A_50 = arith.constant 16 : index
      %swap3A_51 = tpu.vector_load %arg8[%swap3A_49, %swap3A_50] {strides = array<i32>} : memref<128x128xf32, #tpu.memory_space<vmem>>, vector<1x16xf32>,
      %swap3A_52 = vector.shape_cast %swap3A_51 : vector<1x16xf32> to vector<16xf32>
      %swap3A_53 = vector.shape_cast %broadcast_in_dim3A_1 : vector<16xf32> to vector<1x16xf32>
      tpu.vector_store %arg8[%swap3A_49, %swap3A_50], %swap3A_53 {strides = array<i32>} : memref<128x128xf32, #tpu.memory_space<vmem>>, vector<1x16xf32>,
      %swap3A_54 = arith.index_cast %scan3A_43 : i32 to index
      %swap3A_55 = arith.constant 32 : index
      %swap3A_56 = tpu.vector_load %arg8[%swap3A_54, %swap3A_55] {strides = array<i32>} : memref<128x128xf32, #tpu.memory_space<vmem>>, vector<1x16xf32>,
      %swap3A_57 = vector.shape_cast %swap3A_56 : vector<1x16xf32> to vector<16xf32>
      %swap3A_58 = vector.shape_cast %broadcast_in_dim3A_1 : vector<16xf32> to vector<1x16xf32>
      tpu.vector_store %arg8[%swap3A_54, %swap3A_55], %swap3A_58 {strides = array<i32>} : memref<128x128xf32, #tpu.memory_space<vmem>>, vector<1x16xf32>,
      %swap3A_59 = arith.index_cast %scan3A_43 : i32 to index
      %swap3A_60 = arith.constant 48 : index
      %swap3A_61 = tpu.vector_load %arg8[%swap3A_59, %swap3A_60] {strides = array<i32>} : memref<128x128xf32, #tpu.memory_space<vmem>>, vector<1x16xf32>,
      %swap3A_62 = vector.shape_cast %swap3A_61 : vector<1x16xf32> to vector<16xf32>
      %swap3A_63 = vector.shape_cast %broadcast_in_dim3A_1 : vector<16xf32> to vector<1x16xf32>
      tpu.vector_store %arg8[%swap3A_59, %swap3A_60], %swap3A_63 {strides = array<i32>} : memref<128x128xf32, #tpu.memory_space<vmem>>, vector<1x16xf32>,
      %swap3A_64 = arith.index_cast %scan3A_43 : i32 to index
      %swap3A_65 = arith.constant 64 : index
      %swap3A_66 = tpu.vector_load %arg8[%swap3A_64, %swap3A_65] {strides = array<i32>} : memref<128x128xf32, #tpu.memory_space<vmem>>, vector<1x16xf32>,
      %swap3A_67 = vector.shape_cast %swap3A_66 : vector<1x16xf32> to vector<16xf32>
      %swap3A_68 = vector.shape_cast %broadcast_in_dim3A_1 : vector<16xf32> to vector<1x16xf32>
      tpu.vector_store %arg8[%swap3A_64, %swap3A_65], %swap3A_68 {strides = array<i32>} : memref<128x128xf32, #tpu.memory_space<vmem>>, vector<1x16xf32>,
      %swap3A_69 = arith.index_cast %scan3A_43 : i32 to index
      %swap3A_70 = arith.constant 80 : index
      %swap3A_71 = tpu.vector_load %arg8[%swap3A_69, %swap3A_70] {strides = array<i32>} : memref<128x128xf32, #tpu.memory_space<vmem>>, vector<1x16xf32>,
      %swap3A_72 = vector.shape_cast %swap3A_71 : vector<1x16xf32> to vector<16xf32>
      %swap3A_73 = vector.shape_cast %broadcast_in_dim3A_1 : vector<16xf32> to vector<1x16xf32>
      tpu.vector_store %arg8[%swap3A_69, %swap3A_70], %swap3A_73 {strides = array<i32>} : memref<128x128xf32, #tpu.memory_space<vmem>>, vector<1x16xf32>,
      %swap3A_74 = arith.index_cast %scan3A_43 : i32 to index
      %swap3A_75 = arith.constant 96 : index
      %swap3A_76 = tpu.vector_load %arg8[%swap3A_74, %swap3A_75] {strides = array<i32>} : memref<128x128xf32, #tpu.memory_space<vmem>>, vector<1x16xf32>,
      %swap3A_77 = vector.shape_cast %swap3A_76 : vector<1x16xf32> to vector<16xf32>
      %swap3A_78 = vector.shape_cast %broadcast_in_dim3A_1 : vector<16xf32> to vector<1x16xf32>
      tpu.vector_store %arg8[%swap3A_74, %swap3A_75], %swap3A_78 {strides = array<i32>} : memref<128x128xf32, #tpu.memory_space<vmem>>, vector<1x16xf32>,
      %swap3A_79 = arith.index_cast %scan3A_43 : i32 to index
      %swap3A_80 = arith.constant 112 : index
      %swap3A_81 = tpu.vector_load %arg8[%swap3A_79, %swap3A_80] {strides = array<i32>} : memref<128x128xf32, #tpu.memory_space<vmem>>, vector<1x16xf32>,
      %swap3A_82 = vector.shape_cast %swap3A_81 : vector<1x16xf32> to vector<16xf32>
      %swap3A_83 = vector.shape_cast %broadcast_in_dim3A_1 : vector<16xf32> to vector<1x16xf32>
      tpu.vector_store %arg8[%swap3A_79, %swap3A_80], %swap3A_83 {strides = array<i32>} : memref<128x128xf32, #tpu.memory_space<vmem>>, vector<1x16xf32>,
      %scan3A_84 = arith.constant 0 : i32
      scf.yield %scan3A_84 : i32
    }
    %scan3A_7 = arith.constant 128 : i32
    %add3A = arith.constant 0 : i32
    %add3A_8 = arith.addi %mul3A_0, %add3A : i32
    "tpu.region"() ({
      %run_scoped3A = tpu.sem_alloc : memref<!tpu.dma_semaphore, #tpu.memory_space<semaphore_mem>>
      %dma_start3A = arith.constant 0 : i32
      %dma_start3A_43 = tpu.memref_slice %arg12[%add3A_8, %dma_start3A] : memref<10112x128xf32, #tpu.memory_space<vmem_shared>> -> memref<128x128xf32, #tpu.memory_space<vmem_shared>>
      %dma_start3A_44 = arith.constant 0 : i32
      %dma_start3A_45 = tpu.memref_slice %arg12[%add3A_8, %dma_start3A_44] : memref<10112x128xf32, #tpu.memory_space<vmem_shared>> -> memref<128x128xf32, #tpu.memory_space<vmem_shared>>
      tpu.enqueue_dma source(%arg8 : memref<128x128xf32, #tpu.memory_space<vmem>>) target(%dma_start3A_45 : memref<128x128xf32, #tpu.memory_space<vmem_shared>>) target_semaphore(%run_scoped3A : memref<!tpu.dma_semaphore, #tpu.memory_space<semaphore_mem>>)
      %dma_wait3A = arith.constant 0 : i32
      %dma_wait3A_46 = tpu.memref_slice %arg12[%add3A_8, %dma_wait3A] : memref<10112x128xf32, #tpu.memory_space<vmem_shared>> -> memref<128x128xf32, #tpu.memory_space<vmem_shared>>
      %dma_wait3A_47 = arith.constant 0 : i32
      %dma_wait3A_48 = tpu.memref_slice %arg12[%add3A_8, %dma_wait3A_47] : memref<10112x128xf32, #tpu.memory_space<vmem_shared>> -> memref<128x128xf32, #tpu.memory_space<vmem_shared>>
      tpu.wait_dma2 semaphore(%run_scoped3A : memref<!tpu.dma_semaphore, #tpu.memory_space<semaphore_mem>>) src(%arg8 : memref<128x128xf32, #tpu.memory_space<vmem>>) dst(%dma_wait3A_48 : memref<128x128xf32, #tpu.memory_space<vmem_shared>>)
      tpu.yield
    }) : () -> ()
    %add3A_9 = arith.constant 128 : i32
    %add3A_10 = arith.addi %mul3A_0, %add3A_9 : i32
    "tpu.region"() ({
      %run_scoped3A = tpu.sem_alloc : memref<!tpu.dma_semaphore, #tpu.memory_space<semaphore_mem>>
      %dma_start3A = arith.constant 0 : i32
      %dma_start3A_43 = tpu.memref_slice %arg12[%add3A_10, %dma_start3A] : memref<10112x128xf32, #tpu.memory_space<vmem_shared>> -> memref<128x128xf32, #tpu.memory_space<vmem_shared>>
      %dma_start3A_44 = arith.constant 0 : i32
      %dma_start3A_45 = tpu.memref_slice %arg12[%add3A_10, %dma_start3A_44] : memref<10112x128xf32, #tpu.memory_space<vmem_shared>> -> memref<128x128xf32, #tpu.memory_space<vmem_shared>>
      tpu.enqueue_dma source(%arg8 : memref<128x128xf32, #tpu.memory_space<vmem>>) target(%dma_start3A_45 : memref<128x128xf32, #tpu.memory_space<vmem_shared>>) target_semaphore(%run_scoped3A : memref<!tpu.dma_semaphore, #tpu.memory_space<semaphore_mem>>)
      %dma_wait3A = arith.constant 0 : i32
      %dma_wait3A_46 = tpu.memref_slice %arg12[%add3A_10, %dma_wait3A] : memref<10112x128xf32, #tpu.memory_space<vmem_shared>> -> memref<128x128xf32, #tpu.memory_space<vmem_shared>>
      %dma_wait3A_47 = arith.constant 0 : i32
      %dma_wait3A_48 = tpu.memref_slice %arg12[%add3A_10, %dma_wait3A_47] : memref<10112x128xf32, #tpu.memory_space<vmem_shared>> -> memref<128x128xf32, #tpu.memory_space<vmem_shared>>
      tpu.wait_dma2 semaphore(%run_scoped3A : memref<!tpu.dma_semaphore, #tpu.memory_space<semaphore_mem>>) src(%arg8 : memref<128x128xf32, #tpu.memory_space<vmem>>) dst(%dma_wait3A_48 : memref<128x128xf32, #tpu.memory_space<vmem_shared>>)
      tpu.yield
    }) : () -> ()
    %add3A_11 = arith.constant 256 : i32
    %add3A_12 = arith.addi %mul3A_0, %add3A_11 : i32
    "tpu.region"() ({
      %run_scoped3A = tpu.sem_alloc : memref<!tpu.dma_semaphore, #tpu.memory_space<semaphore_mem>>
      %dma_start3A = arith.constant 0 : i32
      %dma_start3A_43 = tpu.memref_slice %arg12[%add3A_12, %dma_start3A] : memref<10112x128xf32, #tpu.memory_space<vmem_shared>> -> memref<128x128xf32, #tpu.memory_space<vmem_shared>>
      %dma_start3A_44 = arith.constant 0 : i32
      %dma_start3A_45 = tpu.memref_slice %arg12[%add3A_12, %dma_start3A_44] : memref<10112x128xf32, #tpu.memory_space<vmem_shared>> -> memref<128x128xf32, #tpu.memory_space<vmem_shared>>
      tpu.enqueue_dma source(%arg8 : memref<128x128xf32, #tpu.memory_space<vmem>>) target(%dma_start3A_45 : memref<128x128xf32, #tpu.memory_space<vmem_shared>>) target_semaphore(%run_scoped3A : memref<!tpu.dma_semaphore, #tpu.memory_space<semaphore_mem>>)
      %dma_wait3A = arith.constant 0 : i32
      %dma_wait3A_46 = tpu.memref_slice %arg12[%add3A_12, %dma_wait3A] : memref<10112x128xf32, #tpu.memory_space<vmem_shared>> -> memref<128x128xf32, #tpu.memory_space<vmem_shared>>
      %dma_wait3A_47 = arith.constant 0 : i32
      %dma_wait3A_48 = tpu.memref_slice %arg12[%add3A_12, %dma_wait3A_47] : memref<10112x128xf32, #tpu.memory_space<vmem_shared>> -> memref<128x128xf32, #tpu.memory_space<vmem_shared>>
      tpu.wait_dma2 semaphore(%run_scoped3A : memref<!tpu.dma_semaphore, #tpu.memory_space<semaphore_mem>>) src(%arg8 : memref<128x128xf32, #tpu.memory_space<vmem>>) dst(%dma_wait3A_48 : memref<128x128xf32, #tpu.memory_space<vmem_shared>>)
      tpu.yield
    }) : () -> ()
    %add3A_13 = arith.constant 384 : i32
    %add3A_14 = arith.addi %mul3A_0, %add3A_13 : i32
    "tpu.region"() ({
      %run_scoped3A = tpu.sem_alloc : memref<!tpu.dma_semaphore, #tpu.memory_space<semaphore_mem>>
      %dma_start3A = arith.constant 0 : i32
      %dma_start3A_43 = tpu.memref_slice %arg12[%add3A_14, %dma_start3A] : memref<10112x128xf32, #tpu.memory_space<vmem_shared>> -> memref<128x128xf32, #tpu.memory_space<vmem_shared>>
      %dma_start3A_44 = arith.constant 0 : i32
      %dma_start3A_45 = tpu.memref_slice %arg12[%add3A_14, %dma_start3A_44] : memref<10112x128xf32, #tpu.memory_space<vmem_shared>> -> memref<128x128xf32, #tpu.memory_space<vmem_shared>>
      tpu.enqueue_dma source(%arg8 : memref<128x128xf32, #tpu.memory_space<vmem>>) target(%dma_start3A_45 : memref<128x128xf32, #tpu.memory_space<vmem_shared>>) target_semaphore(%run_scoped3A : memref<!tpu.dma_semaphore, #tpu.memory_space<semaphore_mem>>)
      %dma_wait3A = arith.constant 0 : i32
      %dma_wait3A_46 = tpu.memref_slice %arg12[%add3A_14, %dma_wait3A] : memref<10112x128xf32, #tpu.memory_space<vmem_shared>> -> memref<128x128xf32, #tpu.memory_space<vmem_shared>>
      %dma_wait3A_47 = arith.constant 0 : i32
      %dma_wait3A_48 = tpu.memref_slice %arg12[%add3A_14, %dma_wait3A_47] : memref<10112x128xf32, #tpu.memory_space<vmem_shared>> -> memref<128x128xf32, #tpu.memory_space<vmem_shared>>
      tpu.wait_dma2 semaphore(%run_scoped3A : memref<!tpu.dma_semaphore, #tpu.memory_space<semaphore_mem>>) src(%arg8 : memref<128x128xf32, #tpu.memory_space<vmem>>) dst(%dma_wait3A_48 : memref<128x128xf32, #tpu.memory_space<vmem_shared>>)
      tpu.yield
    }) : () -> ()
    %add3A_15 = arith.constant 512 : i32
    %add3A_16 = arith.addi %mul3A_0, %add3A_15 : i32
    "tpu.region"() ({
      %run_scoped3A = tpu.sem_alloc : memref<!tpu.dma_semaphore, #tpu.memory_space<semaphore_mem>>
      %dma_start3A = arith.constant 0 : i32
      %dma_start3A_43 = arith.constant 0 : i32
      %dma_start3A_44 = tpu.memref_slice %arg8[%dma_start3A, %dma_start3A_43] : memref<128x128xf32, #tpu.memory_space<vmem>> -> memref<120x128xf32, #tpu.memory_space<vmem>>
      %dma_start3A_45 = arith.constant 0 : i32
      %dma_start3A_46 = tpu.memref_slice %arg12[%add3A_16, %dma_start3A_45] : memref<10112x128xf32, #tpu.memory_space<vmem_shared>> -> memref<120x128xf32, #tpu.memory_space<vmem_shared>>
      %dma_start3A_47 = arith.constant 0 : i32
      %dma_start3A_48 = tpu.memref_slice %arg12[%add3A_16, %dma_start3A_47] : memref<10112x128xf32, #tpu.memory_space<vmem_shared>> -> memref<120x128xf32, #tpu.memory_space<vmem_shared>>
      %dma_start3A_49 = arith.constant 0 : i32
      %dma_start3A_50 = arith.constant 0 : i32
      %dma_start3A_51 = tpu.memref_slice %arg8[%dma_start3A_49, %dma_start3A_50] : memref<128x128xf32, #tpu.memory_space<vmem>> -> memref<120x128xf32, #tpu.memory_space<vmem>>
      tpu.enqueue_dma source(%dma_start3A_51 : memref<120x128xf32, #tpu.memory_space<vmem>>) target(%dma_start3A_48 : memref<120x128xf32, #tpu.memory_space<vmem_shared>>) target_semaphore(%run_scoped3A : memref<!tpu.dma_semaphore, #tpu.memory_space<semaphore_mem>>)
      %dma_wait3A = arith.constant 0 : i32
      %dma_wait3A_52 = arith.constant 0 : i32
      %dma_wait3A_53 = tpu.memref_slice %arg8[%dma_wait3A, %dma_wait3A_52] : memref<128x128xf32, #tpu.memory_space<vmem>> -> memref<120x128xf32, #tpu.memory_space<vmem>>
      %dma_wait3A_54 = arith.constant 0 : i32
      %dma_wait3A_55 = tpu.memref_slice %arg12[%add3A_16, %dma_wait3A_54] : memref<10112x128xf32, #tpu.memory_space<vmem_shared>> -> memref<120x128xf32, #tpu.memory_space<vmem_shared>>
      %dma_wait3A_56 = arith.constant 0 : i32
      %dma_wait3A_57 = tpu.memref_slice %arg12[%add3A_16, %dma_wait3A_56] : memref<10112x128xf32, #tpu.memory_space<vmem_shared>> -> memref<120x128xf32, #tpu.memory_space<vmem_shared>>
      %dma_wait3A_58 = arith.constant 0 : i32
      %dma_wait3A_59 = arith.constant 0 : i32
      %dma_wait3A_60 = tpu.memref_slice %arg8[%dma_wait3A_58, %dma_wait3A_59] : memref<128x128xf32, #tpu.memory_space<vmem>> -> memref<120x128xf32, #tpu.memory_space<vmem>>
      tpu.wait_dma2 semaphore(%run_scoped3A : memref<!tpu.dma_semaphore, #tpu.memory_space<semaphore_mem>>) src(%dma_wait3A_60 : memref<120x128xf32, #tpu.memory_space<vmem>>) dst(%dma_wait3A_57 : memref<120x128xf32, #tpu.memory_space<vmem_shared>>)
      tpu.yield
    }) : () -> ()
    %barrier3A = arith.constant 0 : index
    tpu.barrier barrier_id(%barrier3A)
    %eq3A = arith.constant 0 : i32
    "tpu.trace_stop"() : () -> ()
    %eq3A_17 = arith.cmpi eq, %arg0, %eq3A : i32
    %select_n3A = arith.constant 1 : i32
    %select_n3A_18 = arith.constant 19 : i32
    %select_n3A_19 = arith.select %eq3A_17, %select_n3A_18, %select_n3A : i32
    %eq3A_20 = arith.constant 0 : i32
    %eq3A_21 = arith.cmpi eq, %arg0, %eq3A_20 : i32
    %mul3A_22 = arith.constant 152 : i32
    %mul3A_23 = arith.muli %arg1, %mul3A_22 : i32
    %mul3A_24 = arith.constant 8 : i32
    %mul3A_25 = arith.muli %arg1, %mul3A_24 : i32
    %add3A_26 = arith.constant 2432 : i32
    %add3A_27 = arith.addi %add3A_26, %mul3A_25 : i32
    %select_n3A_28 = arith.select %eq3A_21, %mul3A_23, %add3A_27 : i32
    %while3A = arith.constant 0 : i32
    %while3A_29 = arith.constant 0 : i32
    "tpu.trace_start"() <{level = 10 : i32, message = "edge_loop"}> : () -> ()
    %while3A_30 = arith.subi %select_n3A_19, %while3A : i32
    %while3A_31 = arith.addi %while3A, %while3A_30 : i32
    %while3A_32 = arith.constant 1 : i32
    %while3A_33 = arith.divsi %while3A_30, %while3A_32 : i32
    %while3A_34 = arith.muli %while3A_33, %while3A_32 : i32
    %while3A_35 = arith.addi %while3A, %while3A_34 : i32
    %while3A_36 = arith.constant 1 : i32
    %while3A_37 = scf.for %while3A_43 = %while3A to %while3A_35 step %while3A_36 iter_args(%while3A_44 = %while3A_29) -> (i32)  : i32 {
      %gt3A_45 = arith.constant 0 : i32
      %gt3A_46 = arith.cmpi sgt, %while3A_43, %gt3A_45 : i32
      %convert_element_type3A_47 = arith.extui %gt3A_46 : i1 to i32
      %cond3A_48 = arith.constant 0 : i32
      %cond3A_49 = arith.cmpi ne, %convert_element_type3A_47, %cond3A_48 : i32
      scf.if %cond3A_49 {
        %dma_wait3A = arith.constant 0 : i32
        %dma_wait3A_64 = arith.constant 0 : i32
        %dma_wait3A_65 = tpu.memref_slice %arg2[%dma_wait3A, %dma_wait3A_64] : memref<10000x128xf32, #tpu.memory_space<hbm>> -> memref<128x128xf32, #tpu.memory_space<hbm>>
        %dma_wait3A_66 = arith.constant 0 : i32
        %dma_wait3A_67 = arith.constant 0 : i32
        %dma_wait3A_68 = tpu.memref_slice %arg2[%dma_wait3A_66, %dma_wait3A_67] : memref<10000x128xf32, #tpu.memory_space<hbm>> -> memref<128x128xf32, #tpu.memory_space<hbm>>
        tpu.wait_dma2 semaphore(%arg10 : memref<!tpu.dma_semaphore, #tpu.memory_space<semaphore_mem>>) src(%dma_wait3A_68 : memref<128x128xf32, #tpu.memory_space<hbm>>) dst(%arg8 : memref<128x128xf32, #tpu.memory_space<vmem>>)
        %dma_wait3A_69 = arith.constant 0 : i32
        %dma_wait3A_70 = arith.constant 0 : i32
        %dma_wait3A_71 = tpu.memref_slice %arg2[%dma_wait3A_69, %dma_wait3A_70] : memref<10000x128xf32, #tpu.memory_space<hbm>> -> memref<128x128xf32, #tpu.memory_space<hbm>>
        %dma_wait3A_72 = arith.constant 0 : i32
        %dma_wait3A_73 = arith.constant 0 : i32
        %dma_wait3A_74 = tpu.memref_slice %arg2[%dma_wait3A_72, %dma_wait3A_73] : memref<10000x128xf32, #tpu.memory_space<hbm>> -> memref<128x128xf32, #tpu.memory_space<hbm>>
        tpu.wait_dma2 semaphore(%arg11 : memref<!tpu.dma_semaphore, #tpu.memory_space<semaphore_mem>>) src(%dma_wait3A_74 : memref<128x128xf32, #tpu.memory_space<hbm>>) dst(%arg9 : memref<128x128xf32, #tpu.memory_space<vmem>>)
      } else {
      }
      %mul3A_50 = arith.constant 8 : i32
      %mul3A_51 = arith.muli %while3A_43, %mul3A_50 : i32
      %add3A_52 = arith.addi %select_n3A_28, %mul3A_51 : i32
      "tpu.region"() ({
        %run_scoped3A = tpu.sem_alloc : memref<!tpu.dma_semaphore, #tpu.memory_space<semaphore_mem>>
        %dma_start3A = arith.constant 0 : i32
        %dma_start3A_64 = tpu.memref_slice %arg3[%add3A_52, %dma_start3A] : memref<2560x128xi32, #tpu.memory_space<hbm>> -> memref<8x128xi32, #tpu.memory_space<hbm>>
        %dma_start3A_65 = arith.constant 0 : i32
        %dma_start3A_66 = tpu.memref_slice %arg3[%add3A_52, %dma_start3A_65] : memref<2560x128xi32, #tpu.memory_space<hbm>> -> memref<8x128xi32, #tpu.memory_space<hbm>>
        tpu.enqueue_dma source(%dma_start3A_66 : memref<8x128xi32, #tpu.memory_space<hbm>>) target(%arg6 : memref<8x128xi32, #tpu.memory_space<vmem>>) target_semaphore(%run_scoped3A : memref<!tpu.dma_semaphore, #tpu.memory_space<semaphore_mem>>)
        %dma_wait3A = arith.constant 0 : i32
        %dma_wait3A_67 = tpu.memref_slice %arg3[%add3A_52, %dma_wait3A] : memref<2560x128xi32, #tpu.memory_space<hbm>> -> memref<8x128xi32, #tpu.memory_space<hbm>>
        %dma_wait3A_68 = arith.constant 0 : i32
        %dma_wait3A_69 = tpu.memref_slice %arg3[%add3A_52, %dma_wait3A_68] : memref<2560x128xi32, #tpu.memory_space<hbm>> -> memref<8x128xi32, #tpu.memory_space<hbm>>
        tpu.wait_dma2 semaphore(%run_scoped3A : memref<!tpu.dma_semaphore, #tpu.memory_space<semaphore_mem>>) src(%dma_wait3A_69 : memref<8x128xi32, #tpu.memory_space<hbm>>) dst(%arg6 : memref<8x128xi32, #tpu.memory_space<vmem>>)
        tpu.yield
      }) : () -> ()
      %mul3A_53 = arith.constant 8 : i32
      %mul3A_54 = arith.muli %while3A_43, %mul3A_53 : i32
      %add3A_55 = arith.addi %select_n3A_28, %mul3A_54 : i32
      "tpu.region"() ({
        %run_scoped3A = tpu.sem_alloc : memref<!tpu.dma_semaphore, #tpu.memory_space<semaphore_mem>>
        %dma_start3A = arith.constant 0 : i32
        %dma_start3A_64 = tpu.memref_slice %arg4[%add3A_55, %dma_start3A] : memref<2560x128xi32, #tpu.memory_space<hbm>> -> memref<8x128xi32, #tpu.memory_space<hbm>>
        %dma_start3A_65 = arith.constant 0 : i32
        %dma_start3A_66 = tpu.memref_slice %arg4[%add3A_55, %dma_start3A_65] : memref<2560x128xi32, #tpu.memory_space<hbm>> -> memref<8x128xi32, #tpu.memory_space<hbm>>
        tpu.enqueue_dma source(%dma_start3A_66 : memref<8x128xi32, #tpu.memory_space<hbm>>) target(%arg7 : memref<8x128xi32, #tpu.memory_space<vmem>>) target_semaphore(%run_scoped3A : memref<!tpu.dma_semaphore, #tpu.memory_space<semaphore_mem>>)
        %dma_wait3A = arith.constant 0 : i32
        %dma_wait3A_67 = tpu.memref_slice %arg4[%add3A_55, %dma_wait3A] : memref<2560x128xi32, #tpu.memory_space<hbm>> -> memref<8x128xi32, #tpu.memory_space<hbm>>
        %dma_wait3A_68 = arith.constant 0 : i32
        %dma_wait3A_69 = tpu.memref_slice %arg4[%add3A_55, %dma_wait3A_68] : memref<2560x128xi32, #tpu.memory_space<hbm>> -> memref<8x128xi32, #tpu.memory_space<hbm>>
        tpu.wait_dma2 semaphore(%run_scoped3A : memref<!tpu.dma_semaphore, #tpu.memory_space<semaphore_mem>>) src(%dma_wait3A_69 : memref<8x128xi32, #tpu.memory_space<hbm>>) dst(%arg7 : memref<8x128xi32, #tpu.memory_space<vmem>>)
        tpu.yield
      }) : () -> ()
      %scan3A_56 = arith.constant 0 : i32
      %scan3A_57 = arith.constant 0 : i32
      %scan3A_58 = arith.constant 4 : i32
      %scan3A_59 = arith.addi %scan3A_57, %scan3A_58 : i32
      %scan3A_60 = arith.constant 1 : i32
      %scan3A_61 = scf.for %scan3A_64 = %scan3A_57 to %scan3A_59 step %scan3A_60 iter_args(%scan3A_65 = %scan3A_56) -> (i32)  : i32 {
        %gt3A_66 = arith.constant 0 : i32
        %gt3A_67 = arith.cmpi sgt, %scan3A_64, %gt3A_66 : i32
        %convert_element_type3A_68 = arith.extui %gt3A_67 : i1 to i32
        %cond3A_69 = arith.constant 0 : i32
        %cond3A_70 = arith.cmpi ne, %convert_element_type3A_68, %cond3A_69 : i32
        scf.if %cond3A_70 {
          %dma_wait3A_112 = arith.constant 0 : i32
          %dma_wait3A_113 = arith.constant 0 : i32
          %dma_wait3A_114 = tpu.memref_slice %arg2[%dma_wait3A_112, %dma_wait3A_113] : memref<10000x128xf32, #tpu.memory_space<hbm>> -> memref<128x128xf32, #tpu.memory_space<hbm>>
          %dma_wait3A_115 = arith.constant 0 : i32
          %dma_wait3A_116 = arith.constant 0 : i32
          %dma_wait3A_117 = tpu.memref_slice %arg2[%dma_wait3A_115, %dma_wait3A_116] : memref<10000x128xf32, #tpu.memory_space<hbm>> -> memref<128x128xf32, #tpu.memory_space<hbm>>
          tpu.wait_dma2 semaphore(%arg10 : memref<!tpu.dma_semaphore, #tpu.memory_space<semaphore_mem>>) src(%dma_wait3A_117 : memref<128x128xf32, #tpu.memory_space<hbm>>) dst(%arg8 : memref<128x128xf32, #tpu.memory_space<vmem>>)
          %dma_wait3A_118 = arith.constant 0 : i32
          %dma_wait3A_119 = arith.constant 0 : i32
          %dma_wait3A_120 = tpu.memref_slice %arg2[%dma_wait3A_118, %dma_wait3A_119] : memref<10000x128xf32, #tpu.memory_space<hbm>> -> memref<128x128xf32, #tpu.memory_space<hbm>>
          %dma_wait3A_121 = arith.constant 0 : i32
          %dma_wait3A_122 = arith.constant 0 : i32
          %dma_wait3A_123 = tpu.memref_slice %arg2[%dma_wait3A_121, %dma_wait3A_122] : memref<10000x128xf32, #tpu.memory_space<hbm>> -> memref<128x128xf32, #tpu.memory_space<hbm>>
          tpu.wait_dma2 semaphore(%arg11 : memref<!tpu.dma_semaphore, #tpu.memory_space<semaphore_mem>>) src(%dma_wait3A_123 : memref<128x128xf32, #tpu.memory_space<hbm>>) dst(%arg9 : memref<128x128xf32, #tpu.memory_space<vmem>>)
        } else {
        }
        %mul3A_71 = arith.constant 2 : i32
        %mul3A_72 = arith.muli %mul3A_71, %scan3A_64 : i32
        %mul3A_73 = arith.constant 2 : i32
        %mul3A_74 = arith.muli %mul3A_73, %scan3A_64 : i32
        %add3A_75 = arith.constant 1 : i32
        %add3A_76 = arith.addi %mul3A_74, %add3A_75 : i32
        %dma_start3A = arith.constant 0 : i32
        %dma_start3A_77 = tpu.memref_slice %arg6[%mul3A_72, %dma_start3A] : memref<8x128xi32, #tpu.memory_space<vmem>> -> memref<1x128xi32, #tpu.memory_space<vmem>>
        %dma_start3A_78 = tpu.memref_squeeze %dma_start3A_77 : memref<1x128xi32, #tpu.memory_space<vmem>> -> memref<128xi32, #tpu.memory_space<vmem>>
        %dma_start3A_79 = arith.constant 0 : i32
        %dma_start3A_80 = arith.constant 0 : i32
        %dma_start3A_81 = tpu.memref_slice %arg2[%dma_start3A_79, %dma_start3A_80] : memref<10000x128xf32, #tpu.memory_space<hbm>> -> memref<10000x128xf32, #tpu.memory_space<hbm>>
        tpu.enqueue_indirect_dma source(%dma_start3A_81 : memref<10000x128xf32, #tpu.memory_space<hbm>>) target(%arg8 : memref<128x128xf32, #tpu.memory_space<vmem>>) offsets(%dma_start3A_78 : memref<128xi32, #tpu.memory_space<vmem>>) semaphore(%arg10 : memref<!tpu.dma_semaphore, #tpu.memory_space<semaphore_mem>>)
        %dma_start3A_82 = arith.constant 0 : i32
        %dma_start3A_83 = tpu.memref_slice %arg6[%add3A_76, %dma_start3A_82] : memref<8x128xi32, #tpu.memory_space<vmem>> -> memref<1x128xi32, #tpu.memory_space<vmem>>
        %dma_start3A_84 = tpu.memref_squeeze %dma_start3A_83 : memref<1x128xi32, #tpu.memory_space<vmem>> -> memref<128xi32, #tpu.memory_space<vmem>>
        %dma_start3A_85 = arith.constant 0 : i32
        %dma_start3A_86 = arith.constant 0 : i32
        %dma_start3A_87 = tpu.memref_slice %arg2[%dma_start3A_85, %dma_start3A_86] : memref<10000x128xf32, #tpu.memory_space<hbm>> -> memref<10000x128xf32, #tpu.memory_space<hbm>>
        tpu.enqueue_indirect_dma source(%dma_start3A_87 : memref<10000x128xf32, #tpu.memory_space<hbm>>) target(%arg9 : memref<128x128xf32, #tpu.memory_space<vmem>>) offsets(%dma_start3A_84 : memref<128xi32, #tpu.memory_space<vmem>>) semaphore(%arg11 : memref<!tpu.dma_semaphore, #tpu.memory_space<semaphore_mem>>)
        %dma_wait3A = arith.constant 0 : i32
        %dma_wait3A_88 = tpu.memref_slice %arg6[%mul3A_72, %dma_wait3A] : memref<8x128xi32, #tpu.memory_space<vmem>> -> memref<1x128xi32, #tpu.memory_space<vmem>>
        %dma_wait3A_89 = tpu.memref_squeeze %dma_wait3A_88 : memref<1x128xi32, #tpu.memory_space<vmem>> -> memref<128xi32, #tpu.memory_space<vmem>>
        %dma_wait3A_90 = arith.constant 0 : i32
        %dma_wait3A_91 = arith.constant 0 : i32
        %dma_wait3A_92 = tpu.memref_slice %arg2[%dma_wait3A_90, %dma_wait3A_91] : memref<10000x128xf32, #tpu.memory_space<hbm>> -> memref<10000x128xf32, #tpu.memory_space<hbm>>
        tpu.wait_indirect_dma semaphore(%arg10 : memref<!tpu.dma_semaphore, #tpu.memory_space<semaphore_mem>>) src(%dma_wait3A_92 : memref<10000x128xf32, #tpu.memory_space<hbm>>) dst(%arg8 : memref<128x128xf32, #tpu.memory_space<vmem>>)
        %dma_start3A_93 = arith.constant 0 : i32
        %dma_start3A_94 = tpu.memref_slice %arg7[%mul3A_72, %dma_start3A_93] : memref<8x128xi32, #tpu.memory_space<vmem>> -> memref<1x128xi32, #tpu.memory_space<vmem>>
        %dma_start3A_95 = tpu.memref_squeeze %dma_start3A_94 : memref<1x128xi32, #tpu.memory_space<vmem>> -> memref<128xi32, #tpu.memory_space<vmem>>
        %dma_start3A_96 = arith.constant 0 : i32
        %dma_start3A_97 = arith.constant 0 : i32
        %dma_start3A_98 = tpu.memref_slice %arg12[%dma_start3A_96, %dma_start3A_97] : memref<10112x128xf32, #tpu.memory_space<vmem_shared>> -> memref<10112x128xf32, #tpu.memory_space<vmem_shared>>
        tpu.enqueue_indirect_dma source(%arg8 : memref<128x128xf32, #tpu.memory_space<vmem>>) target(%dma_start3A_98 : memref<10112x128xf32, #tpu.memory_space<vmem_shared>>) offsets(%dma_start3A_95 : memref<128xi32, #tpu.memory_space<vmem>>) semaphore(%arg10 : memref<!tpu.dma_semaphore, #tpu.memory_space<semaphore_mem>>) {add = true}
        %dma_wait3A_99 = arith.constant 0 : i32
        %dma_wait3A_100 = tpu.memref_slice %arg6[%add3A_76, %dma_wait3A_99] : memref<8x128xi32, #tpu.memory_space<vmem>> -> memref<1x128xi32, #tpu.memory_space<vmem>>
        %dma_wait3A_101 = tpu.memref_squeeze %dma_wait3A_100 : memref<1x128xi32, #tpu.memory_space<vmem>> -> memref<128xi32, #tpu.memory_space<vmem>>
        %dma_wait3A_102 = arith.constant 0 : i32
        %dma_wait3A_103 = arith.constant 0 : i32
        %dma_wait3A_104 = tpu.memref_slice %arg2[%dma_wait3A_102, %dma_wait3A_103] : memref<10000x128xf32, #tpu.memory_space<hbm>> -> memref<10000x128xf32, #tpu.memory_space<hbm>>
        tpu.wait_indirect_dma semaphore(%arg11 : memref<!tpu.dma_semaphore, #tpu.memory_space<semaphore_mem>>) src(%dma_wait3A_104 : memref<10000x128xf32, #tpu.memory_space<hbm>>) dst(%arg9 : memref<128x128xf32, #tpu.memory_space<vmem>>)
        %dma_start3A_105 = arith.constant 0 : i32
        %dma_start3A_106 = tpu.memref_slice %arg7[%add3A_76, %dma_start3A_105] : memref<8x128xi32, #tpu.memory_space<vmem>> -> memref<1x128xi32, #tpu.memory_space<vmem>>
        %dma_start3A_107 = tpu.memref_squeeze %dma_start3A_106 : memref<1x128xi32, #tpu.memory_space<vmem>> -> memref<128xi32, #tpu.memory_space<vmem>>
        %dma_start3A_108 = arith.constant 0 : i32
        %dma_start3A_109 = arith.constant 0 : i32
        %dma_start3A_110 = tpu.memref_slice %arg12[%dma_start3A_108, %dma_start3A_109] : memref<10112x128xf32, #tpu.memory_space<vmem_shared>> -> memref<10112x128xf32, #tpu.memory_space<vmem_shared>>
        tpu.enqueue_indirect_dma source(%arg9 : memref<128x128xf32, #tpu.memory_space<vmem>>) target(%dma_start3A_110 : memref<10112x128xf32, #tpu.memory_space<vmem_shared>>) offsets(%dma_start3A_107 : memref<128xi32, #tpu.memory_space<vmem>>) semaphore(%arg11 : memref<!tpu.dma_semaphore, #tpu.memory_space<semaphore_mem>>) {add = true}
        %scan3A_111 = arith.constant 0 : i32
        scf.yield %scan3A_111 : i32
      }
      %scan3A_62 = arith.constant 4 : i32
      %while3A_63 = arith.constant 0 : i32
      scf.yield %while3A_63 : i32
    }
    %while3A_38 = arith.constant 1 : i32
    %while3A_39 = scf.for %while3A_43 = %while3A_35 to %while3A_31 step %while3A_38 iter_args(%while3A_44 = %while3A_37) -> (i32)  : i32 {
      %gt3A_45 = arith.constant 0 : i32
      %gt3A_46 = arith.cmpi sgt, %while3A_43, %gt3A_45 : i32
      %convert_element_type3A_47 = arith.extui %gt3A_46 : i1 to i32
      %cond3A_48 = arith.constant 0 : i32
      %cond3A_49 = arith.cmpi ne, %convert_element_type3A_47, %cond3A_48 : i32
      scf.if %cond3A_49 {
        %dma_wait3A = arith.constant 0 : i32
        %dma_wait3A_64 = arith.constant 0 : i32
        %dma_wait3A_65 = tpu.memref_slice %arg2[%dma_wait3A, %dma_wait3A_64] : memref<10000x128xf32, #tpu.memory_space<hbm>> -> memref<128x128xf32, #tpu.memory_space<hbm>>
        %dma_wait3A_66 = arith.constant 0 : i32
        %dma_wait3A_67 = arith.constant 0 : i32
        %dma_wait3A_68 = tpu.memref_slice %arg2[%dma_wait3A_66, %dma_wait3A_67] : memref<10000x128xf32, #tpu.memory_space<hbm>> -> memref<128x128xf32, #tpu.memory_space<hbm>>
        tpu.wait_dma2 semaphore(%arg10 : memref<!tpu.dma_semaphore, #tpu.memory_space<semaphore_mem>>) src(%dma_wait3A_68 : memref<128x128xf32, #tpu.memory_space<hbm>>) dst(%arg8 : memref<128x128xf32, #tpu.memory_space<vmem>>)
        %dma_wait3A_69 = arith.constant 0 : i32
        %dma_wait3A_70 = arith.constant 0 : i32
        %dma_wait3A_71 = tpu.memref_slice %arg2[%dma_wait3A_69, %dma_wait3A_70] : memref<10000x128xf32, #tpu.memory_space<hbm>> -> memref<128x128xf32, #tpu.memory_space<hbm>>
        %dma_wait3A_72 = arith.constant 0 : i32
        %dma_wait3A_73 = arith.constant 0 : i32
        %dma_wait3A_74 = tpu.memref_slice %arg2[%dma_wait3A_72, %dma_wait3A_73] : memref<10000x128xf32, #tpu.memory_space<hbm>> -> memref<128x128xf32, #tpu.memory_space<hbm>>
        tpu.wait_dma2 semaphore(%arg11 : memref<!tpu.dma_semaphore, #tpu.memory_space<semaphore_mem>>) src(%dma_wait3A_74 : memref<128x128xf32, #tpu.memory_space<hbm>>) dst(%arg9 : memref<128x128xf32, #tpu.memory_space<vmem>>)
      } else {
      }
      %mul3A_50 = arith.constant 8 : i32
      %mul3A_51 = arith.muli %while3A_43, %mul3A_50 : i32
      %add3A_52 = arith.addi %select_n3A_28, %mul3A_51 : i32
      "tpu.region"() ({
        %run_scoped3A = tpu.sem_alloc : memref<!tpu.dma_semaphore, #tpu.memory_space<semaphore_mem>>
        %dma_start3A = arith.constant 0 : i32
        %dma_start3A_64 = tpu.memref_slice %arg3[%add3A_52, %dma_start3A] : memref<2560x128xi32, #tpu.memory_space<hbm>> -> memref<8x128xi32, #tpu.memory_space<hbm>>
        %dma_start3A_65 = arith.constant 0 : i32
        %dma_start3A_66 = tpu.memref_slice %arg3[%add3A_52, %dma_start3A_65] : memref<2560x128xi32, #tpu.memory_space<hbm>> -> memref<8x128xi32, #tpu.memory_space<hbm>>
        tpu.enqueue_dma source(%dma_start3A_66 : memref<8x128xi32, #tpu.memory_space<hbm>>) target(%arg6 : memref<8x128xi32, #tpu.memory_space<vmem>>) target_semaphore(%run_scoped3A : memref<!tpu.dma_semaphore, #tpu.memory_space<semaphore_mem>>)
        %dma_wait3A = arith.constant 0 : i32
        %dma_wait3A_67 = tpu.memref_slice %arg3[%add3A_52, %dma_wait3A] : memref<2560x128xi32, #tpu.memory_space<hbm>> -> memref<8x128xi32, #tpu.memory_space<hbm>>
        %dma_wait3A_68 = arith.constant 0 : i32
        %dma_wait3A_69 = tpu.memref_slice %arg3[%add3A_52, %dma_wait3A_68] : memref<2560x128xi32, #tpu.memory_space<hbm>> -> memref<8x128xi32, #tpu.memory_space<hbm>>
        tpu.wait_dma2 semaphore(%run_scoped3A : memref<!tpu.dma_semaphore, #tpu.memory_space<semaphore_mem>>) src(%dma_wait3A_69 : memref<8x128xi32, #tpu.memory_space<hbm>>) dst(%arg6 : memref<8x128xi32, #tpu.memory_space<vmem>>)
        tpu.yield
      }) : () -> ()
      %mul3A_53 = arith.constant 8 : i32
      %mul3A_54 = arith.muli %while3A_43, %mul3A_53 : i32
      %add3A_55 = arith.addi %select_n3A_28, %mul3A_54 : i32
      "tpu.region"() ({
        %run_scoped3A = tpu.sem_alloc : memref<!tpu.dma_semaphore, #tpu.memory_space<semaphore_mem>>
        %dma_start3A = arith.constant 0 : i32
        %dma_start3A_64 = tpu.memref_slice %arg4[%add3A_55, %dma_start3A] : memref<2560x128xi32, #tpu.memory_space<hbm>> -> memref<8x128xi32, #tpu.memory_space<hbm>>
        %dma_start3A_65 = arith.constant 0 : i32
        %dma_start3A_66 = tpu.memref_slice %arg4[%add3A_55, %dma_start3A_65] : memref<2560x128xi32, #tpu.memory_space<hbm>> -> memref<8x128xi32, #tpu.memory_space<hbm>>
        tpu.enqueue_dma source(%dma_start3A_66 : memref<8x128xi32, #tpu.memory_space<hbm>>) target(%arg7 : memref<8x128xi32, #tpu.memory_space<vmem>>) target_semaphore(%run_scoped3A : memref<!tpu.dma_semaphore, #tpu.memory_space<semaphore_mem>>)
        %dma_wait3A = arith.constant 0 : i32
        %dma_wait3A_67 = tpu.memref_slice %arg4[%add3A_55, %dma_wait3A] : memref<2560x128xi32, #tpu.memory_space<hbm>> -> memref<8x128xi32, #tpu.memory_space<hbm>>
        %dma_wait3A_68 = arith.constant 0 : i32
        %dma_wait3A_69 = tpu.memref_slice %arg4[%add3A_55, %dma_wait3A_68] : memref<2560x128xi32, #tpu.memory_space<hbm>> -> memref<8x128xi32, #tpu.memory_space<hbm>>
        tpu.wait_dma2 semaphore(%run_scoped3A : memref<!tpu.dma_semaphore, #tpu.memory_space<semaphore_mem>>) src(%dma_wait3A_69 : memref<8x128xi32, #tpu.memory_space<hbm>>) dst(%arg7 : memref<8x128xi32, #tpu.memory_space<vmem>>)
        tpu.yield
      }) : () -> ()
      %scan3A_56 = arith.constant 0 : i32
      %scan3A_57 = arith.constant 0 : i32
      %scan3A_58 = arith.constant 4 : i32
      %scan3A_59 = arith.addi %scan3A_57, %scan3A_58 : i32
      %scan3A_60 = arith.constant 1 : i32
      %scan3A_61 = scf.for %scan3A_64 = %scan3A_57 to %scan3A_59 step %scan3A_60 iter_args(%scan3A_65 = %scan3A_56) -> (i32)  : i32 {
        %gt3A_66 = arith.constant 0 : i32
        %gt3A_67 = arith.cmpi sgt, %scan3A_64, %gt3A_66 : i32
        %convert_element_type3A_68 = arith.extui %gt3A_67 : i1 to i32
        %cond3A_69 = arith.constant 0 : i32
        %cond3A_70 = arith.cmpi ne, %convert_element_type3A_68, %cond3A_69 : i32
        scf.if %cond3A_70 {
          %dma_wait3A_112 = arith.constant 0 : i32
          %dma_wait3A_113 = arith.constant 0 : i32
          %dma_wait3A_114 = tpu.memref_slice %arg2[%dma_wait3A_112, %dma_wait3A_113] : memref<10000x128xf32, #tpu.memory_space<hbm>> -> memref<128x128xf32, #tpu.memory_space<hbm>>
          %dma_wait3A_115 = arith.constant 0 : i32
          %dma_wait3A_116 = arith.constant 0 : i32
          %dma_wait3A_117 = tpu.memref_slice %arg2[%dma_wait3A_115, %dma_wait3A_116] : memref<10000x128xf32, #tpu.memory_space<hbm>> -> memref<128x128xf32, #tpu.memory_space<hbm>>
          tpu.wait_dma2 semaphore(%arg10 : memref<!tpu.dma_semaphore, #tpu.memory_space<semaphore_mem>>) src(%dma_wait3A_117 : memref<128x128xf32, #tpu.memory_space<hbm>>) dst(%arg8 : memref<128x128xf32, #tpu.memory_space<vmem>>)
          %dma_wait3A_118 = arith.constant 0 : i32
          %dma_wait3A_119 = arith.constant 0 : i32
          %dma_wait3A_120 = tpu.memref_slice %arg2[%dma_wait3A_118, %dma_wait3A_119] : memref<10000x128xf32, #tpu.memory_space<hbm>> -> memref<128x128xf32, #tpu.memory_space<hbm>>
          %dma_wait3A_121 = arith.constant 0 : i32
          %dma_wait3A_122 = arith.constant 0 : i32
          %dma_wait3A_123 = tpu.memref_slice %arg2[%dma_wait3A_121, %dma_wait3A_122] : memref<10000x128xf32, #tpu.memory_space<hbm>> -> memref<128x128xf32, #tpu.memory_space<hbm>>
          tpu.wait_dma2 semaphore(%arg11 : memref<!tpu.dma_semaphore, #tpu.memory_space<semaphore_mem>>) src(%dma_wait3A_123 : memref<128x128xf32, #tpu.memory_space<hbm>>) dst(%arg9 : memref<128x128xf32, #tpu.memory_space<vmem>>)
        } else {
        }
        %mul3A_71 = arith.constant 2 : i32
        %mul3A_72 = arith.muli %mul3A_71, %scan3A_64 : i32
        %mul3A_73 = arith.constant 2 : i32
        %mul3A_74 = arith.muli %mul3A_73, %scan3A_64 : i32
        %add3A_75 = arith.constant 1 : i32
        %add3A_76 = arith.addi %mul3A_74, %add3A_75 : i32
        %dma_start3A = arith.constant 0 : i32
        %dma_start3A_77 = tpu.memref_slice %arg6[%mul3A_72, %dma_start3A] : memref<8x128xi32, #tpu.memory_space<vmem>> -> memref<1x128xi32, #tpu.memory_space<vmem>>
        %dma_start3A_78 = tpu.memref_squeeze %dma_start3A_77 : memref<1x128xi32, #tpu.memory_space<vmem>> -> memref<128xi32, #tpu.memory_space<vmem>>
        %dma_start3A_79 = arith.constant 0 : i32
        %dma_start3A_80 = arith.constant 0 : i32
        %dma_start3A_81 = tpu.memref_slice %arg2[%dma_start3A_79, %dma_start3A_80] : memref<10000x128xf32, #tpu.memory_space<hbm>> -> memref<10000x128xf32, #tpu.memory_space<hbm>>
        tpu.enqueue_indirect_dma source(%dma_start3A_81 : memref<10000x128xf32, #tpu.memory_space<hbm>>) target(%arg8 : memref<128x128xf32, #tpu.memory_space<vmem>>) offsets(%dma_start3A_78 : memref<128xi32, #tpu.memory_space<vmem>>) semaphore(%arg10 : memref<!tpu.dma_semaphore, #tpu.memory_space<semaphore_mem>>)
        %dma_start3A_82 = arith.constant 0 : i32
        %dma_start3A_83 = tpu.memref_slice %arg6[%add3A_76, %dma_start3A_82] : memref<8x128xi32, #tpu.memory_space<vmem>> -> memref<1x128xi32, #tpu.memory_space<vmem>>
        %dma_start3A_84 = tpu.memref_squeeze %dma_start3A_83 : memref<1x128xi32, #tpu.memory_space<vmem>> -> memref<128xi32, #tpu.memory_space<vmem>>
        %dma_start3A_85 = arith.constant 0 : i32
        %dma_start3A_86 = arith.constant 0 : i32
        %dma_start3A_87 = tpu.memref_slice %arg2[%dma_start3A_85, %dma_start3A_86] : memref<10000x128xf32, #tpu.memory_space<hbm>> -> memref<10000x128xf32, #tpu.memory_space<hbm>>
        tpu.enqueue_indirect_dma source(%dma_start3A_87 : memref<10000x128xf32, #tpu.memory_space<hbm>>) target(%arg9 : memref<128x128xf32, #tpu.memory_space<vmem>>) offsets(%dma_start3A_84 : memref<128xi32, #tpu.memory_space<vmem>>) semaphore(%arg11 : memref<!tpu.dma_semaphore, #tpu.memory_space<semaphore_mem>>)
        %dma_wait3A = arith.constant 0 : i32
        %dma_wait3A_88 = tpu.memref_slice %arg6[%mul3A_72, %dma_wait3A] : memref<8x128xi32, #tpu.memory_space<vmem>> -> memref<1x128xi32, #tpu.memory_space<vmem>>
        %dma_wait3A_89 = tpu.memref_squeeze %dma_wait3A_88 : memref<1x128xi32, #tpu.memory_space<vmem>> -> memref<128xi32, #tpu.memory_space<vmem>>
        %dma_wait3A_90 = arith.constant 0 : i32
        %dma_wait3A_91 = arith.constant 0 : i32
        %dma_wait3A_92 = tpu.memref_slice %arg2[%dma_wait3A_90, %dma_wait3A_91] : memref<10000x128xf32, #tpu.memory_space<hbm>> -> memref<10000x128xf32, #tpu.memory_space<hbm>>
        tpu.wait_indirect_dma semaphore(%arg10 : memref<!tpu.dma_semaphore, #tpu.memory_space<semaphore_mem>>) src(%dma_wait3A_92 : memref<10000x128xf32, #tpu.memory_space<hbm>>) dst(%arg8 : memref<128x128xf32, #tpu.memory_space<vmem>>)
        %dma_start3A_93 = arith.constant 0 : i32
        %dma_start3A_94 = tpu.memref_slice %arg7[%mul3A_72, %dma_start3A_93] : memref<8x128xi32, #tpu.memory_space<vmem>> -> memref<1x128xi32, #tpu.memory_space<vmem>>
        %dma_start3A_95 = tpu.memref_squeeze %dma_start3A_94 : memref<1x128xi32, #tpu.memory_space<vmem>> -> memref<128xi32, #tpu.memory_space<vmem>>
        %dma_start3A_96 = arith.constant 0 : i32
        %dma_start3A_97 = arith.constant 0 : i32
        %dma_start3A_98 = tpu.memref_slice %arg12[%dma_start3A_96, %dma_start3A_97] : memref<10112x128xf32, #tpu.memory_space<vmem_shared>> -> memref<10112x128xf32, #tpu.memory_space<vmem_shared>>
        tpu.enqueue_indirect_dma source(%arg8 : memref<128x128xf32, #tpu.memory_space<vmem>>) target(%dma_start3A_98 : memref<10112x128xf32, #tpu.memory_space<vmem_shared>>) offsets(%dma_start3A_95 : memref<128xi32, #tpu.memory_space<vmem>>) semaphore(%arg10 : memref<!tpu.dma_semaphore, #tpu.memory_space<semaphore_mem>>) {add = true}
        %dma_wait3A_99 = arith.constant 0 : i32
        %dma_wait3A_100 = tpu.memref_slice %arg6[%add3A_76, %dma_wait3A_99] : memref<8x128xi32, #tpu.memory_space<vmem>> -> memref<1x128xi32, #tpu.memory_space<vmem>>
        %dma_wait3A_101 = tpu.memref_squeeze %dma_wait3A_100 : memref<1x128xi32, #tpu.memory_space<vmem>> -> memref<128xi32, #tpu.memory_space<vmem>>
        %dma_wait3A_102 = arith.constant 0 : i32
        %dma_wait3A_103 = arith.constant 0 : i32
        %dma_wait3A_104 = tpu.memref_slice %arg2[%dma_wait3A_102, %dma_wait3A_103] : memref<10000x128xf32, #tpu.memory_space<hbm>> -> memref<10000x128xf32, #tpu.memory_space<hbm>>
        tpu.wait_indirect_dma semaphore(%arg11 : memref<!tpu.dma_semaphore, #tpu.memory_space<semaphore_mem>>) src(%dma_wait3A_104 : memref<10000x128xf32, #tpu.memory_space<hbm>>) dst(%arg9 : memref<128x128xf32, #tpu.memory_space<vmem>>)
        %dma_start3A_105 = arith.constant 0 : i32
        %dma_start3A_106 = tpu.memref_slice %arg7[%add3A_76, %dma_start3A_105] : memref<8x128xi32, #tpu.memory_space<vmem>> -> memref<1x128xi32, #tpu.memory_space<vmem>>
        %dma_start3A_107 = tpu.memref_squeeze %dma_start3A_106 : memref<1x128xi32, #tpu.memory_space<vmem>> -> memref<128xi32, #tpu.memory_space<vmem>>
        %dma_start3A_108 = arith.constant 0 : i32
        %dma_start3A_109 = arith.constant 0 : i32
        %dma_start3A_110 = tpu.memref_slice %arg12[%dma_start3A_108, %dma_start3A_109] : memref<10112x128xf32, #tpu.memory_space<vmem_shared>> -> memref<10112x128xf32, #tpu.memory_space<vmem_shared>>
        tpu.enqueue_indirect_dma source(%arg9 : memref<128x128xf32, #tpu.memory_space<vmem>>) target(%dma_start3A_110 : memref<10112x128xf32, #tpu.memory_space<vmem_shared>>) offsets(%dma_start3A_107 : memref<128xi32, #tpu.memory_space<vmem>>) semaphore(%arg11 : memref<!tpu.dma_semaphore, #tpu.memory_space<semaphore_mem>>) {add = true}
        %scan3A_111 = arith.constant 0 : i32
        scf.yield %scan3A_111 : i32
      }
      %scan3A_62 = arith.constant 4 : i32
      %while3A_63 = arith.constant 0 : i32
      scf.yield %while3A_63 : i32
    }
    %gt3A = arith.constant 0 : i32
    %gt3A_40 = arith.cmpi sgt, %select_n3A_19, %gt3A : i32
    %convert_element_type3A = arith.extui %gt3A_40 : i1 to i32
    %cond3A = arith.constant 0 : i32
    %cond3A_41 = arith.cmpi ne, %convert_element_type3A, %cond3A : i32
    scf.if %cond3A_41 {
      %dma_wait3A = arith.constant 0 : i32
      %dma_wait3A_43 = arith.constant 0 : i32
      %dma_wait3A_44 = tpu.memref_slice %arg2[%dma_wait3A, %dma_wait3A_43] : memref<10000x128xf32, #tpu.memory_space<hbm>> -> memref<128x128xf32, #tpu.memory_space<hbm>>
      %dma_wait3A_45 = arith.constant 0 : i32
      %dma_wait3A_46 = arith.constant 0 : i32
      %dma_wait3A_47 = tpu.memref_slice %arg2[%dma_wait3A_45, %dma_wait3A_46] : memref<10000x128xf32, #tpu.memory_space<hbm>> -> memref<128x128xf32, #tpu.memory_space<hbm>>
      tpu.wait_dma2 semaphore(%arg10 : memref<!tpu.dma_semaphore, #tpu.memory_space<semaphore_mem>>) src(%dma_wait3A_47 : memref<128x128xf32, #tpu.memory_space<hbm>>) dst(%arg8 : memref<128x128xf32, #tpu.memory_space<vmem>>)
      %dma_wait3A_48 = arith.constant 0 : i32
      %dma_wait3A_49 = arith.constant 0 : i32
      %dma_wait3A_50 = tpu.memref_slice %arg2[%dma_wait3A_48, %dma_wait3A_49] : memref<10000x128xf32, #tpu.memory_space<hbm>> -> memref<128x128xf32, #tpu.memory_space<hbm>>
      %dma_wait3A_51 = arith.constant 0 : i32
      %dma_wait3A_52 = arith.constant 0 : i32
      %dma_wait3A_53 = tpu.memref_slice %arg2[%dma_wait3A_51, %dma_wait3A_52] : memref<10000x128xf32, #tpu.memory_space<hbm>> -> memref<128x128xf32, #tpu.memory_space<hbm>>
      tpu.wait_dma2 semaphore(%arg11 : memref<!tpu.dma_semaphore, #tpu.memory_space<semaphore_mem>>) src(%dma_wait3A_53 : memref<128x128xf32, #tpu.memory_space<hbm>>) dst(%arg9 : memref<128x128xf32, #tpu.memory_space<vmem>>)
    } else {
    }
    %barrier3A_42 = arith.constant 0 : index
    tpu.barrier barrier_id(%barrier3A_42)
    "tpu.trace_stop"() : () -> ()
    "tpu.trace_start"() <{level = 10 : i32, message = "writeback"}> : () -> ()
    "tpu.region"() ({
      %run_scoped3A = tpu.sem_alloc : memref<!tpu.dma_semaphore, #tpu.memory_space<semaphore_mem>>
      %dma_start3A = arith.constant 0 : i32
      %dma_start3A_43 = tpu.memref_slice %arg5[%arg0, %mul3A_0, %dma_start3A] : memref<2x10112x128xf32, #tpu.memory_space<hbm>> -> memref<1x632x128xf32, #tpu.memory_space<hbm>>
      %dma_start3A_44 = tpu.memref_squeeze %dma_start3A_43 : memref<1x632x128xf32, #tpu.memory_space<hbm>> -> memref<632x128xf32, #tpu.memory_space<hbm>>
      %dma_start3A_45 = arith.constant 0 : i32
      %dma_start3A_46 = tpu.memref_slice %arg12[%mul3A_0, %dma_start3A_45] : memref<10112x128xf32, #tpu.memory_space<vmem_shared>> -> memref<632x128xf32, #tpu.memory_space<vmem_shared>>
      tpu.enqueue_dma source(%dma_start3A_46 : memref<632x128xf32, #tpu.memory_space<vmem_shared>>) target(%dma_start3A_44 : memref<632x128xf32, #tpu.memory_space<hbm>>) target_semaphore(%run_scoped3A : memref<!tpu.dma_semaphore, #tpu.memory_space<semaphore_mem>>)
      %dma_wait3A = arith.constant 0 : i32
      %dma_wait3A_47 = tpu.memref_slice %arg5[%arg0, %mul3A_0, %dma_wait3A] : memref<2x10112x128xf32, #tpu.memory_space<hbm>> -> memref<1x632x128xf32, #tpu.memory_space<hbm>>
      %dma_wait3A_48 = tpu.memref_squeeze %dma_wait3A_47 : memref<1x632x128xf32, #tpu.memory_space<hbm>> -> memref<632x128xf32, #tpu.memory_space<hbm>>
      %dma_wait3A_49 = arith.constant 0 : i32
      %dma_wait3A_50 = tpu.memref_slice %arg12[%mul3A_0, %dma_wait3A_49] : memref<10112x128xf32, #tpu.memory_space<vmem_shared>> -> memref<632x128xf32, #tpu.memory_space<vmem_shared>>
      tpu.wait_dma2 semaphore(%run_scoped3A : memref<!tpu.dma_semaphore, #tpu.memory_space<semaphore_mem>>) src(%dma_wait3A_50 : memref<632x128xf32, #tpu.memory_space<vmem_shared>>) dst(%dma_wait3A_48 : memref<632x128xf32, #tpu.memory_space<hbm>>)
      tpu.yield
    }) : () -> ()
    "tpu.trace_stop"() : () -> ()
    return
  }
}

module attributes {stable_mosaic.version = 14 : i64} {
  func.func @_dinv_body(%arg0: memref<2x79x128xf32, #tpu.memory_space<vmem>>, %arg1: memref<79x128xf32, #tpu.memory_space<vmem>>) attributes {dimension_semantics = [], scalar_prefetch = 0 : i64, scratch_operands = 0 : i64, tpu.core_type = #tpu.core_type<tc>} {
    %get3A = arith.constant 0 : index
    %get3A_0 = arith.constant 0 : index
    %get3A_1 = arith.constant 0 : index
    %get3A_2 = vector.load %arg0[%get3A, %get3A_0, %get3A_1] : memref<2x79x128xf32, #tpu.memory_space<vmem>>, vector<1x79x128xf32>
    %get3A_3 = vector.shape_cast %get3A_2 : vector<1x79x128xf32> to vector<79x128xf32>
    %get3A_4 = arith.constant 1 : index
    %get3A_5 = arith.constant 0 : index
    %get3A_6 = arith.constant 0 : index
    %get3A_7 = vector.load %arg0[%get3A_4, %get3A_5, %get3A_6] : memref<2x79x128xf32, #tpu.memory_space<vmem>>, vector<1x79x128xf32>
    %get3A_8 = vector.shape_cast %get3A_7 : vector<1x79x128xf32> to vector<79x128xf32>
    %add3A = arith.addf %get3A_3, %get3A_8 : vector<79x128xf32>
    %add3A_9 = arith.constant 1.000000e+00 : f32
    %add3A_10 = vector.broadcast %add3A_9 : f32 to vector<79x128xf32>
    %add3A_11 = arith.addf %add3A, %add3A_10 : vector<79x128xf32>
    %rsqrt3A = math.rsqrt %add3A_11 : vector<79x128xf32>
    %swap3A = arith.constant 0 : index
    %swap3A_12 = arith.constant 0 : index
    %swap3A_13 = vector.load %arg1[%swap3A, %swap3A_12] : memref<79x128xf32, #tpu.memory_space<vmem>>, vector<79x128xf32>
    tpu.vector_store %arg1[%swap3A, %swap3A_12], %rsqrt3A {strides = array<i32>} : memref<79x128xf32, #tpu.memory_space<vmem>>, vector<79x128xf32>,
    return
  }
}

module attributes {stable_mosaic.version = 14 : i64} {
  func.func @_mm_body(%arg0: i32, %arg1: memref<2000x128xf32, #tpu.memory_space<vmem>>, %arg2: memref<128x128xf32, #tpu.memory_space<vmem>>, %arg3: memref<2000x1xf32, #tpu.memory_space<vmem>>, %arg4: memref<2000x128xf32, #tpu.memory_space<vmem>>) attributes {dimension_semantics = [#tpu.dimension_semantics<arbitrary>], iteration_bounds = array<i64: 5>, scalar_prefetch = 0 : i64, scratch_operands = 0 : i64, tpu.core_type = #tpu.core_type<tc>, window_params = [{transform_indices = @transform_0, window_bounds = array<i64: 2000, 128>}, {pipeline_mode = #tpu.pipeline_mode<synchronous>, transform_indices = @transform_1, window_bounds = array<i64: 128, 128>}, {transform_indices = @transform_2, window_bounds = array<i64: 2000, 1>}, {transform_indices = @transform_3, window_bounds = array<i64: 2000, 128>}]} {
    %get3A = arith.constant 0 : index
    %get3A_0 = arith.constant 0 : index
    %get3A_1 = vector.load %arg1[%get3A, %get3A_0] : memref<2000x128xf32, #tpu.memory_space<vmem>>, vector<2000x128xf32>
    %get3A_2 = arith.constant 0 : index
    %get3A_3 = arith.constant 0 : index
    %get3A_4 = vector.load %arg2[%get3A_2, %get3A_3] : memref<128x128xf32, #tpu.memory_space<vmem>>, vector<128x128xf32>
    %dot_general3A = arith.constant dense<0.000000e+00> : vector<2000x128xf32>
    %dot_general3A_5 = tpu.matmul %get3A_1, %get3A_4, %dot_general3A {dimension_numbers = #tpu.dot_dimension_numbers<[1], [0], [0], [1], [0, 0, 1, 1], [], []>, precision = #tpu.contract_precision<fp32>, transpose_lhs_hint = false} : vector<2000x128xf32>, vector<128x128xf32>, vector<2000x128xf32> -> vector<2000x128xf32>
    %get3A_6 = arith.constant 0 : index
    %get3A_7 = arith.constant 0 : index
    %get3A_8 = vector.load %arg3[%get3A_6, %get3A_7] : memref<2000x1xf32, #tpu.memory_space<vmem>>, vector<2000x1xf32>
    %mul3A = vector.broadcast %get3A_8 : vector<2000x1xf32> to vector<2000x128xf32>
    %mul3A_9 = arith.mulf %dot_general3A_5, %mul3A : vector<2000x128xf32>
    %swap3A = arith.constant 0 : index
    %swap3A_10 = arith.constant 0 : index
    %swap3A_11 = vector.load %arg4[%swap3A, %swap3A_10] : memref<2000x128xf32, #tpu.memory_space<vmem>>, vector<2000x128xf32>
    tpu.vector_store %arg4[%swap3A, %swap3A_10], %mul3A_9 {strides = array<i32>} : memref<2000x128xf32, #tpu.memory_space<vmem>>, vector<2000x128xf32>,
    return
  }
  func.func @transform_0(%arg0: i32) -> (i32, i32) {
    %c0_i32 = arith.constant 0 : i32
    %c0_i32_0 = arith.constant 0 : i32
    return %arg0, %c0_i32 : i32, i32
  }
  func.func @transform_1(%arg0: i32) -> (i32, i32) {
    %c0_i32 = arith.constant 0 : i32
    %c0_i32_0 = arith.constant 0 : i32
    %c0_i32_1 = arith.constant 0 : i32
    return %c0_i32, %c0_i32_0 : i32, i32
  }
  func.func @transform_2(%arg0: i32) -> (i32, i32) {
    %c0_i32 = arith.constant 0 : i32
    %c0_i32_0 = arith.constant 0 : i32
    return %arg0, %c0_i32 : i32, i32
  }
  func.func @transform_3(%arg0: i32) -> (i32, i32) {
    %c0_i32 = arith.constant 0 : i32
    %c0_i32_0 = arith.constant 0 : i32
    return %arg0, %c0_i32 : i32, i32
  }
}

module attributes {stable_mosaic.version = 14 : i64} {
  func.func @_combine_body(%arg0: i32, %arg1: memref<2x2000x128xf32, #tpu.memory_space<vmem>>, %arg2: memref<2000x128xf32, #tpu.memory_space<vmem>>, %arg3: memref<2000x1xf32, #tpu.memory_space<vmem>>, %arg4: memref<1x128xf32, #tpu.memory_space<vmem>>, %arg5: memref<2000x1xi32, #tpu.memory_space<vmem>>, %arg6: memref<2000x128xf32, #tpu.memory_space<vmem>>, %arg7: memref<3x16x128xf32, #tpu.memory_space<vmem>>) attributes {dimension_semantics = [#tpu.dimension_semantics<arbitrary>], iteration_bounds = array<i64: 5>, scalar_prefetch = 0 : i64, scratch_operands = 0 : i64, tpu.core_type = #tpu.core_type<tc>, window_params = [{transform_indices = @transform_0, window_bounds = array<i64: 2, 2000, 128>}, {transform_indices = @transform_1, window_bounds = array<i64: 2000, 128>}, {transform_indices = @transform_2, window_bounds = array<i64: 2000, 1>}, {pipeline_mode = #tpu.pipeline_mode<synchronous>, transform_indices = @transform_3, window_bounds = array<i64: 1, 128>}, {transform_indices = @transform_4, window_bounds = array<i64: 2000, 1>}, {transform_indices = @transform_5, window_bounds = array<i64: 2000, 128>}, {pipeline_mode = #tpu.pipeline_mode<synchronous>, transform_indices = @transform_6, window_bounds = array<i64: 3, 16, 128>}]} {
    %get3A = arith.constant 0 : index
    %get3A_0 = arith.constant 0 : index
    %get3A_1 = vector.load %arg3[%get3A, %get3A_0] : memref<2000x1xf32, #tpu.memory_space<vmem>>, vector<2000x1xf32>
    %get3A_2 = arith.constant 0 : index
    %get3A_3 = arith.constant 0 : index
    %get3A_4 = arith.constant 0 : index
    %get3A_5 = vector.load %arg1[%get3A_2, %get3A_3, %get3A_4] : memref<2x2000x128xf32, #tpu.memory_space<vmem>>, vector<1x2000x128xf32>
    %get3A_6 = vector.shape_cast %get3A_5 : vector<1x2000x128xf32> to vector<2000x128xf32>
    %get3A_7 = arith.constant 1 : index
    %get3A_8 = arith.constant 0 : index
    %get3A_9 = arith.constant 0 : index
    %get3A_10 = vector.load %arg1[%get3A_7, %get3A_8, %get3A_9] : memref<2x2000x128xf32, #tpu.memory_space<vmem>>, vector<1x2000x128xf32>
    %get3A_11 = vector.shape_cast %get3A_10 : vector<1x2000x128xf32> to vector<2000x128xf32>
    %add3A = arith.addf %get3A_6, %get3A_11 : vector<2000x128xf32>
    %get3A_12 = arith.constant 0 : index
    %get3A_13 = arith.constant 0 : index
    %get3A_14 = vector.load %arg2[%get3A_12, %get3A_13] : memref<2000x128xf32, #tpu.memory_space<vmem>>, vector<2000x128xf32>
    %add3A_15 = arith.addf %add3A, %get3A_14 : vector<2000x128xf32>
    %mul3A = vector.broadcast %get3A_1 : vector<2000x1xf32> to vector<2000x128xf32>
    %mul3A_16 = arith.mulf %mul3A, %add3A_15 : vector<2000x128xf32>
    %get3A_17 = arith.constant 0 : index
    %get3A_18 = arith.constant 0 : index
    %get3A_19 = vector.load %arg4[%get3A_17, %get3A_18] : memref<1x128xf32, #tpu.memory_space<vmem>>, vector<1x128xf32>
    %add3A_20 = vector.broadcast %get3A_19 : vector<1x128xf32> to vector<2000x128xf32>
    %add3A_21 = arith.addf %mul3A_16, %add3A_20 : vector<2000x128xf32>
    %swap3A = arith.constant 0 : index
    %swap3A_22 = arith.constant 0 : index
    %swap3A_23 = vector.load %arg6[%swap3A, %swap3A_22] : memref<2000x128xf32, #tpu.memory_space<vmem>>, vector<2000x128xf32>
    tpu.vector_store %arg6[%swap3A, %swap3A_22], %add3A_21 {strides = array<i32>} : memref<2000x128xf32, #tpu.memory_space<vmem>>, vector<2000x128xf32>,
    %get3A_24 = arith.constant 0 : index
    %get3A_25 = arith.constant 0 : index
    %get3A_26 = vector.load %arg5[%get3A_24, %get3A_25] : memref<2000x1xi32, #tpu.memory_space<vmem>>, vector<2000x1xi32>
    %iota3A = tpu.iota {dimensions = array<i32: 1>} : vector<1x16xi32>
    %eq3A = vector.broadcast %get3A_26 : vector<2000x1xi32> to vector<2000x16xi32>
    %eq3A_27 = vector.broadcast %iota3A : vector<1x16xi32> to vector<2000x16xi32>
    %eq3A_28 = arith.cmpi eq, %eq3A, %eq3A_27 : vector<2000x16xi32>
    %convert_element_type3A = arith.extui %eq3A_28 : vector<2000x16xi1> to vector<2000x16xi32>
    %convert_element_type3A_29 = arith.sitofp %convert_element_type3A : vector<2000x16xi32> to vector<2000x16xf32>
    %dot_general3A = arith.constant dense<0.000000e+00> : vector<16x128xf32>
    %dot_general3A_30 = tpu.matmul %convert_element_type3A_29, %add3A_21, %dot_general3A {dimension_numbers = #tpu.dot_dimension_numbers<[0], [0], [1], [1], [0, 1, 1, 1], [], []>, precision = #tpu.contract_precision<fp32>, transpose_lhs_hint = false} : vector<2000x16xf32>, vector<2000x128xf32>, vector<16x128xf32> -> vector<16x128xf32>
    %mul3A_31 = arith.mulf %add3A_21, %add3A_21 : vector<2000x128xf32>
    %dot_general3A_32 = arith.constant dense<0.000000e+00> : vector<16x128xf32>
    %dot_general3A_33 = tpu.matmul %convert_element_type3A_29, %mul3A_31, %dot_general3A_32 {dimension_numbers = #tpu.dot_dimension_numbers<[0], [0], [1], [1], [0, 1, 1, 1], [], []>, precision = #tpu.contract_precision<fp32>, transpose_lhs_hint = false} : vector<2000x16xf32>, vector<2000x128xf32>, vector<16x128xf32> -> vector<16x128xf32>
    %broadcast_in_dim3A = arith.constant 1.000000e+00 : f32
    %broadcast_in_dim3A_34 = vector.broadcast %broadcast_in_dim3A : f32 to vector<2000x128xf32>
    %dot_general3A_35 = arith.constant dense<0.000000e+00> : vector<16x128xf32>
    %dot_general3A_36 = tpu.matmul %convert_element_type3A_29, %broadcast_in_dim3A_34, %dot_general3A_35 {dimension_numbers = #tpu.dot_dimension_numbers<[0], [0], [1], [1], [0, 1, 1, 1], [], []>, precision = #tpu.contract_precision<fp32>, transpose_lhs_hint = false} : vector<2000x16xf32>, vector<2000x128xf32>, vector<16x128xf32> -> vector<16x128xf32>
    %eq3A_37 = arith.constant 0 : i32
    %eq3A_38 = arith.cmpi eq, %arg0, %eq3A_37 : i32
    %convert_element_type3A_39 = arith.extui %eq3A_38 : i1 to i32
    %cond3A = arith.constant 0 : i32
    %cond3A_40 = arith.cmpi ne, %convert_element_type3A_39, %cond3A : i32
    scf.if %cond3A_40 {
      %broadcast_in_dim3A_77 = arith.constant 0.000000e+00 : f32
      %broadcast_in_dim3A_78 = vector.broadcast %broadcast_in_dim3A_77 : f32 to vector<3x16x128xf32>
      %swap3A_79 = arith.constant 0 : index
      %swap3A_80 = arith.constant 0 : index
      %swap3A_81 = arith.constant 0 : index
      %swap3A_82 = vector.load %arg7[%swap3A_79, %swap3A_80, %swap3A_81] : memref<3x16x128xf32, #tpu.memory_space<vmem>>, vector<3x16x128xf32>
      tpu.vector_store %arg7[%swap3A_79, %swap3A_80, %swap3A_81], %broadcast_in_dim3A_78 {strides = array<i32>} : memref<3x16x128xf32, #tpu.memory_space<vmem>>, vector<3x16x128xf32>,
    } else {
    }
    %get3A_41 = arith.constant 0 : index
    %get3A_42 = arith.constant 0 : index
    %get3A_43 = arith.constant 0 : index
    %get3A_44 = vector.load %arg7[%get3A_41, %get3A_42, %get3A_43] : memref<3x16x128xf32, #tpu.memory_space<vmem>>, vector<1x16x128xf32>
    %get3A_45 = vector.shape_cast %get3A_44 : vector<1x16x128xf32> to vector<16x128xf32>
    %add3A_46 = arith.addf %get3A_45, %dot_general3A_30 : vector<16x128xf32>
    %swap3A_47 = arith.constant 0 : index
    %swap3A_48 = arith.constant 0 : index
    %swap3A_49 = arith.constant 0 : index
    %swap3A_50 = vector.load %arg7[%swap3A_47, %swap3A_48, %swap3A_49] : memref<3x16x128xf32, #tpu.memory_space<vmem>>, vector<1x16x128xf32>
    %swap3A_51 = vector.shape_cast %swap3A_50 : vector<1x16x128xf32> to vector<16x128xf32>
    %swap3A_52 = vector.shape_cast %add3A_46 : vector<16x128xf32> to vector<1x16x128xf32>
    tpu.vector_store %arg7[%swap3A_47, %swap3A_48, %swap3A_49], %swap3A_52 {strides = array<i32>} : memref<3x16x128xf32, #tpu.memory_space<vmem>>, vector<1x16x128xf32>,
    %get3A_53 = arith.constant 1 : index
    %get3A_54 = arith.constant 0 : index
    %get3A_55 = arith.constant 0 : index
    %get3A_56 = vector.load %arg7[%get3A_53, %get3A_54, %get3A_55] : memref<3x16x128xf32, #tpu.memory_space<vmem>>, vector<1x16x128xf32>
    %get3A_57 = vector.shape_cast %get3A_56 : vector<1x16x128xf32> to vector<16x128xf32>
    %add3A_58 = arith.addf %get3A_57, %dot_general3A_33 : vector<16x128xf32>
    %swap3A_59 = arith.constant 1 : index
    %swap3A_60 = arith.constant 0 : index
    %swap3A_61 = arith.constant 0 : index
    %swap3A_62 = vector.load %arg7[%swap3A_59, %swap3A_60, %swap3A_61] : memref<3x16x128xf32, #tpu.memory_space<vmem>>, vector<1x16x128xf32>
    %swap3A_63 = vector.shape_cast %swap3A_62 : vector<1x16x128xf32> to vector<16x128xf32>
    %swap3A_64 = vector.shape_cast %add3A_58 : vector<16x128xf32> to vector<1x16x128xf32>
    tpu.vector_store %arg7[%swap3A_59, %swap3A_60, %swap3A_61], %swap3A_64 {strides = array<i32>} : memref<3x16x128xf32, #tpu.memory_space<vmem>>, vector<1x16x128xf32>,
    %get3A_65 = arith.constant 2 : index
    %get3A_66 = arith.constant 0 : index
    %get3A_67 = arith.constant 0 : index
    %get3A_68 = vector.load %arg7[%get3A_65, %get3A_66, %get3A_67] : memref<3x16x128xf32, #tpu.memory_space<vmem>>, vector<1x16x128xf32>
    %get3A_69 = vector.shape_cast %get3A_68 : vector<1x16x128xf32> to vector<16x128xf32>
    %add3A_70 = arith.addf %get3A_69, %dot_general3A_36 : vector<16x128xf32>
    %swap3A_71 = arith.constant 2 : index
    %swap3A_72 = arith.constant 0 : index
    %swap3A_73 = arith.constant 0 : index
    %swap3A_74 = vector.load %arg7[%swap3A_71, %swap3A_72, %swap3A_73] : memref<3x16x128xf32, #tpu.memory_space<vmem>>, vector<1x16x128xf32>
    %swap3A_75 = vector.shape_cast %swap3A_74 : vector<1x16x128xf32> to vector<16x128xf32>
    %swap3A_76 = vector.shape_cast %add3A_70 : vector<16x128xf32> to vector<1x16x128xf32>
    tpu.vector_store %arg7[%swap3A_71, %swap3A_72, %swap3A_73], %swap3A_76 {strides = array<i32>} : memref<3x16x128xf32, #tpu.memory_space<vmem>>, vector<1x16x128xf32>,
    return
  }
  func.func @transform_0(%arg0: i32) -> (i32, i32, i32) {
    %c0_i32 = arith.constant 0 : i32
    %c0_i32_0 = arith.constant 0 : i32
    %c0_i32_1 = arith.constant 0 : i32
    return %c0_i32, %arg0, %c0_i32_0 : i32, i32, i32
  }
  func.func @transform_1(%arg0: i32) -> (i32, i32) {
    %c0_i32 = arith.constant 0 : i32
    %c0_i32_0 = arith.constant 0 : i32
    return %arg0, %c0_i32 : i32, i32
  }
  func.func @transform_2(%arg0: i32) -> (i32, i32) {
    %c0_i32 = arith.constant 0 : i32
    %c0_i32_0 = arith.constant 0 : i32
    return %arg0, %c0_i32 : i32, i32
  }
  func.func @transform_3(%arg0: i32) -> (i32, i32) {
    %c0_i32 = arith.constant 0 : i32
    %c0_i32_0 = arith.constant 0 : i32
    %c0_i32_1 = arith.constant 0 : i32
    return %c0_i32, %c0_i32_0 : i32, i32
  }
  func.func @transform_4(%arg0: i32) -> (i32, i32) {
    %c0_i32 = arith.constant 0 : i32
    %c0_i32_0 = arith.constant 0 : i32
    return %arg0, %c0_i32 : i32, i32
  }
  func.func @transform_5(%arg0: i32) -> (i32, i32) {
    %c0_i32 = arith.constant 0 : i32
    %c0_i32_0 = arith.constant 0 : i32
    return %arg0, %c0_i32 : i32, i32
  }
  func.func @transform_6(%arg0: i32) -> (i32, i32, i32) {
    %c0_i32 = arith.constant 0 : i32
    %c0_i32_0 = arith.constant 0 : i32
    %c0_i32_1 = arith.constant 0 : i32
    %c0_i32_2 = arith.constant 0 : i32
    return %c0_i32, %c0_i32_0, %c0_i32_1 : i32, i32, i32
  }
}

module attributes {stable_mosaic.version = 14 : i64} {
  func.func @_norm_mm_body(%arg0: i32, %arg1: memref<2000x128xf32, #tpu.memory_space<vmem>>, %arg2: memref<2000x1xi32, #tpu.memory_space<vmem>>, %arg3: memref<3x16x128xf32, #tpu.memory_space<vmem>>, %arg4: memref<1x128xf32, #tpu.memory_space<vmem>>, %arg5: memref<1x128xf32, #tpu.memory_space<vmem>>, %arg6: memref<1x128xf32, #tpu.memory_space<vmem>>, %arg7: memref<128x128xf32, #tpu.memory_space<vmem>>, %arg8: memref<2000x1xf32, #tpu.memory_space<vmem>>, %arg9: memref<2000x128xf32, #tpu.memory_space<vmem>>, %arg10: memref<2000x128xf32, #tpu.memory_space<vmem>>) attributes {dimension_semantics = [#tpu.dimension_semantics<arbitrary>], iteration_bounds = array<i64: 5>, scalar_prefetch = 0 : i64, scratch_operands = 0 : i64, tpu.core_type = #tpu.core_type<tc>, window_params = [{transform_indices = @transform_0, window_bounds = array<i64: 2000, 128>}, {transform_indices = @transform_1, window_bounds = array<i64: 2000, 1>}, {pipeline_mode = #tpu.pipeline_mode<synchronous>, transform_indices = @transform_2, window_bounds = array<i64: 3, 16, 128>}, {pipeline_mode = #tpu.pipeline_mode<synchronous>, transform_indices = @transform_3, window_bounds = array<i64: 1, 128>}, {pipeline_mode = #tpu.pipeline_mode<synchronous>, transform_indices = @transform_4, window_bounds = array<i64: 1, 128>}, {pipeline_mode = #tpu.pipeline_mode<synchronous>, transform_indices = @transform_5, window_bounds = array<i64: 1, 128>}, {pipeline_mode = #tpu.pipeline_mode<synchronous>, transform_indices = @transform_6, window_bounds = array<i64: 128, 128>}, {transform_indices = @transform_7, window_bounds = array<i64: 2000, 1>}, {transform_indices = @transform_8, window_bounds = array<i64: 2000, 128>}, {transform_indices = @transform_9, window_bounds = array<i64: 2000, 128>}]} {
    %get3A = arith.constant 2 : index
    %get3A_0 = arith.constant 0 : index
    %get3A_1 = arith.constant 0 : index
    %get3A_2 = vector.load %arg3[%get3A, %get3A_0, %get3A_1] : memref<3x16x128xf32, #tpu.memory_space<vmem>>, vector<1x16x128xf32>
    %get3A_3 = vector.shape_cast %get3A_2 : vector<1x16x128xf32> to vector<16x128xf32>
    %max3A = arith.constant 1.000000e+00 : f32
    %max3A_4 = vector.broadcast %max3A : f32 to vector<16x128xf32>
    %max3A_5 = arith.maximumf %get3A_3, %max3A_4 : vector<16x128xf32>
    %get3A_6 = arith.constant 0 : index
    %get3A_7 = arith.constant 0 : index
    %get3A_8 = arith.constant 0 : index
    %get3A_9 = vector.load %arg3[%get3A_6, %get3A_7, %get3A_8] : memref<3x16x128xf32, #tpu.memory_space<vmem>>, vector<1x16x128xf32>
    %get3A_10 = vector.shape_cast %get3A_9 : vector<1x16x128xf32> to vector<16x128xf32>
    %div3A = arith.divf %get3A_10, %max3A_5 : vector<16x128xf32>
    %get3A_11 = arith.constant 0 : index
    %get3A_12 = arith.constant 0 : index
    %get3A_13 = vector.load %arg6[%get3A_11, %get3A_12] : memref<1x128xf32, #tpu.memory_space<vmem>>, vector<1x128xf32>
    %get3A_14 = arith.constant 1 : index
    %get3A_15 = arith.constant 0 : index
    %get3A_16 = arith.constant 0 : index
    %get3A_17 = vector.load %arg3[%get3A_14, %get3A_15, %get3A_16] : memref<3x16x128xf32, #tpu.memory_space<vmem>>, vector<1x16x128xf32>
    %get3A_18 = vector.shape_cast %get3A_17 : vector<1x16x128xf32> to vector<16x128xf32>
    %div3A_19 = arith.divf %get3A_18, %max3A_5 : vector<16x128xf32>
    %mul3A = arith.mulf %div3A, %div3A : vector<16x128xf32>
    %mul3A_20 = arith.mulf %get3A_13, %get3A_13 : vector<1x128xf32>
    %mul3A_21 = arith.constant 2.000000e+00 : f32
    %mul3A_22 = vector.broadcast %mul3A_21 : f32 to vector<1x128xf32>
    %mul3A_23 = arith.mulf %mul3A_22, %get3A_13 : vector<1x128xf32>
    %sub3A = arith.subf %mul3A_20, %mul3A_23 : vector<1x128xf32>
    %mul3A_24 = vector.broadcast %sub3A : vector<1x128xf32> to vector<16x128xf32>
    %mul3A_25 = arith.mulf %mul3A, %mul3A_24 : vector<16x128xf32>
    %add3A = arith.addf %div3A_19, %mul3A_25 : vector<16x128xf32>
    %add3A_26 = arith.constant 9.99999974E-6 : f32
    %add3A_27 = vector.broadcast %add3A_26 : f32 to vector<16x128xf32>
    %add3A_28 = arith.addf %add3A, %add3A_27 : vector<16x128xf32>
    %rsqrt3A = math.rsqrt %add3A_28 : vector<16x128xf32>
    %get3A_29 = arith.constant 0 : index
    %get3A_30 = arith.constant 0 : index
    %get3A_31 = vector.load %arg4[%get3A_29, %get3A_30] : memref<1x128xf32, #tpu.memory_space<vmem>>, vector<1x128xf32>
    %mul3A_32 = vector.broadcast %get3A_31 : vector<1x128xf32> to vector<16x128xf32>
    %mul3A_33 = arith.mulf %mul3A_32, %rsqrt3A : vector<16x128xf32>
    %mul3A_34 = arith.mulf %mul3A_33, %div3A : vector<16x128xf32>
    %mul3A_35 = vector.broadcast %get3A_13 : vector<1x128xf32> to vector<16x128xf32>
    %mul3A_36 = arith.mulf %mul3A_34, %mul3A_35 : vector<16x128xf32>
    %get3A_37 = arith.constant 0 : index
    %get3A_38 = arith.constant 0 : index
    %get3A_39 = vector.load %arg2[%get3A_37, %get3A_38] : memref<2000x1xi32, #tpu.memory_space<vmem>>, vector<2000x1xi32>
    %iota3A = tpu.iota {dimensions = array<i32: 1>} : vector<1x16xi32>
    %eq3A = vector.broadcast %get3A_39 : vector<2000x1xi32> to vector<2000x16xi32>
    %eq3A_40 = vector.broadcast %iota3A : vector<1x16xi32> to vector<2000x16xi32>
    %eq3A_41 = arith.cmpi eq, %eq3A, %eq3A_40 : vector<2000x16xi32>
    %convert_element_type3A = arith.extui %eq3A_41 : vector<2000x16xi1> to vector<2000x16xi32>
    %convert_element_type3A_42 = arith.sitofp %convert_element_type3A : vector<2000x16xi32> to vector<2000x16xf32>
    %dot_general3A = arith.constant dense<0.000000e+00> : vector<2000x128xf32>
    %dot_general3A_43 = tpu.matmul %convert_element_type3A_42, %mul3A_33, %dot_general3A {dimension_numbers = #tpu.dot_dimension_numbers<[1], [0], [0], [1], [0, 0, 1, 1], [], []>, precision = #tpu.contract_precision<fp32>, transpose_lhs_hint = false} : vector<2000x16xf32>, vector<16x128xf32>, vector<2000x128xf32> -> vector<2000x128xf32>
    %dot_general3A_44 = arith.constant dense<0.000000e+00> : vector<2000x128xf32>
    %dot_general3A_45 = tpu.matmul %convert_element_type3A_42, %mul3A_36, %dot_general3A_44 {dimension_numbers = #tpu.dot_dimension_numbers<[1], [0], [0], [1], [0, 0, 1, 1], [], []>, precision = #tpu.contract_precision<fp32>, transpose_lhs_hint = false} : vector<2000x16xf32>, vector<16x128xf32>, vector<2000x128xf32> -> vector<2000x128xf32>
    %get3A_46 = arith.constant 0 : index
    %get3A_47 = arith.constant 0 : index
    %get3A_48 = vector.load %arg1[%get3A_46, %get3A_47] : memref<2000x128xf32, #tpu.memory_space<vmem>>, vector<2000x128xf32>
    %mul3A_49 = arith.mulf %dot_general3A_43, %get3A_48 : vector<2000x128xf32>
    %sub3A_50 = arith.subf %mul3A_49, %dot_general3A_45 : vector<2000x128xf32>
    %get3A_51 = arith.constant 0 : index
    %get3A_52 = arith.constant 0 : index
    %get3A_53 = vector.load %arg5[%get3A_51, %get3A_52] : memref<1x128xf32, #tpu.memory_space<vmem>>, vector<1x128xf32>
    %add3A_54 = vector.broadcast %get3A_53 : vector<1x128xf32> to vector<2000x128xf32>
    %add3A_55 = arith.addf %sub3A_50, %add3A_54 : vector<2000x128xf32>
    %ge3A = arith.constant 0.000000e+00 : f32
    %ge3A_56 = vector.broadcast %ge3A : f32 to vector<2000x128xf32>
    %ge3A_57 = arith.cmpf oge, %add3A_55, %ge3A_56 : vector<2000x128xf32>
    %mul3A_58 = arith.constant 0.00999999977 : f32
    %mul3A_59 = vector.broadcast %mul3A_58 : f32 to vector<2000x128xf32>
    %mul3A_60 = arith.mulf %mul3A_59, %add3A_55 : vector<2000x128xf32>
    %select_n3A = arith.select %ge3A_57, %add3A_55, %mul3A_60 : vector<2000x128xi1>, vector<2000x128xf32>
    %swap3A = arith.constant 0 : index
    %swap3A_61 = arith.constant 0 : index
    %swap3A_62 = vector.load %arg9[%swap3A, %swap3A_61] : memref<2000x128xf32, #tpu.memory_space<vmem>>, vector<2000x128xf32>
    tpu.vector_store %arg9[%swap3A, %swap3A_61], %select_n3A {strides = array<i32>} : memref<2000x128xf32, #tpu.memory_space<vmem>>, vector<2000x128xf32>,
    %get3A_63 = arith.constant 0 : index
    %get3A_64 = arith.constant 0 : index
    %get3A_65 = vector.load %arg7[%get3A_63, %get3A_64] : memref<128x128xf32, #tpu.memory_space<vmem>>, vector<128x128xf32>
    %dot_general3A_66 = arith.constant dense<0.000000e+00> : vector<2000x128xf32>
    %dot_general3A_67 = tpu.matmul %select_n3A, %get3A_65, %dot_general3A_66 {dimension_numbers = #tpu.dot_dimension_numbers<[1], [0], [0], [1], [0, 0, 1, 1], [], []>, precision = #tpu.contract_precision<fp32>, transpose_lhs_hint = false} : vector<2000x128xf32>, vector<128x128xf32>, vector<2000x128xf32> -> vector<2000x128xf32>
    %get3A_68 = arith.constant 0 : index
    %get3A_69 = arith.constant 0 : index
    %get3A_70 = vector.load %arg8[%get3A_68, %get3A_69] : memref<2000x1xf32, #tpu.memory_space<vmem>>, vector<2000x1xf32>
    %mul3A_71 = vector.broadcast %get3A_70 : vector<2000x1xf32> to vector<2000x128xf32>
    %mul3A_72 = arith.mulf %dot_general3A_67, %mul3A_71 : vector<2000x128xf32>
    %swap3A_73 = arith.constant 0 : index
    %swap3A_74 = arith.constant 0 : index
    %swap3A_75 = vector.load %arg10[%swap3A_73, %swap3A_74] : memref<2000x128xf32, #tpu.memory_space<vmem>>, vector<2000x128xf32>
    tpu.vector_store %arg10[%swap3A_73, %swap3A_74], %mul3A_72 {strides = array<i32>} : memref<2000x128xf32, #tpu.memory_space<vmem>>, vector<2000x128xf32>,
    return
  }
  func.func @transform_0(%arg0: i32) -> (i32, i32) {
    %c0_i32 = arith.constant 0 : i32
    %c0_i32_0 = arith.constant 0 : i32
    return %arg0, %c0_i32 : i32, i32
  }
  func.func @transform_1(%arg0: i32) -> (i32, i32) {
    %c0_i32 = arith.constant 0 : i32
    %c0_i32_0 = arith.constant 0 : i32
    return %arg0, %c0_i32 : i32, i32
  }
  func.func @transform_2(%arg0: i32) -> (i32, i32, i32) {
    %c0_i32 = arith.constant 0 : i32
    %c0_i32_0 = arith.constant 0 : i32
    %c0_i32_1 = arith.constant 0 : i32
    %c0_i32_2 = arith.constant 0 : i32
    return %c0_i32, %c0_i32_0, %c0_i32_1 : i32, i32, i32
  }
  func.func @transform_3(%arg0: i32) -> (i32, i32) {
    %c0_i32 = arith.constant 0 : i32
    %c0_i32_0 = arith.constant 0 : i32
    %c0_i32_1 = arith.constant 0 : i32
    return %c0_i32, %c0_i32_0 : i32, i32
  }
  func.func @transform_4(%arg0: i32) -> (i32, i32) {
    %c0_i32 = arith.constant 0 : i32
    %c0_i32_0 = arith.constant 0 : i32
    %c0_i32_1 = arith.constant 0 : i32
    return %c0_i32, %c0_i32_0 : i32, i32
  }
  func.func @transform_5(%arg0: i32) -> (i32, i32) {
    %c0_i32 = arith.constant 0 : i32
    %c0_i32_0 = arith.constant 0 : i32
    %c0_i32_1 = arith.constant 0 : i32
    return %c0_i32, %c0_i32_0 : i32, i32
  }
  func.func @transform_6(%arg0: i32) -> (i32, i32) {
    %c0_i32 = arith.constant 0 : i32
    %c0_i32_0 = arith.constant 0 : i32
    %c0_i32_1 = arith.constant 0 : i32
    return %c0_i32, %c0_i32_0 : i32, i32
  }
  func.func @transform_7(%arg0: i32) -> (i32, i32) {
    %c0_i32 = arith.constant 0 : i32
    %c0_i32_0 = arith.constant 0 : i32
    return %arg0, %c0_i32 : i32, i32
  }
  func.func @transform_8(%arg0: i32) -> (i32, i32) {
    %c0_i32 = arith.constant 0 : i32
    %c0_i32_0 = arith.constant 0 : i32
    return %arg0, %c0_i32 : i32, i32
  }
  func.func @transform_9(%arg0: i32) -> (i32, i32) {
    %c0_i32 = arith.constant 0 : i32
    %c0_i32_0 = arith.constant 0 : i32
    return %arg0, %c0_i32 : i32, i32
  }
}

module attributes {stable_mosaic.version = 14 : i64} {
  func.func @_norm_body(%arg0: i32, %arg1: memref<2000x128xf32, #tpu.memory_space<vmem>>, %arg2: memref<2000x1xi32, #tpu.memory_space<vmem>>, %arg3: memref<3x16x128xf32, #tpu.memory_space<vmem>>, %arg4: memref<1x128xf32, #tpu.memory_space<vmem>>, %arg5: memref<1x128xf32, #tpu.memory_space<vmem>>, %arg6: memref<1x128xf32, #tpu.memory_space<vmem>>, %arg7: memref<2000x128xf32, #tpu.memory_space<vmem>>) attributes {dimension_semantics = [#tpu.dimension_semantics<arbitrary>], iteration_bounds = array<i64: 5>, scalar_prefetch = 0 : i64, scratch_operands = 0 : i64, tpu.core_type = #tpu.core_type<tc>, window_params = [{transform_indices = @transform_0, window_bounds = array<i64: 2000, 128>}, {transform_indices = @transform_1, window_bounds = array<i64: 2000, 1>}, {pipeline_mode = #tpu.pipeline_mode<synchronous>, transform_indices = @transform_2, window_bounds = array<i64: 3, 16, 128>}, {pipeline_mode = #tpu.pipeline_mode<synchronous>, transform_indices = @transform_3, window_bounds = array<i64: 1, 128>}, {pipeline_mode = #tpu.pipeline_mode<synchronous>, transform_indices = @transform_4, window_bounds = array<i64: 1, 128>}, {pipeline_mode = #tpu.pipeline_mode<synchronous>, transform_indices = @transform_5, window_bounds = array<i64: 1, 128>}, {transform_indices = @transform_6, window_bounds = array<i64: 2000, 128>}]} {
    %get3A = arith.constant 2 : index
    %get3A_0 = arith.constant 0 : index
    %get3A_1 = arith.constant 0 : index
    %get3A_2 = vector.load %arg3[%get3A, %get3A_0, %get3A_1] : memref<3x16x128xf32, #tpu.memory_space<vmem>>, vector<1x16x128xf32>
    %get3A_3 = vector.shape_cast %get3A_2 : vector<1x16x128xf32> to vector<16x128xf32>
    %max3A = arith.constant 1.000000e+00 : f32
    %max3A_4 = vector.broadcast %max3A : f32 to vector<16x128xf32>
    %max3A_5 = arith.maximumf %get3A_3, %max3A_4 : vector<16x128xf32>
    %get3A_6 = arith.constant 0 : index
    %get3A_7 = arith.constant 0 : index
    %get3A_8 = arith.constant 0 : index
    %get3A_9 = vector.load %arg3[%get3A_6, %get3A_7, %get3A_8] : memref<3x16x128xf32, #tpu.memory_space<vmem>>, vector<1x16x128xf32>
    %get3A_10 = vector.shape_cast %get3A_9 : vector<1x16x128xf32> to vector<16x128xf32>
    %div3A = arith.divf %get3A_10, %max3A_5 : vector<16x128xf32>
    %get3A_11 = arith.constant 0 : index
    %get3A_12 = arith.constant 0 : index
    %get3A_13 = vector.load %arg6[%get3A_11, %get3A_12] : memref<1x128xf32, #tpu.memory_space<vmem>>, vector<1x128xf32>
    %get3A_14 = arith.constant 1 : index
    %get3A_15 = arith.constant 0 : index
    %get3A_16 = arith.constant 0 : index
    %get3A_17 = vector.load %arg3[%get3A_14, %get3A_15, %get3A_16] : memref<3x16x128xf32, #tpu.memory_space<vmem>>, vector<1x16x128xf32>
    %get3A_18 = vector.shape_cast %get3A_17 : vector<1x16x128xf32> to vector<16x128xf32>
    %div3A_19 = arith.divf %get3A_18, %max3A_5 : vector<16x128xf32>
    %mul3A = arith.mulf %div3A, %div3A : vector<16x128xf32>
    %mul3A_20 = arith.mulf %get3A_13, %get3A_13 : vector<1x128xf32>
    %mul3A_21 = arith.constant 2.000000e+00 : f32
    %mul3A_22 = vector.broadcast %mul3A_21 : f32 to vector<1x128xf32>
    %mul3A_23 = arith.mulf %mul3A_22, %get3A_13 : vector<1x128xf32>
    %sub3A = arith.subf %mul3A_20, %mul3A_23 : vector<1x128xf32>
    %mul3A_24 = vector.broadcast %sub3A : vector<1x128xf32> to vector<16x128xf32>
    %mul3A_25 = arith.mulf %mul3A, %mul3A_24 : vector<16x128xf32>
    %add3A = arith.addf %div3A_19, %mul3A_25 : vector<16x128xf32>
    %add3A_26 = arith.constant 9.99999974E-6 : f32
    %add3A_27 = vector.broadcast %add3A_26 : f32 to vector<16x128xf32>
    %add3A_28 = arith.addf %add3A, %add3A_27 : vector<16x128xf32>
    %rsqrt3A = math.rsqrt %add3A_28 : vector<16x128xf32>
    %get3A_29 = arith.constant 0 : index
    %get3A_30 = arith.constant 0 : index
    %get3A_31 = vector.load %arg4[%get3A_29, %get3A_30] : memref<1x128xf32, #tpu.memory_space<vmem>>, vector<1x128xf32>
    %mul3A_32 = vector.broadcast %get3A_31 : vector<1x128xf32> to vector<16x128xf32>
    %mul3A_33 = arith.mulf %mul3A_32, %rsqrt3A : vector<16x128xf32>
    %mul3A_34 = arith.mulf %mul3A_33, %div3A : vector<16x128xf32>
    %mul3A_35 = vector.broadcast %get3A_13 : vector<1x128xf32> to vector<16x128xf32>
    %mul3A_36 = arith.mulf %mul3A_34, %mul3A_35 : vector<16x128xf32>
    %get3A_37 = arith.constant 0 : index
    %get3A_38 = arith.constant 0 : index
    %get3A_39 = vector.load %arg2[%get3A_37, %get3A_38] : memref<2000x1xi32, #tpu.memory_space<vmem>>, vector<2000x1xi32>
    %iota3A = tpu.iota {dimensions = array<i32: 1>} : vector<1x16xi32>
    %eq3A = vector.broadcast %get3A_39 : vector<2000x1xi32> to vector<2000x16xi32>
    %eq3A_40 = vector.broadcast %iota3A : vector<1x16xi32> to vector<2000x16xi32>
    %eq3A_41 = arith.cmpi eq, %eq3A, %eq3A_40 : vector<2000x16xi32>
    %convert_element_type3A = arith.extui %eq3A_41 : vector<2000x16xi1> to vector<2000x16xi32>
    %convert_element_type3A_42 = arith.sitofp %convert_element_type3A : vector<2000x16xi32> to vector<2000x16xf32>
    %dot_general3A = arith.constant dense<0.000000e+00> : vector<2000x128xf32>
    %dot_general3A_43 = tpu.matmul %convert_element_type3A_42, %mul3A_33, %dot_general3A {dimension_numbers = #tpu.dot_dimension_numbers<[1], [0], [0], [1], [0, 0, 1, 1], [], []>, precision = #tpu.contract_precision<fp32>, transpose_lhs_hint = false} : vector<2000x16xf32>, vector<16x128xf32>, vector<2000x128xf32> -> vector<2000x128xf32>
    %dot_general3A_44 = arith.constant dense<0.000000e+00> : vector<2000x128xf32>
    %dot_general3A_45 = tpu.matmul %convert_element_type3A_42, %mul3A_36, %dot_general3A_44 {dimension_numbers = #tpu.dot_dimension_numbers<[1], [0], [0], [1], [0, 0, 1, 1], [], []>, precision = #tpu.contract_precision<fp32>, transpose_lhs_hint = false} : vector<2000x16xf32>, vector<16x128xf32>, vector<2000x128xf32> -> vector<2000x128xf32>
    %get3A_46 = arith.constant 0 : index
    %get3A_47 = arith.constant 0 : index
    %get3A_48 = vector.load %arg1[%get3A_46, %get3A_47] : memref<2000x128xf32, #tpu.memory_space<vmem>>, vector<2000x128xf32>
    %mul3A_49 = arith.mulf %dot_general3A_43, %get3A_48 : vector<2000x128xf32>
    %sub3A_50 = arith.subf %mul3A_49, %dot_general3A_45 : vector<2000x128xf32>
    %get3A_51 = arith.constant 0 : index
    %get3A_52 = arith.constant 0 : index
    %get3A_53 = vector.load %arg5[%get3A_51, %get3A_52] : memref<1x128xf32, #tpu.memory_space<vmem>>, vector<1x128xf32>
    %add3A_54 = vector.broadcast %get3A_53 : vector<1x128xf32> to vector<2000x128xf32>
    %add3A_55 = arith.addf %sub3A_50, %add3A_54 : vector<2000x128xf32>
    %ge3A = arith.constant 0.000000e+00 : f32
    %ge3A_56 = vector.broadcast %ge3A : f32 to vector<2000x128xf32>
    %ge3A_57 = arith.cmpf oge, %add3A_55, %ge3A_56 : vector<2000x128xf32>
    %mul3A_58 = arith.constant 0.00999999977 : f32
    %mul3A_59 = vector.broadcast %mul3A_58 : f32 to vector<2000x128xf32>
    %mul3A_60 = arith.mulf %mul3A_59, %add3A_55 : vector<2000x128xf32>
    %select_n3A = arith.select %ge3A_57, %add3A_55, %mul3A_60 : vector<2000x128xi1>, vector<2000x128xf32>
    %swap3A = arith.constant 0 : index
    %swap3A_61 = arith.constant 0 : index
    %swap3A_62 = vector.load %arg7[%swap3A, %swap3A_61] : memref<2000x128xf32, #tpu.memory_space<vmem>>, vector<2000x128xf32>
    tpu.vector_store %arg7[%swap3A, %swap3A_61], %select_n3A {strides = array<i32>} : memref<2000x128xf32, #tpu.memory_space<vmem>>, vector<2000x128xf32>,
    return
  }
  func.func @transform_0(%arg0: i32) -> (i32, i32) {
    %c0_i32 = arith.constant 0 : i32
    %c0_i32_0 = arith.constant 0 : i32
    return %arg0, %c0_i32 : i32, i32
  }
  func.func @transform_1(%arg0: i32) -> (i32, i32) {
    %c0_i32 = arith.constant 0 : i32
    %c0_i32_0 = arith.constant 0 : i32
    return %arg0, %c0_i32 : i32, i32
  }
  func.func @transform_2(%arg0: i32) -> (i32, i32, i32) {
    %c0_i32 = arith.constant 0 : i32
    %c0_i32_0 = arith.constant 0 : i32
    %c0_i32_1 = arith.constant 0 : i32
    %c0_i32_2 = arith.constant 0 : i32
    return %c0_i32, %c0_i32_0, %c0_i32_1 : i32, i32, i32
  }
  func.func @transform_3(%arg0: i32) -> (i32, i32) {
    %c0_i32 = arith.constant 0 : i32
    %c0_i32_0 = arith.constant 0 : i32
    %c0_i32_1 = arith.constant 0 : i32
    return %c0_i32, %c0_i32_0 : i32, i32
  }
  func.func @transform_4(%arg0: i32) -> (i32, i32) {
    %c0_i32 = arith.constant 0 : i32
    %c0_i32_0 = arith.constant 0 : i32
    %c0_i32_1 = arith.constant 0 : i32
    return %c0_i32, %c0_i32_0 : i32, i32
  }
  func.func @transform_5(%arg0: i32) -> (i32, i32) {
    %c0_i32 = arith.constant 0 : i32
    %c0_i32_0 = arith.constant 0 : i32
    %c0_i32_1 = arith.constant 0 : i32
    return %c0_i32, %c0_i32_0 : i32, i32
  }
  func.func @transform_6(%arg0: i32) -> (i32, i32) {
    %c0_i32 = arith.constant 0 : i32
    %c0_i32_0 = arith.constant 0 : i32
    return %arg0, %c0_i32 : i32, i32
  }
}

</mosaic_0001>

<sc_bundles>
// kernel: kernel.14.cloned.1.call-start
scs
__scs_entry_jumppad:
0x0: {  	(pc) =	sbr.rel $0x88, $3  }
0x1: {  	(tag) =	ssettag $0x0;
	lr =	simm.s32 $0x1  }
0x2: {  	[smem:$0x3F8F] =	sst lr;
	_ =	strace $0xD0000000  }
0x3: {  	_ = 	snop  }
0x4: {  	_ = 	snop  }
0x5: {  	_ = 	snop  }
0x6: {  	_ = 	snop  }
0x7: {  	_ = 	snop  }
__scs_overlays_trampoline_lowered:
0x8: {  	[smem:$0x3F9E] =	sst s0  }
0x9: {  	[smem:$0x3F9F] =	sst s1  }
0xa: {  	[smem:$0x3FA0] =	sst s2  }
0xb: {  	[smem:$0x3FA1] =	sst s3  }
0xc: {  	[smem:$0x3FA2] =	sst s4  }
0xd: {  	[smem:$0x3FA3] =	sst s5  }
0xe: {  	[smem:$0x3FA4] =	sst s6  }
0xf: {  	[smem:$0x3FA5] =	sst s7  }
0x10: {  	[smem:$0x3FA6] =	sst s8  }
0x11: {  	[smem:$0x3FA7] =	sst s9;
	s0 =	simm.s32 @!p0 $0x0  }
0x12: {  	s1 =	sld [smem:$0x3F8D];
	s0 =	simm.s32 @p0 $0x1  }
0x13: {  	[smem:$0x3FA8] =	sst s0;
	s0 =	simm.s32 @!p1 $0x0  }
0x14: {  	s2 =	sld [smem:$0x3F8C];
	s0 =	simm.s32 @p1 $0x1  }
0x15: {  	[smem:$0x3FA9] =	sst s0;
	s0 =	simm.s32 @!p2 $0x0  }
0x16: {  	s3 =	sld [smem:$0x3FDB];
	s0 =	simm.s32 @p2 $0x1  }
0x17: {  	s4 =	simm.s32 $0x1BF5;
	[smem:$0x3FAB] =	sst s0  }
0x18: {  	s0 =	sld [smem:$0x3F8E];
	_ =	swait.ge [sflag:s4], $0x0  }
0x19: {  	s7 =	sld [smem:$0x3F8F]  }
0x1a: {  	s8 =	sadd.s32 $0xFFFFE003, lr  }
0x1b: {  	s9 =	sadd.s32 $0xFFFFFEF7, lr;
	s5 =	simm.s32 $0xFFFFFFFF;
	p2 =	slt.u32 s8, $0xFFFFF086  }
0x1c: {  	p1 =	slt.u32 s9, $0xF7A;
	s5 =	simm.s32 @!p2 $0x0  }
0x1d: {  	s5 =	simm.s32 @p1 $0x1;
	p0 =	seq.s32 s7, s2  }
0x1e: {  	s7 =	smul.u32 @!p0 $0xF7A, s2;
	p2 =	seq.s32 @!p0 s5, $0x0  }
0x1f: {  	s9 =	smul.u32 $0xF7A, s1;
	s8 =	simm.s32 @!p0 $0x1BF5;
	p2 =	por !p2, p0  }
0x20: {  	[sflag:s8] =	ssyncset.s32 @!p0 $0xFFFFF086;
	s6 =	sadd.s32 @!p0 s3, s7;
	s7 =	simm.s32 @!p0 $0x108  }
0x21: {  	s3 =	sadd.s32 s3, s9;
	s6 =	sadd.s32 @!p0 $0x88, s6;
	s7 =	simm.s32 @p2 $0x1082  }
0x22: {  	[simem:s7], [sflag:s8] =	dma.local @!p0 [hbm:s6], $0xF7A  }
0x23: {  	s9 =	sor.u32 $0xD0000000, s2;
	s6 =	simm.s32 $0x108;
	_ =	swait.ge @!p0 [sflag:s8], $0x0  }
0x24: {  	s3 =	sadd.s32 $0x88, s3;
	s6 =	simm.s32 @!p1 $0x1082;
	[sflag:s4] =	ssyncset.s32 $0xFFFFF086  }
0x25: {  	[simem:s6], [sflag:s4] =	dma.local [hbm:s3], $0xF7A  }
0x26: {  	[smem:$0x3F8F] =	sst s1;
	(tag) =	ssettag s2;
	_ =	strace s9  }
0x27: {  	s1 =	sld [smem:$0x3F9F]  }
0x28: {  	s2 =	sld [smem:$0x3FA0]  }
0x29: {  	s4 =	sld [smem:$0x3FA2]  }
0x2a: {  	p0 =	seq.s32 s5, $0x0;
	s5 =	sld [smem:$0x3FA3]  }
0x2b: {  	s6 =	sld [smem:$0x3FA4]  }
0x2c: {  	s7 =	sld [smem:$0x3FA5]  }
0x2d: {  	s3 =	simm.s32 $0x108;
	s8 =	sld [smem:$0x3FA6]  }
0x2e: {  	s3 =	simm.s32 @!p0 $0x1082;
	s9 =	sld [smem:$0x3FA7]  }
0x2f: {  	lr =	sadd.s32 s0, s3;
	s0 =	sld [smem:$0x3F9E]  }
0x30: {  	s3 =	sld [smem:$0x3FA1]  }
0x31: {  	[smem:$0x3FAA] =	sst s10  }
0x32: {  	s10 =	sld [smem:$0x3FA8];
	_ =	sdelay $0x3  }
0x33: {  	p0 =	seq.s32 s10, $0x1;
	s10 =	sld [smem:$0x3FAA];
	_ =	sdelay $0x3  }
0x34: {  	[smem:$0x3FAA] =	sst s10  }
0x35: {  	s10 =	sld [smem:$0x3FA9];
	_ =	sdelay $0x3  }
0x36: {  	p1 =	seq.s32 s10, $0x1;
	s10 =	sld [smem:$0x3FAA];
	_ =	sdelay $0x3  }
0x37: {  	[smem:$0x3FAA] =	sst s10  }
0x38: {  	s10 =	sld [smem:$0x3FAB]  }
0x39: {  	_ = 	snop;
	(pc) =	sbr.ind lr, $3  }
0x3a: {  	_ = 	snop  }
0x3b: {  	_ = 	snop  }
0x3c: {  	p2 =	seq.s32 s10, $0x1;
	s10 =	sld [smem:$0x3FAA]  }
0x3d: {  	_ =	shalt  }
0x3e: {  	_ =	shalt  }
0x3f: {  	_ =	shalt  }
0x40: {  	_ =	shalt  }
0x41: {  	_ =	shalt  }
0x42: {  	_ =	shalt  }
0x43: {  	_ =	shalt  }
0x44: {  	_ =	shalt  }
0x45: {  	_ =	shalt  }
0x46: {  	_ =	shalt  }
0x47: {  	_ =	shalt  }
0x48: {  	_ =	shalt  }
0x49: {  	_ =	shalt  }
0x4a: {  	_ =	shalt  }
0x4b: {  	_ =	shalt  }
0x4c: {  	_ =	shalt  }
0x4d: {  	_ =	shalt  }
0x4e: {  	_ =	shalt  }
0x4f: {  	_ =	shalt  }
0x50: {  	_ =	shalt  }
0x51: {  	_ =	shalt  }
0x52: {  	_ =	shalt  }
0x53: {  	_ =	shalt  }
0x54: {  	_ =	shalt  }
0x55: {  	_ =	shalt  }
0x56: {  	_ =	shalt  }
0x57: {  	_ =	shalt  }
0x58: {  	_ =	shalt  }
0x59: {  	_ =	shalt  }
0x5a: {  	_ =	shalt  }
0x5b: {  	_ =	shalt  }
0x5c: {  	_ =	shalt  }
0x5d: {  	_ =	shalt  }
0x5e: {  	_ =	shalt  }
0x5f: {  	_ =	shalt  }
0x60: {  	_ =	shalt  }
0x61: {  	_ =	shalt  }
0x62: {  	_ =	shalt  }
0x63: {  	_ =	shalt  }
0x64: {  	_ =	shalt  }
0x65: {  	_ =	shalt  }
0x66: {  	_ =	shalt  }
0x67: {  	_ =	shalt  }
0x68: {  	_ =	shalt  }
0x69: {  	_ =	shalt  }
0x6a: {  	_ =	shalt  }
0x6b: {  	_ =	shalt  }
0x6c: {  	_ =	shalt  }
0x6d: {  	_ =	shalt  }
0x6e: {  	_ =	shalt  }
0x6f: {  	_ =	shalt  }
0x70: {  	_ =	shalt  }
0x71: {  	_ =	shalt  }
0x72: {  	_ =	shalt  }
0x73: {  	_ =	shalt  }
0x74: {  	_ =	shalt  }
0x75: {  	_ =	shalt  }
0x76: {  	_ =	shalt  }
0x77: {  	_ =	shalt  }
0x78: {  	_ =	shalt  }
0x79: {  	_ =	shalt  }
0x7a: {  	_ =	shalt  }
0x7b: {  	_ =	shalt  }
0x7c: {  	_ =	shalt  }
0x7d: {  	_ =	shalt  }
0x7e: {  	_ =	shalt  }
0x7f: {  	_ =	shalt  }
0x80: {  	_ =	shalt  }
0x81: {  	_ =	shalt  }
0x82: {  	_ =	shalt  }
0x83: {  	_ =	shalt  }
0x84: {  	_ =	shalt  }
0x85: {  	_ =	shalt  }
0x86: {  	_ =	shalt  }
0x87: {  	_ =	shalt  }
.Lfunc_end0:
.L_simem_size_0:
called_computation_lowered:
.L_overlay_start_0:
0x88: {  	s2 =	sld [smem:$0x3FD9]  }
0x89: {  	s3 =	sld [smem:$0x3FFE];
	_ =	sdelay $0x1  }
0x8a: {  	s1 =	srdreg.scid  }
0x8b: {  	s0 =	sand.u32 $0x1, s1  }
0x8c: {  	s14 =	sshll.u32 s0, $0xA;
	s2 =	sadd.s32 s3, s2  }
0x8d: {  	s2 =	sadd.s32 s2, s14  }
0x8e: {  	[smem:$0x3FB6] =	sst s2  }
0x8f: {  	_ = 	snop  }
0x90: {  	s2 =	sld [smem:$0x3FD0];
	_ =	sdelay $0x2  }
0x91: {  	s15 =	simm.s32 $0xA;
	s4 =	simm.s32 $0x10  }
0x92: {  	[smem:s4], [sflag:s15] =	dma.local [hbm:s2], $0x1  }
0x93: {  	_ =	swait.eq [sflag:s15], $0x1  }
0x94: {  	[sflag:s15] =	ssyncset.done $0x0  }
0x95: {  	[sflag:s15] =	ssyncadd.s32 $0xFFFFFFFF  }
0x96: {  	s16 =	sld [smem:$0x13];
	(tm) =	ssettm $0x1  }
0x97: {  	s17 =	sld [smem:$0x3FFB];
	_ =	sdelay $0x3  }
0x98: {  	_ =	strace s17  }
0x99: {  	s3 =	sld [smem:$0x3FFC];
	_ =	sdelay $0x3  }
0x9a: {  	_ =	strace s3  }
0x9b: {  	s3 =	sld [smem:$0x3FFD];
	_ =	sdelay $0x3  }
0x9c: {  	_ =	strace s3  }
0x9d: {  	_ =	strace $0x8FFFFFFF  }
0x9e: {  	s18 =	sld [smem:$0x3FDB];
	_ =	sdelay $0x1  }
0x9f: {  	s19 =	simm.s32 $_scs_section_size  }
0xa0: {  	s5 =	simm.s32 $_size__tile_overlayer_lowered;
	s6 =	simm.s32 $_tile_overlayer_lowered  }
0xa1: {  	s22 =	simm.s32 $0x1BFF;
	s21 =	sshll.u32 s6, $0x1;
	s3 =	sadd.s32 s19, s18  }
0xa2: {  	s7 =	simm.s32 $0x0;
	s20 =	sshll.u32 s5, $0x1;
	s5 =	sadd.s32 s21, s3  }
0xa3: {  	[timem:s7], [sflag:s22] =	dma.local [hbm:s5], s20  }
0xa4: {  	_ =	swait.ge [sflag:s22], s20  }
0xa5: {  	s4 =	ssub.s32 $0x0, s20;
	[sflag:s22] =	ssyncset.done $0x0  }
0xa6: {  	[sflag:s22] =	ssyncadd.s32 s4;
	_ =	sdelay $0x1  }
0xa7: {  	s23 =	simm.s32 $0x1B8B  }
0xa8: {  	_ =	swait.ge [sflag:s23], $0x1  }
0xa9: {  	[sflag:s23] =	ssyncset.done $0x0  }
0xaa: {  	s25 =	simm.s32 $0x1B8E;
	s24 =	sld [smem:$0x3FFE];
	[sflag:s23] =	ssyncadd.s32 $0xFFFFFFFF  }
0xab: {  	s26 =	simm.s32 $execute0_lowered;
	[smem:$0x3FD2] =	sst s25  }
0xac: {  	s5 =	sshll.u32 s26, $0x1;
	_ =	strace $0x80000046;
	[dreg:$0x1] =	wrdreg $0xFFFFFFFF  }
0xad: {  	s28 =	simm.s32 $_size_execute0_lowered;
	s3 =	sadd.s32 s3, s5;
	[dreg:$0x0] =	wrdreg $0x0  }
0xae: {  	s5 =	sshll.u32 s28, $0x1;
	[dreg:$0x2] =	wrdreg s3  }
0xaf: {  	[dreg:$0x3] =	wrdreg s5  }
0xb0: {  	[dreg:$0x4] =	wrdreg $0xC0  }
0xb1: {  	_ =	task [dreg:s7], $0x5FFFF  }
0xb2: {  	[dreg:$0x1] =	wrdreg $0xFFFFFFFF  }
0xb3: {  	[dreg:$0x0] =	wrdreg $0x60  }
0xb4: {  	[dreg:$0x2] =	wrdreg s24  }
0xb5: {  	[dreg:$0x3] =	wrdreg s16  }
0xb6: {  	[dreg:$0x4] =	wrdreg $0x2B800  }
0xb7: {  	[dreg:$0x5] =	wrdreg $0x9  }
0xb8: {  	_ =	task.clear_ibuf [dreg:s7], $0x6FFFF;
	_ =	strace $0x90000046  }
0xb9: {  	s29 =	simm.s32 $0x9;
	_ =	strace $0x80000048  }
0xba: {  	_ =	swait.ge [sflag:s29], $0x1  }
0xbb: {  	[sflag:s29] =	ssyncadd.s32 $0xFFFFFFFF  }
0xbc: {  	_ =	strace $0x90000048  }
0xbd: {  	_ =	sfence  }
0xbe: {  	s30 =	sld [smem:$0x0];
	_ =	sdelay $0x2  }
0xbf: {  	s31 =	sshll.u32 s1, $0xD;
	s1 =	sshrl.u32 s1, $0x2  }
0xc0: {  	s3 =	sand.u32 $0x4000, s31;
	s1 =	sadd.s32 s1, s30  }
0xc1: {  	s0 =	sor.u32 s3, s0;
	s1 =	sshll.u32 s1, $0x11  }
0xc2: {  	s0 =	sor.u32 s1, s0  }
0xc3: {  	s0 =	sadd.s32 $0x8F2B, s0  }
0xc4: {  	[sflag:s0] =	ssyncadd.remote.s32 $0x1  }
0xc5: {  	_ =	sfence.sel $0xFFFF  }
0xc6: {  	[dreg:$0x0] =	wrdreg $0xFFFFFFFF;
	(pc) =	sbr.abs _section_cstart, $3  }
0xc7: {  	[dreg:$0x1] =	wrdreg $0xFFFFFFFF  }
0xc8: {  	_ =	task.clear_ibuf [dreg:s7], $0x2FFFF;
	_ =	strace $0x9FFFFFFF  }
0xc9: {  	(tm) =	ssettm $0x7FFFFFFF  }
tec
execute0_lowered:
.L_overlay_start_1:
0x0: {  	(tag) =	ssettag $0x1  }
0x1: {  	s4 =	rddreg [dreg:$0x0]  }
0x2: {  	s10 =	rddreg [dreg:$0x1]  }
0x3: {  	s0 =	srdreg.scid;
	s2 =	rddreg [dreg:$0x2];
	s3 =	simm.s32 $0x0  }
0x4: {  	s13 =	simm.s32 $0x2800;
	s14 =	simm.s32 $0x80;
	s15 =	simm.s32 $0x2880  }
0x5: {  	s16 =	simm.s32 $0x2900;
	s5 =	sand.u32 $0x1, s0;
	s0 =	stileid.u32  }
0x6: {  	s17 =	simm.s32 $0x0;
	s1 =	sshll.u32 s5, $0x4;
	s8 =	smul.u32 $0x278, s0  }
0x7: {  	[smem:$0x7FF] =	sst s3;
	s11 =	smul.u32 $0x2780, s5;
	s6 =	sor.u32 s0, s1  }
0x8: {  	s7 =	ssub.s32 $0x2, s5;
	s1 =	rddreg [dreg:$0x3];
	s6 =	smul.u32 $0x500, s6  }
0x9: {  	_ =	strace $0x80000047;
	s9 =	sshrl.u32 s7, $0x1;
	s31 =	sadd.s32 s8, s11  }
0xa: {  	s12 =	ssub.s32 s7, s9;
	s11 =	sshrl.u32 s31, $0x3;
	s30 =	sadd.s32 s6, s4  }
0xb: {  	s4 =	sadd.s32 s8, s2;
	s10 =	sadd.s32 s10, s11;
	s11 =	smax.u32 s12, $0x1  }
0xc: {  	s12 =	simm.s32 $0x1;
	s5 =	sadd.s32 $0x4800, s30;
	s6 =	sadd.s32 $0x80, s4  }
0xd: {  	v0 =	vimm.f32 $0.0e+00;
	v1 =	vimm.f32 $1.000000000e+00;
	s7 =	sadd.s32 $0x100, s4;
	s8 =	sadd.s32 $0x180, s4;
	s9 =	sadd.s32 $0x200, s4  }
.LBB2_1:
0xe: {  	[tilespmem:s3], [sflag:$0x1] =	stream.linear.gather [hbm4b:s5+s3], $0x2800, $0x38;
	[tilespmem:$0x2DF8] =	vst v63  }
0xf: {  	_ =	swait.ge [sflag:s12], $0x2800  }
0x10: {  	[sflag:s12] =	ssyncset.done $0x0  }
0x11: {  	[sflag:s12] =	ssyncadd.s32 $0xFFFFD800  }
0x12: {  	[tilespmem:$0x2800] =	vst v0  }
0x13: {  	[tilespmem:$0x2810] =	vst v0  }
0x14: {  	[tilespmem:$0x2820] =	vst v0  }
0x15: {  	[tilespmem:$0x2830] =	vst v0  }
0x16: {  	[tilespmem:$0x2840] =	vst v0  }
0x17: {  	[tilespmem:$0x2850] =	vst v0  }
0x18: {  	[tilespmem:$0x2860] =	vst v0  }
0x19: {  	[tilespmem:$0x2870] =	vst v0  }
0x1a: {  	[tilespmem:$0x2880] =	vst v1  }
0x1b: {  	[tilespmem:$0x2890] =	vst v1  }
0x1c: {  	[tilespmem:$0x28A0] =	vst v1  }
0x1d: {  	[tilespmem:$0x28B0] =	vst v1  }
0x1e: {  	[tilespmem:$0x28C0] =	vst v1  }
0x1f: {  	[tilespmem:$0x28D0] =	vst v1  }
0x20: {  	[tilespmem:$0x28E0] =	vst v1  }
0x21: {  	[tilespmem:$0x28F0] =	vst v1  }
0x22: {  	[spmem:s4] =	stream.linear.scatter [tilespmem:s13], [sflag:$0x1], $0x80, $0x38;
	[tilespmem:$0x2DF8] =	vst v63  }
0x23: {  	_ =	swait.ge [sflag:s12], $0x80  }
0x24: {  	[sflag:s12] =	ssyncset.done $0x0  }
0x25: {  	[sflag:s12] =	ssyncadd.s32 $0xFFFFFF80  }
0x26: {  	[spmem:s6] =	stream.linear.scatter [tilespmem:s13], [sflag:$0x1], $0x80, $0x38;
	[tilespmem:$0x2DF8] =	vst v63  }
0x27: {  	_ =	swait.ge [sflag:s12], $0x80  }
0x28: {  	[sflag:s12] =	ssyncset.done $0x0  }
0x29: {  	[sflag:s12] =	ssyncadd.s32 $0xFFFFFF80  }
0x2a: {  	[spmem:s7] =	stream.linear.scatter [tilespmem:s13], [sflag:$0x1], $0x80, $0x38;
	[tilespmem:$0x2DF8] =	vst v63  }
0x2b: {  	_ =	swait.ge [sflag:s12], $0x80  }
0x2c: {  	[sflag:s12] =	ssyncset.done $0x0  }
0x2d: {  	[sflag:s12] =	ssyncadd.s32 $0xFFFFFF80  }
0x2e: {  	[spmem:s8] =	stream.linear.scatter [tilespmem:s13], [sflag:$0x1], $0x80, $0x38;
	[tilespmem:$0x2DF8] =	vst v63  }
0x2f: {  	_ =	swait.ge [sflag:s12], $0x80  }
0x30: {  	[sflag:s12] =	ssyncset.done $0x0  }
0x31: {  	[sflag:s12] =	ssyncadd.s32 $0xFFFFFF80  }
0x32: {  	[spmem:s9] =	stream.linear.scatter [tilespmem:s13], [sflag:$0x1], $0x78, $0x38;
	[tilespmem:$0x2DF8] =	vst v63  }
0x33: {  	_ =	swait.ge [sflag:s12], $0x78  }
0x34: {  	[sflag:s12] =	ssyncset.done $0x0  }
0x35: {  	[sflag:s12] =	ssyncadd.s32 $0xFFFFFF88  }
0x36: {  	s18 =	simm.s32 $0x0;
	[bflag:$0x0] =	sbarrier.arrive $0xFFFF  }
0x37: {  	[spmem:s2] =	stream.indirect.scatter.add.f32 [tilespmem:s15], [sflag:$0x1], $0x1, s18, s14, $0xb8;
	[tilespmem:$0x2DF8] =	vst v63  }
0x38: {  	_ =	swait.ge [sflag:s12], $0x80  }
0x39: {  	s18 =	simm.s32 $0x200;
	[sflag:s12] =	ssyncset.done $0x0  }
.LBB2_2:
0x3a: {  	s19 =	sshra.s32 s18, $0x2;
	[sflag:s12] =	ssyncadd.s32 $0xFFFFFF80;
	p0 =	sne.s32 s18, $0x9E00  }
0x3b: {  	[spmem:s2] =	stream.indirect.scatter.add.f32 [tilespmem:s15], [sflag:$0x1], $0x1, s19, s14, $0xb8;
	[tilespmem:$0x2DF8] =	vst v63  }
.Ltmp0:
0x3c: {  	_ = 	snop;
	(pc) =	sbr.rel @p0 .LBB2_2-.Ltmp0, $4  }
0x3d: {  	_ = 	snop  }
0x3e: {  	s18 =	sadd.s32 $0x200, s18  }
0x3f: {  	_ =	swait.ge [sflag:s12], $0x80  }
0x40: {  	[sflag:s12] =	ssyncset.done $0x0  }
0x41: {  	[sflag:s12] =	ssyncadd.s32 $0xFFFFFF80  }
0x42: {  	[bflag:$0x0] =	sbarrier.arrive $0xFFFF  }
0x43: {  	[tilespmem:s16], [sflag:$0x1] =	stream.linear.gather [spmem:s4], $0x278, $0x38;
	[tilespmem:$0x2DF8] =	vst v63  }
0x44: {  	s17 =	sadd.s32 $0x1, s17;
	_ =	swait.ge [sflag:s12], $0x278  }
0x45: {  	p0 =	sne.s32 s17, s11;
	[sflag:s12] =	ssyncset.done $0x0  }
.Ltmp1:
0x46: {  	[sflag:s12] =	ssyncadd.s32 $0xFFFFFD88;
	(pc) =	sbr.rel @p0 .LBB2_1-.Ltmp1, $4  }
0x47: {  	[hbm4b:s10+s3] =	stream.linear.scatter [tilespmem:s16], [sflag:$0x1], $0x278, $0x38;
	[tilespmem:$0x2DF8] =	vst v63  }
0x48: {  	_ =	swait.ge [sflag:s12], $0x278  }
0x49: {  	[sflag:s12] =	ssyncset.done $0x0  }
0x4a: {  	[sflag:s12] =	ssyncadd.s32 $0xFFFFFD88  }
0x4b: {  	_ =	sfence.sel $0x180000  }
0x4c: {  	[bflag:$0x0] =	sbarrier.arrive $0xFFFF  }
0x4d: {  	p0 =	sne.s32 s0, $0x0;
	_ =	strace $0x90000047  }
0x4e: {  	s0 =	sadd.s32 @!p0 $0x100000, s1;
	[bflag:$0x2] =	sbarrier.arrive $0xFFFF  }
0x4f: {  	[sflag:s0] =	ssyncadd.tile.s32 @!p0 $0x1;
	_ =	shalt  }
.Lfunc_end2:
_tile_overlayer_lowered:
.L_overlay_start_2:
0x50: {  	(tag) =	ssettag $0x2  }
0x51: {  	s0 =	rddreg [dreg:$0x0];
	s2 =	stileid.u32  }
0x52: {  	s1 =	rddreg [dreg:$0x1];
	p0 =	sne.s32 s2, $0x0  }
0x53: {  	s3 =	rddreg [dreg:$0x2];
	[bflag:$0x3] =	sbarrier.arrive $0xFFFF;
	s2 =	simm.s32 @!p0 $0x1C01  }
0x54: {  	[timem:s3], [sflag:s2] =	dma.local @!p0 [hbm:s0], s1  }
0x55: {  	s0 =	simm.s32 @!p0 $0x1  }
0x56: {  	_ =	swait.ge @!p0 [sflag:s0], s1  }
0x57: {  	s1 =	ssub.s32 @!p0 $0x0, s1;
	[sflag:s0] =	ssyncset.done @!p0 $0x0  }
0x58: {  	[sflag:s0] =	ssyncadd.s32 @!p0 s1  }
0x59: {  	[bflag:$0x3] =	sbarrier.arrive $0xFFFF  }
0x5a: {  	_ =	shalt  }

// kernel: kernel.17.cloned.1.call-start
scs
__scs_entry_jumppad:
0x0: {  	(pc) =	sbr.rel $0x88, $3  }
0x1: {  	(tag) =	ssettag $0x0;
	lr =	simm.s32 $0x1  }
0x2: {  	[smem:$0x3F8F] =	sst lr;
	_ =	strace $0xD0000000  }
0x3: {  	_ = 	snop  }
0x4: {  	_ = 	snop  }
0x5: {  	_ = 	snop  }
0x6: {  	_ = 	snop  }
0x7: {  	_ = 	snop  }
__scs_overlays_trampoline_lowered:
0x8: {  	[smem:$0x3F9E] =	sst s0  }
0x9: {  	[smem:$0x3F9F] =	sst s1  }
0xa: {  	[smem:$0x3FA0] =	sst s2  }
0xb: {  	[smem:$0x3FA1] =	sst s3  }
0xc: {  	[smem:$0x3FA2] =	sst s4  }
0xd: {  	[smem:$0x3FA3] =	sst s5  }
0xe: {  	[smem:$0x3FA4] =	sst s6  }
0xf: {  	[smem:$0x3FA5] =	sst s7  }
0x10: {  	[smem:$0x3FA6] =	sst s8  }
0x11: {  	[smem:$0x3FA7] =	sst s9;
	s0 =	simm.s32 @!p0 $0x0  }
0x12: {  	s1 =	sld [smem:$0x3F8D];
	s0 =	simm.s32 @p0 $0x1  }
0x13: {  	[smem:$0x3FA8] =	sst s0;
	s0 =	simm.s32 @!p1 $0x0  }
0x14: {  	s2 =	sld [smem:$0x3F8C];
	s0 =	simm.s32 @p1 $0x1  }
0x15: {  	[smem:$0x3FA9] =	sst s0;
	s0 =	simm.s32 @!p2 $0x0  }
0x16: {  	s3 =	sld [smem:$0x3FDB];
	s0 =	simm.s32 @p2 $0x1  }
0x17: {  	s4 =	simm.s32 $0x1BF5;
	[smem:$0x3FAB] =	sst s0  }
0x18: {  	s0 =	sld [smem:$0x3F8E];
	_ =	swait.ge [sflag:s4], $0x0  }
0x19: {  	s7 =	sld [smem:$0x3F8F]  }
0x1a: {  	s8 =	sadd.s32 $0xFFFFE003, lr  }
0x1b: {  	s9 =	sadd.s32 $0xFFFFFEF7, lr;
	s5 =	simm.s32 $0xFFFFFFFF;
	p2 =	slt.u32 s8, $0xFFFFF086  }
0x1c: {  	p1 =	slt.u32 s9, $0xF7A;
	s5 =	simm.s32 @!p2 $0x0  }
0x1d: {  	s5 =	simm.s32 @p1 $0x1;
	p0 =	seq.s32 s7, s2  }
0x1e: {  	s7 =	smul.u32 @!p0 $0xF7A, s2;
	p2 =	seq.s32 @!p0 s5, $0x0  }
0x1f: {  	s9 =	smul.u32 $0xF7A, s1;
	s8 =	simm.s32 @!p0 $0x1BF5;
	p2 =	por !p2, p0  }
0x20: {  	[sflag:s8] =	ssyncset.s32 @!p0 $0xFFFFF086;
	s6 =	sadd.s32 @!p0 s3, s7;
	s7 =	simm.s32 @!p0 $0x108  }
0x21: {  	s3 =	sadd.s32 s3, s9;
	s6 =	sadd.s32 @!p0 $0x88, s6;
	s7 =	simm.s32 @p2 $0x1082  }
0x22: {  	[simem:s7], [sflag:s8] =	dma.local @!p0 [hbm:s6], $0xF7A  }
0x23: {  	s9 =	sor.u32 $0xD0000000, s2;
	s6 =	simm.s32 $0x108;
	_ =	swait.ge @!p0 [sflag:s8], $0x0  }
0x24: {  	s3 =	sadd.s32 $0x88, s3;
	s6 =	simm.s32 @!p1 $0x1082;
	[sflag:s4] =	ssyncset.s32 $0xFFFFF086  }
0x25: {  	[simem:s6], [sflag:s4] =	dma.local [hbm:s3], $0xF7A  }
0x26: {  	[smem:$0x3F8F] =	sst s1;
	(tag) =	ssettag s2;
	_ =	strace s9  }
0x27: {  	s1 =	sld [smem:$0x3F9F]  }
0x28: {  	s2 =	sld [smem:$0x3FA0]  }
0x29: {  	s4 =	sld [smem:$0x3FA2]  }
0x2a: {  	p0 =	seq.s32 s5, $0x0;
	s5 =	sld [smem:$0x3FA3]  }
0x2b: {  	s6 =	sld [smem:$0x3FA4]  }
0x2c: {  	s7 =	sld [smem:$0x3FA5]  }
0x2d: {  	s3 =	simm.s32 $0x108;
	s8 =	sld [smem:$0x3FA6]  }
0x2e: {  	s3 =	simm.s32 @!p0 $0x1082;
	s9 =	sld [smem:$0x3FA7]  }
0x2f: {  	lr =	sadd.s32 s0, s3;
	s0 =	sld [smem:$0x3F9E]  }
0x30: {  	s3 =	sld [smem:$0x3FA1]  }
0x31: {  	[smem:$0x3FAA] =	sst s10  }
0x32: {  	s10 =	sld [smem:$0x3FA8];
	_ =	sdelay $0x3  }
0x33: {  	p0 =	seq.s32 s10, $0x1;
	s10 =	sld [smem:$0x3FAA];
	_ =	sdelay $0x3  }
0x34: {  	[smem:$0x3FAA] =	sst s10  }
0x35: {  	s10 =	sld [smem:$0x3FA9];
	_ =	sdelay $0x3  }
0x36: {  	p1 =	seq.s32 s10, $0x1;
	s10 =	sld [smem:$0x3FAA];
	_ =	sdelay $0x3  }
0x37: {  	[smem:$0x3FAA] =	sst s10  }
0x38: {  	s10 =	sld [smem:$0x3FAB]  }
0x39: {  	_ = 	snop;
	(pc) =	sbr.ind lr, $3  }
0x3a: {  	_ = 	snop  }
0x3b: {  	_ = 	snop  }
0x3c: {  	p2 =	seq.s32 s10, $0x1;
	s10 =	sld [smem:$0x3FAA]  }
0x3d: {  	_ =	shalt  }
0x3e: {  	_ =	shalt  }
0x3f: {  	_ =	shalt  }
0x40: {  	_ =	shalt  }
0x41: {  	_ =	shalt  }
0x42: {  	_ =	shalt  }
0x43: {  	_ =	shalt  }
0x44: {  	_ =	shalt  }
0x45: {  	_ =	shalt  }
0x46: {  	_ =	shalt  }
0x47: {  	_ =	shalt  }
0x48: {  	_ =	shalt  }
0x49: {  	_ =	shalt  }
0x4a: {  	_ =	shalt  }
0x4b: {  	_ =	shalt  }
0x4c: {  	_ =	shalt  }
0x4d: {  	_ =	shalt  }
0x4e: {  	_ =	shalt  }
0x4f: {  	_ =	shalt  }
0x50: {  	_ =	shalt  }
0x51: {  	_ =	shalt  }
0x52: {  	_ =	shalt  }
0x53: {  	_ =	shalt  }
0x54: {  	_ =	shalt  }
0x55: {  	_ =	shalt  }
0x56: {  	_ =	shalt  }
0x57: {  	_ =	shalt  }
0x58: {  	_ =	shalt  }
0x59: {  	_ =	shalt  }
0x5a: {  	_ =	shalt  }
0x5b: {  	_ =	shalt  }
0x5c: {  	_ =	shalt  }
0x5d: {  	_ =	shalt  }
0x5e: {  	_ =	shalt  }
0x5f: {  	_ =	shalt  }
0x60: {  	_ =	shalt  }
0x61: {  	_ =	shalt  }
0x62: {  	_ =	shalt  }
0x63: {  	_ =	shalt  }
0x64: {  	_ =	shalt  }
0x65: {  	_ =	shalt  }
0x66: {  	_ =	shalt  }
0x67: {  	_ =	shalt  }
0x68: {  	_ =	shalt  }
0x69: {  	_ =	shalt  }
0x6a: {  	_ =	shalt  }
0x6b: {  	_ =	shalt  }
0x6c: {  	_ =	shalt  }
0x6d: {  	_ =	shalt  }
0x6e: {  	_ =	shalt  }
0x6f: {  	_ =	shalt  }
0x70: {  	_ =	shalt  }
0x71: {  	_ =	shalt  }
0x72: {  	_ =	shalt  }
0x73: {  	_ =	shalt  }
0x74: {  	_ =	shalt  }
0x75: {  	_ =	shalt  }
0x76: {  	_ =	shalt  }
0x77: {  	_ =	shalt  }
0x78: {  	_ =	shalt  }
0x79: {  	_ =	shalt  }
0x7a: {  	_ =	shalt  }
0x7b: {  	_ =	shalt  }
0x7c: {  	_ =	shalt  }
0x7d: {  	_ =	shalt  }
0x7e: {  	_ =	shalt  }
0x7f: {  	_ =	shalt  }
0x80: {  	_ =	shalt  }
0x81: {  	_ =	shalt  }
0x82: {  	_ =	shalt  }
0x83: {  	_ =	shalt  }
0x84: {  	_ =	shalt  }
0x85: {  	_ =	shalt  }
0x86: {  	_ =	shalt  }
0x87: {  	_ =	shalt  }
.Lfunc_end0:
.L_simem_size_0:
called_computation.1_lowered:
.L_overlay_start_0:
0x88: {  	s2 =	sld [smem:$0x3FD9]  }
0x89: {  	s3 =	sld [smem:$0x3FFE];
	_ =	sdelay $0x1  }
0x8a: {  	s1 =	srdreg.scid  }
0x8b: {  	s0 =	sand.u32 $0x1, s1  }
0x8c: {  	s14 =	sshll.u32 s0, $0xA;
	s2 =	sadd.s32 s3, s2  }
0x8d: {  	s2 =	sadd.s32 s2, s14  }
0x8e: {  	[smem:$0x3FB6] =	sst s2  }
0x8f: {  	_ = 	snop  }
0x90: {  	s2 =	sld [smem:$0x3FD0];
	_ =	sdelay $0x2  }
0x91: {  	s15 =	simm.s32 $0xA;
	s4 =	simm.s32 $0x10  }
0x92: {  	[smem:s4], [sflag:s15] =	dma.local [hbm:s2], $0x1  }
0x93: {  	_ =	swait.eq [sflag:s15], $0x1  }
0x94: {  	[sflag:s15] =	ssyncset.done $0x0  }
0x95: {  	s16 =	sld [smem:$0x10];
	[sflag:s15] =	ssyncadd.s32 $0xFFFFFFFF  }
0x96: {  	s17 =	sld [smem:$0x13];
	(tm) =	ssettm $0x1  }
0x97: {  	s18 =	sld [smem:$0x3FFB];
	_ =	sdelay $0x3  }
0x98: {  	_ =	strace s18  }
0x99: {  	s4 =	sld [smem:$0x3FFC];
	_ =	sdelay $0x3  }
0x9a: {  	_ =	strace s4  }
0x9b: {  	s4 =	sld [smem:$0x3FFD];
	_ =	sdelay $0x3  }
0x9c: {  	_ =	strace s4  }
0x9d: {  	_ =	strace $0x8FFFFFFF  }
0x9e: {  	s19 =	sld [smem:$0x3FDB];
	_ =	sdelay $0x1  }
0x9f: {  	s5 =	simm.s32 $_scs_section_size  }
0xa0: {  	s6 =	simm.s32 $_size__tile_overlayer_lowered;
	s7 =	simm.s32 $_tile_overlayer_lowered  }
0xa1: {  	s22 =	simm.s32 $0x1BFF;
	s21 =	sshll.u32 s7, $0x1;
	s4 =	sadd.s32 s5, s19  }
0xa2: {  	s8 =	simm.s32 $0x0;
	s20 =	sshll.u32 s6, $0x1;
	s6 =	sadd.s32 s21, s4  }
0xa3: {  	[timem:s8], [sflag:s22] =	dma.local [hbm:s6], s20  }
0xa4: {  	_ =	swait.ge [sflag:s22], s20  }
0xa5: {  	s5 =	ssub.s32 $0x0, s20;
	[sflag:s22] =	ssyncset.done $0x0  }
0xa6: {  	[sflag:s22] =	ssyncadd.s32 s5;
	_ =	sdelay $0x1  }
0xa7: {  	s23 =	simm.s32 $0x1B8B  }
0xa8: {  	_ =	swait.ge [sflag:s23], $0x1  }
0xa9: {  	[sflag:s23] =	ssyncset.done $0x0  }
0xaa: {  	s25 =	simm.s32 $0x1B8E;
	s24 =	sld [smem:$0x3FFE];
	[sflag:s23] =	ssyncadd.s32 $0xFFFFFFFF  }
0xab: {  	s26 =	simm.s32 $execute0_lowered;
	[smem:$0x3FD2] =	sst s25  }
0xac: {  	s6 =	sshll.u32 s26, $0x1;
	_ =	strace $0x80000049;
	[dreg:$0x1] =	wrdreg $0xFFFFFFFF  }
0xad: {  	s28 =	simm.s32 $_size_execute0_lowered;
	s4 =	sadd.s32 s4, s6;
	[dreg:$0x0] =	wrdreg $0x0  }
0xae: {  	s6 =	sshll.u32 s28, $0x1;
	[dreg:$0x2] =	wrdreg s4  }
0xaf: {  	[dreg:$0x3] =	wrdreg s6  }
0xb0: {  	[dreg:$0x4] =	wrdreg $0xC0  }
0xb1: {  	_ =	task [dreg:s8], $0x5FFFF  }
0xb2: {  	[dreg:$0x1] =	wrdreg $0xFFFFFFFF  }
0xb3: {  	[dreg:$0x0] =	wrdreg $0x60  }
0xb4: {  	[dreg:$0x2] =	wrdreg s17  }
0xb5: {  	[dreg:$0x3] =	wrdreg s16  }
0xb6: {  	[dreg:$0x4] =	wrdreg s24  }
0xb7: {  	[dreg:$0x5] =	wrdreg $0x88000  }
0xb8: {  	[dreg:$0x6] =	wrdreg $0x9  }
0xb9: {  	_ =	task.clear_ibuf [dreg:s8], $0x7FFFF;
	_ =	strace $0x90000049  }
0xba: {  	s29 =	simm.s32 $0x9;
	_ =	strace $0x8000004E  }
0xbb: {  	_ =	swait.ge [sflag:s29], $0x1  }
0xbc: {  	[sflag:s29] =	ssyncadd.s32 $0xFFFFFFFF  }
0xbd: {  	_ =	strace $0x9000004E  }
0xbe: {  	_ =	sfence  }
0xbf: {  	s30 =	sld [smem:$0x0];
	_ =	sdelay $0x2  }
0xc0: {  	s31 =	sshll.u32 s1, $0xD;
	s1 =	sshrl.u32 s1, $0x2  }
0xc1: {  	s3 =	sand.u32 $0x4000, s31;
	s1 =	sadd.s32 s1, s30  }
0xc2: {  	s0 =	sor.u32 s3, s0;
	s1 =	sshll.u32 s1, $0x11  }
0xc3: {  	s0 =	sor.u32 s1, s0  }
0xc4: {  	s0 =	sadd.s32 $0x8F2B, s0  }
0xc5: {  	[sflag:s0] =	ssyncadd.remote.s32 $0x1  }
0xc6: {  	_ =	sfence.sel $0xFFFF  }
0xc7: {  	[dreg:$0x0] =	wrdreg $0xFFFFFFFF;
	(pc) =	sbr.abs _section_cstart, $3  }
0xc8: {  	[dreg:$0x1] =	wrdreg $0xFFFFFFFF  }
0xc9: {  	_ =	task.clear_ibuf [dreg:s8], $0x2FFFF;
	_ =	strace $0x9FFFFFFF  }
0xca: {  	(tm) =	ssettm $0x7FFFFFFF  }
0xcb: {  	_ =	shalt  }
tec
execute0_lowered:
.L_overlay_start_1:
0x0: {  	(tag) =	ssettag $0x1  }
0x1: {  	s1 =	rddreg [dreg:$0x0]  }
0x2: {  	s0 =	rddreg [dreg:$0x1]  }
0x3: {  	s3 =	rddreg [dreg:$0x2]  }
0x4: {  	s2 =	rddreg [dreg:$0x3]  }
0x5: {  	s4 =	simm.s32 $0x0;
	s5 =	srdreg.scid;
	s9 =	stileid.u32  }
0x6: {  	s14 =	simm.s32 $0x800;
	s15 =	simm.s32 $0x3;
	s16 =	simm.s32 $0x400  }
0x7: {  	s17 =	simm.s32 $0x80;
	s18 =	simm.s32 $0x4800;
	s19 =	simm.s32 $0x1  }
0x8: {  	s20 =	simm.s32 $0x2;
	s28 =	simm.s32 $0x280;
	s29 =	simm.s32 $0x600  }
0x9: {  	s30 =	simm.s32 $0x680;
	s6 =	sand.u32 $0x1, s5;
	s5 =	smul.u32 $0x98, s9  }
0xa: {  	s31 =	simm.s32 $0x300;
	[smem:$0x7FF] =	sst s4;
	s21 =	smul.u32 $0x13C00, s9  }
0xb: {  	s7 =	sshll.u32 s9, $0x3;
	s9 =	smul.u32 $0x4F000, s9;
	p0 =	seq.s32 s6, $0x0  }
0xc: {  	s7 =	sor.u32 $0x980, s7;
	s8 =	smul.u32 $0x13C000, s6;
	s22 =	ssub.s32 $0x2, s6  }
0xd: {  	_ =	strace $0x8000004A;
	s7 =	smov.u32 @p0 s5;
	s11 =	sshrl.u32 s22, $0x1  }
0xe: {  	s9 =	sshrl.u32 s9, $0x2;
	p0 =	sne.s32 s6, $0x0;
	s6 =	simm.s32 $0x780  }
0xf: {  	s7 =	sshll.u32 s7, $0x4;
	s5 =	sadd.s32 s21, s8;
	s8 =	ssub.s32 s22, s11  }
0x10: {  	s21 =	simm.s32 $0x480;
	s10 =	sadd.s32 s7, s3;
	s5 =	sshrl.u32 s5, $0x3  }
0x11: {  	s26 =	smax.u32 s8, $0x1;
	s3 =	sadd.s32 s5, s3;
	s5 =	sadd.s32 s9, s2  }
0x12: {  	s22 =	simm.s32 $0x100;
	[dreg:$0xa] =	wrdreg s26;
	s9 =	sadd.s32 $0x4000, s5  }
0x13: {  	s8 =	sadd.s32 s7, s0;
	s23 =	sadd.s32 $0x8000, s5;
	[dreg:$0x5] =	wrdreg s9  }
0x14: {  	s0 =	simm.s32 $0x380;
	s24 =	sadd.s32 $0xC000, s5;
	[dreg:$0x6] =	wrdreg s23  }
0x15: {  	s7 =	simm.s32 $0x0;
	s25 =	sadd.s32 $0x10000, s5;
	[dreg:$0x7] =	wrdreg s24  }
0x16: {  	s26 =	simm.s32 $0x200;
	s3 =	sadd.s32 $0xE800, s3;
	[dreg:$0x8] =	wrdreg s25  }
0x17: {  	[dreg:$0x9] =	wrdreg s3;
	s9 =	sadd.s32 $0x4800, s10;
	s23 =	simm.s32 $0x180  }
0x18: {  	v0 =	vimm.f32 $0.0e+00;
	s24 =	simm.s32 $0x500;
	s25 =	simm.s32 $0x580;
	s3 =	simm.s32 $0x700  }
.LBB2_1:
0x19: {  	_ =	strace $0x8000004B;
	s10 =	simm.s32 $0x0;
	s12 =	simm.s32 $0x200  }
.LBB2_2:
0x1a: {  	p1 =	sne.s32 s12, $0xFE00;
	[tilespmem:s10+$0x870] =	vst v0  }
0x1b: {  	[tilespmem:s10+$0x800] =	vst v0  }
0x1c: {  	[tilespmem:s10+$0x810] =	vst v0  }
.Ltmp0:
0x1d: {  	[tilespmem:s10+$0x820] =	vst v0;
	(pc) =	sbr.rel @p1 .LBB2_2-.Ltmp0, $4  }
0x1e: {  	[tilespmem:s10+$0x830] =	vst v0  }
0x1f: {  	[tilespmem:s10+$0x840] =	vst v0  }
0x20: {  	[tilespmem:s10+$0x850] =	vst v0  }
0x21: {  	[tilespmem:s10+$0x860] =	vst v0;
	s10 =	sshra.s32 s12, $0x2;
	s12 =	sadd.s32 $0x200, s12  }
0x22: {  	[tilespmem:s10+$0x870] =	vst v0  }
0x23: {  	[tilespmem:s10+$0x800] =	vst v0  }
0x24: {  	[tilespmem:s10+$0x810] =	vst v0  }
0x25: {  	[tilespmem:s10+$0x820] =	vst v0  }
0x26: {  	[tilespmem:s10+$0x830] =	vst v0  }
0x27: {  	[tilespmem:s10+$0x840] =	vst v0  }
0x28: {  	[tilespmem:s10+$0x850] =	vst v0  }
0x29: {  	[tilespmem:s10+$0x860] =	vst v0  }
0x2a: {  	[spmem:s5] =	stream.linear.scatter [tilespmem:s14], [sflag:$0x3], $0x4000, $0x200038;
	[tilespmem:$0x1C400] =	vst v63  }
0x2b: {  	_ =	swait.ge [sflag:s15], $0x4000  }
0x2c: {  	[sflag:s15] =	ssyncset.done $0x0  }
0x2d: {  	s13 =	rddreg [dreg:$0x5];
	[sflag:s15] =	ssyncadd.s32 $0xFFFFC000  }
0x2e: {  	[spmem:s13] =	stream.linear.scatter [tilespmem:s14], [sflag:$0x3], $0x4000, $0x200038;
	[tilespmem:$0x1C400] =	vst v63  }
0x2f: {  	_ =	swait.ge [sflag:s15], $0x4000  }
0x30: {  	[sflag:s15] =	ssyncset.done $0x0  }
0x31: {  	s11 =	rddreg [dreg:$0x6];
	[sflag:s15] =	ssyncadd.s32 $0xFFFFC000  }
0x32: {  	[spmem:s11] =	stream.linear.scatter [tilespmem:s14], [sflag:$0x3], $0x4000, $0x200038;
	[tilespmem:$0x1C400] =	vst v63  }
0x33: {  	_ =	swait.ge [sflag:s15], $0x4000  }
0x34: {  	[sflag:s15] =	ssyncset.done $0x0  }
0x35: {  	s12 =	rddreg [dreg:$0x7];
	[sflag:s15] =	ssyncadd.s32 $0xFFFFC000  }
0x36: {  	[spmem:s12] =	stream.linear.scatter [tilespmem:s14], [sflag:$0x3], $0x4000, $0x200038;
	[tilespmem:$0x1C400] =	vst v63  }
0x37: {  	_ =	swait.ge [sflag:s15], $0x4000  }
0x38: {  	[sflag:s15] =	ssyncset.done $0x0  }
0x39: {  	s13 =	rddreg [dreg:$0x8];
	[sflag:s15] =	ssyncadd.s32 $0xFFFFC000  }
0x3a: {  	[spmem:s13] =	stream.linear.scatter [tilespmem:s14], [sflag:$0x3], $0x3C00, $0x200038;
	[tilespmem:$0x1C400] =	vst v63  }
0x3b: {  	_ =	swait.ge [sflag:s15], $0x3C00  }
0x3c: {  	[sflag:s15] =	ssyncset.done $0x0  }
0x3d: {  	[sflag:s15] =	ssyncadd.s32 $0xFFFFC400  }
0x3e: {  	[bflag:$0x0] =	sbarrier.arrive $0xFFFF  }
0x3f: {  	s10 =	simm.s32 $0x0;
	_ =	strace $0x9000004B  }
0x40: {  	s12 =	smov.u32 s9;
	s13 =	smov.u32 s8;
	_ =	strace $0x8000004C  }
.LBB2_4:
0x41: {  	p1 =	seq.s32 s10, $0x0  }
0x42: {  	s11 =	simm.s32 @!p1 $0x1  }
0x43: {  	_ =	swait.ge @!p1 [sflag:s11], $0x4000  }
0x44: {  	[sflag:s11] =	ssyncset.done @!p1 $0x0  }
0x45: {  	[sflag:s11] =	ssyncadd.s32 @!p1 $0xFFFFC000;
	s11 =	simm.s32 @!p1 $0x2  }
0x46: {  	_ =	swait.ge @!p1 [sflag:s11], $0x4000  }
0x47: {  	[sflag:s11] =	ssyncset.done @!p1 $0x0  }
0x48: {  	[sflag:s11] =	ssyncadd.s32 @!p1 $0xFFFFC000  }
0x49: {  	[tilespmem:s4], [sflag:$0x3] =	stream.linear.gather [hbm4b:s13+s4], $0x400, $0x200038;
	[tilespmem:$0x1C400] =	vst v63  }
0x4a: {  	_ =	swait.ge [sflag:s15], $0x400  }
0x4b: {  	[sflag:s15] =	ssyncset.done $0x0  }
0x4c: {  	[sflag:s15] =	ssyncadd.s32 $0xFFFFFC00  }
0x4d: {  	[tilespmem:s16], [sflag:$0x3] =	stream.linear.gather [hbm4b:s12+s4], $0x400, $0x200038;
	[tilespmem:$0x1C400] =	vst v63  }
0x4e: {  	_ =	swait.ge [sflag:s15], $0x400  }
0x4f: {  	[sflag:s15] =	ssyncset.done $0x0  }
0x50: {  	[sflag:s15] =	ssyncadd.s32 $0xFFFFFC00  }
0x51: {  	[tilespmem:s14], [sflag:$0x1] =	stream.indirect.gather [hbm4b:s1+s17], $0x80, s4, s17, $0x2000b8;
	[tilespmem:$0x1C400] =	vst v63  }
0x52: {  	_ = 	snop  }
0x53: {  	[tilespmem:s18], [sflag:$0x2] =	stream.indirect.gather [hbm4b:s1+s17], $0x80, s17, s17, $0x2000b8;
	[tilespmem:$0x1C400] =	vst v63  }
0x54: {  	_ =	swait.ge [sflag:s19], $0x4000  }
0x55: {  	[sflag:s19] =	ssyncset.done $0x0  }
0x56: {  	[sflag:s19] =	ssyncadd.s32 $0xFFFFC000  }
0x57: {  	[spmem:s2] =	stream.indirect.scatter.add.f32 [tilespmem:s14], [sflag:$0x1], $0x80, s16, s17, $0x2000b8;
	[tilespmem:$0x1C400] =	vst v63  }
0x58: {  	_ =	swait.ge [sflag:s20], $0x4000  }
0x59: {  	[sflag:s20] =	ssyncset.done $0x0  }
0x5a: {  	[sflag:s20] =	ssyncadd.s32 $0xFFFFC000  }
0x5b: {  	[spmem:s2] =	stream.indirect.scatter.add.f32 [tilespmem:s18], [sflag:$0x2], $0x80, s21, s17, $0x2000b8;
	[tilespmem:$0x1C400] =	vst v63  }
0x5c: {  	_ =	swait.ge [sflag:s19], $0x4000  }
0x5d: {  	[sflag:s19] =	ssyncset.done $0x0  }
0x5e: {  	[sflag:s19] =	ssyncadd.s32 $0xFFFFC000  }
0x5f: {  	_ =	swait.ge [sflag:s20], $0x4000  }
0x60: {  	[sflag:s20] =	ssyncset.done $0x0  }
0x61: {  	[sflag:s20] =	ssyncadd.s32 $0xFFFFC000  }
0x62: {  	[tilespmem:s14], [sflag:$0x1] =	stream.indirect.gather [hbm4b:s1+s17], $0x80, s22, s17, $0x2000b8;
	[tilespmem:$0x1C400] =	vst v63  }
0x63: {  	_ = 	snop  }
0x64: {  	[tilespmem:s18], [sflag:$0x2] =	stream.indirect.gather [hbm4b:s1+s17], $0x80, s23, s17, $0x2000b8;
	[tilespmem:$0x1C400] =	vst v63  }
0x65: {  	_ =	swait.ge [sflag:s19], $0x4000  }
0x66: {  	[sflag:s19] =	ssyncset.done $0x0  }
0x67: {  	[sflag:s19] =	ssyncadd.s32 $0xFFFFC000  }
0x68: {  	[spmem:s2] =	stream.indirect.scatter.add.f32 [tilespmem:s14], [sflag:$0x1], $0x80, s24, s17, $0x2000b8;
	[tilespmem:$0x1C400] =	vst v63  }
0x69: {  	_ =	swait.ge [sflag:s20], $0x4000  }
0x6a: {  	[sflag:s20] =	ssyncset.done $0x0  }
0x6b: {  	[sflag:s20] =	ssyncadd.s32 $0xFFFFC000  }
0x6c: {  	[spmem:s2] =	stream.indirect.scatter.add.f32 [tilespmem:s18], [sflag:$0x2], $0x80, s25, s17, $0x2000b8;
	[tilespmem:$0x1C400] =	vst v63  }
0x6d: {  	_ =	swait.ge [sflag:s19], $0x4000  }
0x6e: {  	[sflag:s19] =	ssyncset.done $0x0  }
0x6f: {  	[sflag:s19] =	ssyncadd.s32 $0xFFFFC000  }
0x70: {  	_ =	swait.ge [sflag:s20], $0x4000  }
0x71: {  	[sflag:s20] =	ssyncset.done $0x0  }
0x72: {  	[sflag:s20] =	ssyncadd.s32 $0xFFFFC000  }
0x73: {  	[tilespmem:s14], [sflag:$0x1] =	stream.indirect.gather [hbm4b:s1+s17], $0x80, s26, s17, $0x2000b8;
	[tilespmem:$0x1C400] =	vst v63  }
0x74: {  	_ = 	snop  }
0x75: {  	[tilespmem:s18], [sflag:$0x2] =	stream.indirect.gather [hbm4b:s1+s17], $0x80, s28, s17, $0x2000b8;
	[tilespmem:$0x1C400] =	vst v63  }
0x76: {  	_ =	swait.ge [sflag:s19], $0x4000  }
0x77: {  	[sflag:s19] =	ssyncset.done $0x0  }
0x78: {  	[sflag:s19] =	ssyncadd.s32 $0xFFFFC000  }
0x79: {  	[spmem:s2] =	stream.indirect.scatter.add.f32 [tilespmem:s14], [sflag:$0x1], $0x80, s29, s17, $0x2000b8;
	[tilespmem:$0x1C400] =	vst v63  }
0x7a: {  	_ =	swait.ge [sflag:s20], $0x4000  }
0x7b: {  	[sflag:s20] =	ssyncset.done $0x0  }
0x7c: {  	[sflag:s20] =	ssyncadd.s32 $0xFFFFC000  }
0x7d: {  	[spmem:s2] =	stream.indirect.scatter.add.f32 [tilespmem:s18], [sflag:$0x2], $0x80, s30, s17, $0x2000b8;
	[tilespmem:$0x1C400] =	vst v63  }
0x7e: {  	_ =	swait.ge [sflag:s19], $0x4000  }
0x7f: {  	[sflag:s19] =	ssyncset.done $0x0  }
0x80: {  	[sflag:s19] =	ssyncadd.s32 $0xFFFFC000  }
0x81: {  	_ =	swait.ge [sflag:s20], $0x4000  }
0x82: {  	[sflag:s20] =	ssyncset.done $0x0  }
0x83: {  	[sflag:s20] =	ssyncadd.s32 $0xFFFFC000  }
0x84: {  	[tilespmem:s14], [sflag:$0x1] =	stream.indirect.gather [hbm4b:s1+s17], $0x80, s31, s17, $0x2000b8;
	[tilespmem:$0x1C400] =	vst v63  }
0x85: {  	_ = 	snop  }
0x86: {  	[tilespmem:s18], [sflag:$0x2] =	stream.indirect.gather [hbm4b:s1+s17], $0x80, s0, s17, $0x2000b8;
	[tilespmem:$0x1C400] =	vst v63  }
0x87: {  	_ =	swait.ge [sflag:s19], $0x4000  }
0x88: {  	p1 =	slt.u32 @!p0 s10, $0x12;
	[sflag:s19] =	ssyncset.done $0x0  }
0x89: {  	p1 =	por p0, !p1;
	[sflag:s19] =	ssyncadd.s32 $0xFFFFC000  }
0x8a: {  	[spmem:s2] =	stream.indirect.scatter.add.f32 [tilespmem:s14], [sflag:$0x1], $0x80, s3, s17, $0x2000b8;
	[tilespmem:$0x1C400] =	vst v63  }
.Ltmp1:
0x8b: {  	_ = 	snop;
	(pc) =	sbr.rel @!p1 .LBB2_4-.Ltmp1, $4  }
0x8c: {  	_ =	swait.ge [sflag:s20], $0x4000  }
0x8d: {  	s10 =	sadd.s32 $0x1, s10;
	[sflag:s20] =	ssyncset.done $0x0  }
0x8e: {  	s13 =	sadd.s32 $0x80, s13;
	s12 =	sadd.s32 $0x80, s12;
	[sflag:s20] =	ssyncadd.s32 $0xFFFFC000  }
0x8f: {  	[spmem:s2] =	stream.indirect.scatter.add.f32 [tilespmem:s18], [sflag:$0x2], $0x80, s6, s17, $0x2000b8;
	[tilespmem:$0x1C400] =	vst v63  }
0x90: {  	_ =	swait.ge [sflag:s19], $0x4000  }
0x91: {  	[sflag:s19] =	ssyncset.done $0x0  }
0x92: {  	[sflag:s19] =	ssyncadd.s32 $0xFFFFC000  }
0x93: {  	_ =	swait.ge [sflag:s20], $0x4000  }
0x94: {  	[sflag:s20] =	ssyncset.done $0x0  }
0x95: {  	[sflag:s20] =	ssyncadd.s32 $0xFFFFC000  }
0x96: {  	[bflag:$0x0] =	sbarrier.arrive $0xFFFF  }
0x97: {  	s10 =	stileid.u32;
	_ =	strace $0x9000004C  }
0x98: {  	s10 =	sshll.u32 s10, $0x6;
	_ =	strace $0x8000004D  }
0x99: {  	s11 =	sshrl.u32 s5, $0x3;
	s10 =	sor.u32 $0x1C03, s10;
	s12 =	rddreg [dreg:$0x9]  }
0x9a: {  	[hbm:s12], [sflag:s10] =	dma.local [spmem:s11], $0x2780  }
0x9b: {  	_ =	swait.ge [sflag:s15], $0x2780  }
0x9c: {  	s7 =	sadd.s32 $0x1, s7;
	s13 =	rddreg [dreg:$0xa]  }
0x9d: {  	p1 =	sne.s32 s7, s13  }
.Ltmp2:
0x9e: {  	_ = 	snop;
	(pc) =	sbr.rel @p1 .LBB2_1-.Ltmp2, $4  }
0x9f: {  	_ = 	snop  }
0xa0: {  	[sflag:s15] =	ssyncset.done $0x0  }
0xa1: {  	[sflag:s15] =	ssyncadd.s32 $0xFFFFD880  }
0xa2: {  	_ =	strace $0x9000004D  }
0xa3: {  	_ =	sfence.sel $0x180000  }
0xa4: {  	[bflag:$0x0] =	sbarrier.arrive $0xFFFF  }
0xa5: {  	_ =	strace $0x9000004A  }
0xa6: {  	s0 =	stileid.u32;
	[bflag:$0x2] =	sbarrier.arrive $0xFFFF  }
0xa7: {  	p0 =	sne.s32 s0, $0x0;
	s0 =	rddreg [dreg:$0x4]  }
0xa8: {  	s0 =	sadd.s32 @!p0 $0x100000, s0  }
0xa9: {  	[sflag:s0] =	ssyncadd.tile.s32 @!p0 $0x1;
	_ =	shalt  }
.Lfunc_end2:
_tile_overlayer_lowered:
.L_overlay_start_2:
0xaa: {  	(tag) =	ssettag $0x2  }
0xab: {  	s0 =	rddreg [dreg:$0x0];
	s2 =	stileid.u32  }
0xac: {  	s1 =	rddreg [dreg:$0x1];
	p0 =	sne.s32 s2, $0x0  }
0xad: {  	s3 =	rddreg [dreg:$0x2];
	[bflag:$0x3] =	sbarrier.arrive $0xFFFF;
	s2 =	simm.s32 @!p0 $0x1C03  }
0xae: {  	[timem:s3], [sflag:s2] =	dma.local @!p0 [hbm:s0], s1  }
0xaf: {  	s0 =	simm.s32 @!p0 $0x3  }
0xb0: {  	_ =	swait.ge @!p0 [sflag:s0], s1  }
0xb1: {  	s1 =	ssub.s32 @!p0 $0x0, s1;
	[sflag:s0] =	ssyncset.done @!p0 $0x0  }
0xb2: {  	[sflag:s0] =	ssyncadd.s32 @!p0 s1  }
0xb3: {  	[bflag:$0x3] =	sbarrier.arrive $0xFFFF  }
0xb4: {  	_ =	shalt  }

// kernel: kernel.20.cloned.1.call-start
scs
__scs_entry_jumppad:
0x0: {  	(pc) =	sbr.rel $0x88, $3  }
0x1: {  	(tag) =	ssettag $0x0;
	lr =	simm.s32 $0x1  }
0x2: {  	[smem:$0x3F8F] =	sst lr;
	_ =	strace $0xD0000000  }
0x3: {  	_ = 	snop  }
0x4: {  	_ = 	snop  }
0x5: {  	_ = 	snop  }
0x6: {  	_ = 	snop  }
0x7: {  	_ = 	snop  }
__scs_overlays_trampoline_lowered:
0x8: {  	[smem:$0x3F9E] =	sst s0  }
0x9: {  	[smem:$0x3F9F] =	sst s1  }
0xa: {  	[smem:$0x3FA0] =	sst s2  }
0xb: {  	[smem:$0x3FA1] =	sst s3  }
0xc: {  	[smem:$0x3FA2] =	sst s4  }
0xd: {  	[smem:$0x3FA3] =	sst s5  }
0xe: {  	[smem:$0x3FA4] =	sst s6  }
0xf: {  	[smem:$0x3FA5] =	sst s7  }
0x10: {  	[smem:$0x3FA6] =	sst s8  }
0x11: {  	[smem:$0x3FA7] =	sst s9;
	s0 =	simm.s32 @!p0 $0x0  }
0x12: {  	s1 =	sld [smem:$0x3F8D];
	s0 =	simm.s32 @p0 $0x1  }
0x13: {  	[smem:$0x3FA8] =	sst s0;
	s0 =	simm.s32 @!p1 $0x0  }
0x14: {  	s2 =	sld [smem:$0x3F8C];
	s0 =	simm.s32 @p1 $0x1  }
0x15: {  	[smem:$0x3FA9] =	sst s0;
	s0 =	simm.s32 @!p2 $0x0  }
0x16: {  	s3 =	sld [smem:$0x3FDB];
	s0 =	simm.s32 @p2 $0x1  }
0x17: {  	s4 =	simm.s32 $0x1BF5;
	[smem:$0x3FAB] =	sst s0  }
0x18: {  	s0 =	sld [smem:$0x3F8E];
	_ =	swait.ge [sflag:s4], $0x0  }
0x19: {  	s7 =	sld [smem:$0x3F8F]  }
0x1a: {  	s8 =	sadd.s32 $0xFFFFE003, lr  }
0x1b: {  	s9 =	sadd.s32 $0xFFFFFEF7, lr;
	s5 =	simm.s32 $0xFFFFFFFF;
	p2 =	slt.u32 s8, $0xFFFFF086  }
0x1c: {  	p1 =	slt.u32 s9, $0xF7A;
	s5 =	simm.s32 @!p2 $0x0  }
0x1d: {  	s5 =	simm.s32 @p1 $0x1;
	p0 =	seq.s32 s7, s2  }
0x1e: {  	s7 =	smul.u32 @!p0 $0xF7A, s2;
	p2 =	seq.s32 @!p0 s5, $0x0  }
0x1f: {  	s9 =	smul.u32 $0xF7A, s1;
	s8 =	simm.s32 @!p0 $0x1BF5;
	p2 =	por !p2, p0  }
0x20: {  	[sflag:s8] =	ssyncset.s32 @!p0 $0xFFFFF086;
	s6 =	sadd.s32 @!p0 s3, s7;
	s7 =	simm.s32 @!p0 $0x108  }
0x21: {  	s3 =	sadd.s32 s3, s9;
	s6 =	sadd.s32 @!p0 $0x88, s6;
	s7 =	simm.s32 @p2 $0x1082  }
0x22: {  	[simem:s7], [sflag:s8] =	dma.local @!p0 [hbm:s6], $0xF7A  }
0x23: {  	s9 =	sor.u32 $0xD0000000, s2;
	s6 =	simm.s32 $0x108;
	_ =	swait.ge @!p0 [sflag:s8], $0x0  }
0x24: {  	s3 =	sadd.s32 $0x88, s3;
	s6 =	simm.s32 @!p1 $0x1082;
	[sflag:s4] =	ssyncset.s32 $0xFFFFF086  }
0x25: {  	[simem:s6], [sflag:s4] =	dma.local [hbm:s3], $0xF7A  }
0x26: {  	[smem:$0x3F8F] =	sst s1;
	(tag) =	ssettag s2;
	_ =	strace s9  }
0x27: {  	s1 =	sld [smem:$0x3F9F]  }
0x28: {  	s2 =	sld [smem:$0x3FA0]  }
0x29: {  	s4 =	sld [smem:$0x3FA2]  }
0x2a: {  	p0 =	seq.s32 s5, $0x0;
	s5 =	sld [smem:$0x3FA3]  }
0x2b: {  	s6 =	sld [smem:$0x3FA4]  }
0x2c: {  	s7 =	sld [smem:$0x3FA5]  }
0x2d: {  	s3 =	simm.s32 $0x108;
	s8 =	sld [smem:$0x3FA6]  }
0x2e: {  	s3 =	simm.s32 @!p0 $0x1082;
	s9 =	sld [smem:$0x3FA7]  }
0x2f: {  	lr =	sadd.s32 s0, s3;
	s0 =	sld [smem:$0x3F9E]  }
0x30: {  	s3 =	sld [smem:$0x3FA1]  }
0x31: {  	[smem:$0x3FAA] =	sst s10  }
0x32: {  	s10 =	sld [smem:$0x3FA8];
	_ =	sdelay $0x3  }
0x33: {  	p0 =	seq.s32 s10, $0x1;
	s10 =	sld [smem:$0x3FAA];
	_ =	sdelay $0x3  }
0x34: {  	[smem:$0x3FAA] =	sst s10  }
0x35: {  	s10 =	sld [smem:$0x3FA9];
	_ =	sdelay $0x3  }
0x36: {  	p1 =	seq.s32 s10, $0x1;
	s10 =	sld [smem:$0x3FAA];
	_ =	sdelay $0x3  }
0x37: {  	[smem:$0x3FAA] =	sst s10  }
0x38: {  	s10 =	sld [smem:$0x3FAB]  }
0x39: {  	_ = 	snop;
	(pc) =	sbr.ind lr, $3  }
0x3a: {  	_ = 	snop  }
0x3b: {  	_ = 	snop  }
0x3c: {  	p2 =	seq.s32 s10, $0x1;
	s10 =	sld [smem:$0x3FAA]  }
0x3d: {  	_ =	shalt  }
0x3e: {  	_ =	shalt  }
0x3f: {  	_ =	shalt  }
0x40: {  	_ =	shalt  }
0x41: {  	_ =	shalt  }
0x42: {  	_ =	shalt  }
0x43: {  	_ =	shalt  }
0x44: {  	_ =	shalt  }
0x45: {  	_ =	shalt  }
0x46: {  	_ =	shalt  }
0x47: {  	_ =	shalt  }
0x48: {  	_ =	shalt  }
0x49: {  	_ =	shalt  }
0x4a: {  	_ =	shalt  }
0x4b: {  	_ =	shalt  }
0x4c: {  	_ =	shalt  }
0x4d: {  	_ =	shalt  }
0x4e: {  	_ =	shalt  }
0x4f: {  	_ =	shalt  }
0x50: {  	_ =	shalt  }
0x51: {  	_ =	shalt  }
0x52: {  	_ =	shalt  }
0x53: {  	_ =	shalt  }
0x54: {  	_ =	shalt  }
0x55: {  	_ =	shalt  }
0x56: {  	_ =	shalt  }
0x57: {  	_ =	shalt  }
0x58: {  	_ =	shalt  }
0x59: {  	_ =	shalt  }
0x5a: {  	_ =	shalt  }
0x5b: {  	_ =	shalt  }
0x5c: {  	_ =	shalt  }
0x5d: {  	_ =	shalt  }
0x5e: {  	_ =	shalt  }
0x5f: {  	_ =	shalt  }
0x60: {  	_ =	shalt  }
0x61: {  	_ =	shalt  }
0x62: {  	_ =	shalt  }
0x63: {  	_ =	shalt  }
0x64: {  	_ =	shalt  }
0x65: {  	_ =	shalt  }
0x66: {  	_ =	shalt  }
0x67: {  	_ =	shalt  }
0x68: {  	_ =	shalt  }
0x69: {  	_ =	shalt  }
0x6a: {  	_ =	shalt  }
0x6b: {  	_ =	shalt  }
0x6c: {  	_ =	shalt  }
0x6d: {  	_ =	shalt  }
0x6e: {  	_ =	shalt  }
0x6f: {  	_ =	shalt  }
0x70: {  	_ =	shalt  }
0x71: {  	_ =	shalt  }
0x72: {  	_ =	shalt  }
0x73: {  	_ =	shalt  }
0x74: {  	_ =	shalt  }
0x75: {  	_ =	shalt  }
0x76: {  	_ =	shalt  }
0x77: {  	_ =	shalt  }
0x78: {  	_ =	shalt  }
0x79: {  	_ =	shalt  }
0x7a: {  	_ =	shalt  }
0x7b: {  	_ =	shalt  }
0x7c: {  	_ =	shalt  }
0x7d: {  	_ =	shalt  }
0x7e: {  	_ =	shalt  }
0x7f: {  	_ =	shalt  }
0x80: {  	_ =	shalt  }
0x81: {  	_ =	shalt  }
0x82: {  	_ =	shalt  }
0x83: {  	_ =	shalt  }
0x84: {  	_ =	shalt  }
0x85: {  	_ =	shalt  }
0x86: {  	_ =	shalt  }
0x87: {  	_ =	shalt  }
.Lfunc_end0:
.L_simem_size_0:
called_computation.2_lowered:
.L_overlay_start_0:
0x88: {  	s2 =	sld [smem:$0x3FD9]  }
0x89: {  	s3 =	sld [smem:$0x3FFE];
	_ =	sdelay $0x1  }
0x8a: {  	s1 =	srdreg.scid  }
0x8b: {  	s0 =	sand.u32 $0x1, s1  }
0x8c: {  	s14 =	sshll.u32 s0, $0xA;
	s2 =	sadd.s32 s3, s2  }
0x8d: {  	s2 =	sadd.s32 s2, s14  }
0x8e: {  	[smem:$0x3FB6] =	sst s2  }
0x8f: {  	_ = 	snop  }
0x90: {  	s2 =	sld [smem:$0x3FD0];
	_ =	sdelay $0x2  }
0x91: {  	s15 =	simm.s32 $0xA;
	s4 =	simm.s32 $0x10  }
0x92: {  	[smem:s4], [sflag:s15] =	dma.local [hbm:s2], $0x1  }
0x93: {  	_ =	swait.eq [sflag:s15], $0x1  }
0x94: {  	[sflag:s15] =	ssyncset.done $0x0  }
0x95: {  	s16 =	sld [smem:$0x10];
	[sflag:s15] =	ssyncadd.s32 $0xFFFFFFFF  }
0x96: {  	s17 =	sld [smem:$0x13];
	(tm) =	ssettm $0x1  }
0x97: {  	s18 =	sld [smem:$0x3FFB];
	_ =	sdelay $0x3  }
0x98: {  	_ =	strace s18  }
0x99: {  	s4 =	sld [smem:$0x3FFC];
	_ =	sdelay $0x3  }
0x9a: {  	_ =	strace s4  }
0x9b: {  	s4 =	sld [smem:$0x3FFD];
	_ =	sdelay $0x3  }
0x9c: {  	_ =	strace s4  }
0x9d: {  	_ =	strace $0x8FFFFFFF  }
0x9e: {  	s19 =	sld [smem:$0x3FDB];
	_ =	sdelay $0x1  }
0x9f: {  	s5 =	simm.s32 $_scs_section_size  }
0xa0: {  	s6 =	simm.s32 $_size__tile_overlayer_lowered;
	s7 =	simm.s32 $_tile_overlayer_lowered  }
0xa1: {  	s22 =	simm.s32 $0x1BFF;
	s21 =	sshll.u32 s7, $0x1;
	s4 =	sadd.s32 s5, s19  }
0xa2: {  	s8 =	simm.s32 $0x0;
	s20 =	sshll.u32 s6, $0x1;
	s6 =	sadd.s32 s21, s4  }
0xa3: {  	[timem:s8], [sflag:s22] =	dma.local [hbm:s6], s20  }
0xa4: {  	_ =	swait.ge [sflag:s22], s20  }
0xa5: {  	s5 =	ssub.s32 $0x0, s20;
	[sflag:s22] =	ssyncset.done $0x0  }
0xa6: {  	[sflag:s22] =	ssyncadd.s32 s5;
	_ =	sdelay $0x1  }
0xa7: {  	s23 =	simm.s32 $0x1B8B  }
0xa8: {  	_ =	swait.ge [sflag:s23], $0x1  }
0xa9: {  	[sflag:s23] =	ssyncset.done $0x0  }
0xaa: {  	s25 =	simm.s32 $0x1B8E;
	s24 =	sld [smem:$0x3FFE];
	[sflag:s23] =	ssyncadd.s32 $0xFFFFFFFF  }
0xab: {  	s26 =	simm.s32 $execute0_lowered;
	[smem:$0x3FD2] =	sst s25  }
0xac: {  	s6 =	sshll.u32 s26, $0x1;
	_ =	strace $0x8000004F;
	[dreg:$0x1] =	wrdreg $0xFFFFFFFF  }
0xad: {  	s28 =	simm.s32 $_size_execute0_lowered;
	s4 =	sadd.s32 s4, s6;
	[dreg:$0x0] =	wrdreg $0x0  }
0xae: {  	s6 =	sshll.u32 s28, $0x1;
	[dreg:$0x2] =	wrdreg s4  }
0xaf: {  	[dreg:$0x3] =	wrdreg s6  }
0xb0: {  	[dreg:$0x4] =	wrdreg $0xC0  }
0xb1: {  	_ =	task [dreg:s8], $0x5FFFF  }
0xb2: {  	[dreg:$0x1] =	wrdreg $0xFFFFFFFF  }
0xb3: {  	[dreg:$0x0] =	wrdreg $0x60  }
0xb4: {  	[dreg:$0x2] =	wrdreg s17  }
0xb5: {  	[dreg:$0x3] =	wrdreg s16  }
0xb6: {  	[dreg:$0x4] =	wrdreg s24  }
0xb7: {  	[dreg:$0x5] =	wrdreg $0x88000  }
0xb8: {  	[dreg:$0x6] =	wrdreg $0x9  }
0xb9: {  	_ =	task.clear_ibuf [dreg:s8], $0x7FFFF;
	_ =	strace $0x9000004F  }
0xba: {  	s29 =	simm.s32 $0x9;
	_ =	strace $0x80000054  }
0xbb: {  	_ =	swait.ge [sflag:s29], $0x1  }
0xbc: {  	[sflag:s29] =	ssyncadd.s32 $0xFFFFFFFF  }
0xbd: {  	_ =	strace $0x90000054  }
0xbe: {  	_ =	sfence  }
0xbf: {  	s30 =	sld [smem:$0x0];
	_ =	sdelay $0x2  }
0xc0: {  	s31 =	sshll.u32 s1, $0xD;
	s1 =	sshrl.u32 s1, $0x2  }
0xc1: {  	s3 =	sand.u32 $0x4000, s31;
	s1 =	sadd.s32 s1, s30  }
0xc2: {  	s0 =	sor.u32 s3, s0;
	s1 =	sshll.u32 s1, $0x11  }
0xc3: {  	s0 =	sor.u32 s1, s0  }
0xc4: {  	s0 =	sadd.s32 $0x8F2B, s0  }
0xc5: {  	[sflag:s0] =	ssyncadd.remote.s32 $0x1  }
0xc6: {  	_ =	sfence.sel $0xFFFF  }
0xc7: {  	[dreg:$0x0] =	wrdreg $0xFFFFFFFF;
	(pc) =	sbr.abs _section_cstart, $3  }
0xc8: {  	[dreg:$0x1] =	wrdreg $0xFFFFFFFF  }
0xc9: {  	_ =	task.clear_ibuf [dreg:s8], $0x2FFFF;
	_ =	strace $0x9FFFFFFF  }
0xca: {  	(tm) =	ssettm $0x7FFFFFFF  }
0xcb: {  	_ =	shalt  }
tec
execute0_lowered:
.L_overlay_start_1:
0x0: {  	(tag) =	ssettag $0x1  }
0x1: {  	s1 =	rddreg [dreg:$0x0]  }
0x2: {  	s0 =	rddreg [dreg:$0x1]  }
0x3: {  	s3 =	rddreg [dreg:$0x2]  }
0x4: {  	s2 =	rddreg [dreg:$0x3]  }
0x5: {  	s4 =	simm.s32 $0x0;
	s5 =	srdreg.scid;
	s9 =	stileid.u32  }
0x6: {  	s14 =	simm.s32 $0x800;
	s15 =	simm.s32 $0x3;
	s16 =	simm.s32 $0x400  }
0x7: {  	s17 =	simm.s32 $0x80;
	s18 =	simm.s32 $0x4800;
	s19 =	simm.s32 $0x1  }
0x8: {  	s20 =	simm.s32 $0x2;
	s28 =	simm.s32 $0x280;
	s29 =	simm.s32 $0x600  }
0x9: {  	s30 =	simm.s32 $0x680;
	s6 =	sand.u32 $0x1, s5;
	s5 =	smul.u32 $0x98, s9  }
0xa: {  	s31 =	simm.s32 $0x300;
	[smem:$0x7FF] =	sst s4;
	s21 =	smul.u32 $0x13C00, s9  }
0xb: {  	s7 =	sshll.u32 s9, $0x3;
	s9 =	smul.u32 $0x4F000, s9;
	p0 =	seq.s32 s6, $0x0  }
0xc: {  	s7 =	sor.u32 $0x980, s7;
	s8 =	smul.u32 $0x13C000, s6;
	s22 =	ssub.s32 $0x2, s6  }
0xd: {  	_ =	strace $0x80000050;
	s7 =	smov.u32 @p0 s5;
	s11 =	sshrl.u32 s22, $0x1  }
0xe: {  	s9 =	sshrl.u32 s9, $0x2;
	p0 =	sne.s32 s6, $0x0;
	s6 =	simm.s32 $0x780  }
0xf: {  	s7 =	sshll.u32 s7, $0x4;
	s5 =	sadd.s32 s21, s8;
	s8 =	ssub.s32 s22, s11  }
0x10: {  	s21 =	simm.s32 $0x480;
	s10 =	sadd.s32 s7, s3;
	s5 =	sshrl.u32 s5, $0x3  }
0x11: {  	s26 =	smax.u32 s8, $0x1;
	s3 =	sadd.s32 s5, s3;
	s5 =	sadd.s32 s9, s2  }
0x12: {  	s22 =	simm.s32 $0x100;
	[dreg:$0xa] =	wrdreg s26;
	s9 =	sadd.s32 $0x4000, s5  }
0x13: {  	s8 =	sadd.s32 s7, s0;
	s23 =	sadd.s32 $0x8000, s5;
	[dreg:$0x5] =	wrdreg s9  }
0x14: {  	s0 =	simm.s32 $0x380;
	s24 =	sadd.s32 $0xC000, s5;
	[dreg:$0x6] =	wrdreg s23  }
0x15: {  	s7 =	simm.s32 $0x0;
	s25 =	sadd.s32 $0x10000, s5;
	[dreg:$0x7] =	wrdreg s24  }
0x16: {  	s26 =	simm.s32 $0x200;
	s3 =	sadd.s32 $0xE800, s3;
	[dreg:$0x8] =	wrdreg s25  }
0x17: {  	[dreg:$0x9] =	wrdreg s3;
	s9 =	sadd.s32 $0x4800, s10;
	s23 =	simm.s32 $0x180  }
0x18: {  	v0 =	vimm.f32 $0.0e+00;
	s24 =	simm.s32 $0x500;
	s25 =	simm.s32 $0x580;
	s3 =	simm.s32 $0x700  }
.LBB2_1:
0x19: {  	_ =	strace $0x80000051;
	s10 =	simm.s32 $0x0;
	s12 =	simm.s32 $0x200  }
.LBB2_2:
0x1a: {  	p1 =	sne.s32 s12, $0xFE00;
	[tilespmem:s10+$0x870] =	vst v0  }
0x1b: {  	[tilespmem:s10+$0x800] =	vst v0  }
0x1c: {  	[tilespmem:s10+$0x810] =	vst v0  }
.Ltmp0:
0x1d: {  	[tilespmem:s10+$0x820] =	vst v0;
	(pc) =	sbr.rel @p1 .LBB2_2-.Ltmp0, $4  }
0x1e: {  	[tilespmem:s10+$0x830] =	vst v0  }
0x1f: {  	[tilespmem:s10+$0x840] =	vst v0  }
0x20: {  	[tilespmem:s10+$0x850] =	vst v0  }
0x21: {  	[tilespmem:s10+$0x860] =	vst v0;
	s10 =	sshra.s32 s12, $0x2;
	s12 =	sadd.s32 $0x200, s12  }
0x22: {  	[tilespmem:s10+$0x870] =	vst v0  }
0x23: {  	[tilespmem:s10+$0x800] =	vst v0  }
0x24: {  	[tilespmem:s10+$0x810] =	vst v0  }
0x25: {  	[tilespmem:s10+$0x820] =	vst v0  }
0x26: {  	[tilespmem:s10+$0x830] =	vst v0  }
0x27: {  	[tilespmem:s10+$0x840] =	vst v0  }
0x28: {  	[tilespmem:s10+$0x850] =	vst v0  }
0x29: {  	[tilespmem:s10+$0x860] =	vst v0  }
0x2a: {  	[spmem:s5] =	stream.linear.scatter [tilespmem:s14], [sflag:$0x3], $0x4000, $0x200038;
	[tilespmem:$0x1C400] =	vst v63  }
0x2b: {  	_ =	swait.ge [sflag:s15], $0x4000  }
0x2c: {  	[sflag:s15] =	ssyncset.done $0x0  }
0x2d: {  	s13 =	rddreg [dreg:$0x5];
	[sflag:s15] =	ssyncadd.s32 $0xFFFFC000  }
0x2e: {  	[spmem:s13] =	stream.linear.scatter [tilespmem:s14], [sflag:$0x3], $0x4000, $0x200038;
	[tilespmem:$0x1C400] =	vst v63  }
0x2f: {  	_ =	swait.ge [sflag:s15], $0x4000  }
0x30: {  	[sflag:s15] =	ssyncset.done $0x0  }
0x31: {  	s11 =	rddreg [dreg:$0x6];
	[sflag:s15] =	ssyncadd.s32 $0xFFFFC000  }
0x32: {  	[spmem:s11] =	stream.linear.scatter [tilespmem:s14], [sflag:$0x3], $0x4000, $0x200038;
	[tilespmem:$0x1C400] =	vst v63  }
0x33: {  	_ =	swait.ge [sflag:s15], $0x4000  }
0x34: {  	[sflag:s15] =	ssyncset.done $0x0  }
0x35: {  	s12 =	rddreg [dreg:$0x7];
	[sflag:s15] =	ssyncadd.s32 $0xFFFFC000  }
0x36: {  	[spmem:s12] =	stream.linear.scatter [tilespmem:s14], [sflag:$0x3], $0x4000, $0x200038;
	[tilespmem:$0x1C400] =	vst v63  }
0x37: {  	_ =	swait.ge [sflag:s15], $0x4000  }
0x38: {  	[sflag:s15] =	ssyncset.done $0x0  }
0x39: {  	s13 =	rddreg [dreg:$0x8];
	[sflag:s15] =	ssyncadd.s32 $0xFFFFC000  }
0x3a: {  	[spmem:s13] =	stream.linear.scatter [tilespmem:s14], [sflag:$0x3], $0x3C00, $0x200038;
	[tilespmem:$0x1C400] =	vst v63  }
0x3b: {  	_ =	swait.ge [sflag:s15], $0x3C00  }
0x3c: {  	[sflag:s15] =	ssyncset.done $0x0  }
0x3d: {  	[sflag:s15] =	ssyncadd.s32 $0xFFFFC400  }
0x3e: {  	[bflag:$0x0] =	sbarrier.arrive $0xFFFF  }
0x3f: {  	s10 =	simm.s32 $0x0;
	_ =	strace $0x90000051  }
0x40: {  	s12 =	smov.u32 s9;
	s13 =	smov.u32 s8;
	_ =	strace $0x80000052  }
.LBB2_4:
0x41: {  	p1 =	seq.s32 s10, $0x0  }
0x42: {  	s11 =	simm.s32 @!p1 $0x1  }
0x43: {  	_ =	swait.ge @!p1 [sflag:s11], $0x4000  }
0x44: {  	[sflag:s11] =	ssyncset.done @!p1 $0x0  }
0x45: {  	[sflag:s11] =	ssyncadd.s32 @!p1 $0xFFFFC000;
	s11 =	simm.s32 @!p1 $0x2  }
0x46: {  	_ =	swait.ge @!p1 [sflag:s11], $0x4000  }
0x47: {  	[sflag:s11] =	ssyncset.done @!p1 $0x0  }
0x48: {  	[sflag:s11] =	ssyncadd.s32 @!p1 $0xFFFFC000  }
0x49: {  	[tilespmem:s4], [sflag:$0x3] =	stream.linear.gather [hbm4b:s13+s4], $0x400, $0x200038;
	[tilespmem:$0x1C400] =	vst v63  }
0x4a: {  	_ =	swait.ge [sflag:s15], $0x400  }
0x4b: {  	[sflag:s15] =	ssyncset.done $0x0  }
0x4c: {  	[sflag:s15] =	ssyncadd.s32 $0xFFFFFC00  }
0x4d: {  	[tilespmem:s16], [sflag:$0x3] =	stream.linear.gather [hbm4b:s12+s4], $0x400, $0x200038;
	[tilespmem:$0x1C400] =	vst v63  }
0x4e: {  	_ =	swait.ge [sflag:s15], $0x400  }
0x4f: {  	[sflag:s15] =	ssyncset.done $0x0  }
0x50: {  	[sflag:s15] =	ssyncadd.s32 $0xFFFFFC00  }
0x51: {  	[tilespmem:s14], [sflag:$0x1] =	stream.indirect.gather [hbm4b:s1+s17], $0x80, s4, s17, $0x2000b8;
	[tilespmem:$0x1C400] =	vst v63  }
0x52: {  	_ = 	snop  }
0x53: {  	[tilespmem:s18], [sflag:$0x2] =	stream.indirect.gather [hbm4b:s1+s17], $0x80, s17, s17, $0x2000b8;
	[tilespmem:$0x1C400] =	vst v63  }
0x54: {  	_ =	swait.ge [sflag:s19], $0x4000  }
0x55: {  	[sflag:s19] =	ssyncset.done $0x0  }
0x56: {  	[sflag:s19] =	ssyncadd.s32 $0xFFFFC000  }
0x57: {  	[spmem:s2] =	stream.indirect.scatter.add.f32 [tilespmem:s14], [sflag:$0x1], $0x80, s16, s17, $0x2000b8;
	[tilespmem:$0x1C400] =	vst v63  }
0x58: {  	_ =	swait.ge [sflag:s20], $0x4000  }
0x59: {  	[sflag:s20] =	ssyncset.done $0x0  }
0x5a: {  	[sflag:s20] =	ssyncadd.s32 $0xFFFFC000  }
0x5b: {  	[spmem:s2] =	stream.indirect.scatter.add.f32 [tilespmem:s18], [sflag:$0x2], $0x80, s21, s17, $0x2000b8;
	[tilespmem:$0x1C400] =	vst v63  }
0x5c: {  	_ =	swait.ge [sflag:s19], $0x4000  }
0x5d: {  	[sflag:s19] =	ssyncset.done $0x0  }
0x5e: {  	[sflag:s19] =	ssyncadd.s32 $0xFFFFC000  }
0x5f: {  	_ =	swait.ge [sflag:s20], $0x4000  }
0x60: {  	[sflag:s20] =	ssyncset.done $0x0  }
0x61: {  	[sflag:s20] =	ssyncadd.s32 $0xFFFFC000  }
0x62: {  	[tilespmem:s14], [sflag:$0x1] =	stream.indirect.gather [hbm4b:s1+s17], $0x80, s22, s17, $0x2000b8;
	[tilespmem:$0x1C400] =	vst v63  }
0x63: {  	_ = 	snop  }
0x64: {  	[tilespmem:s18], [sflag:$0x2] =	stream.indirect.gather [hbm4b:s1+s17], $0x80, s23, s17, $0x2000b8;
	[tilespmem:$0x1C400] =	vst v63  }
0x65: {  	_ =	swait.ge [sflag:s19], $0x4000  }
0x66: {  	[sflag:s19] =	ssyncset.done $0x0  }
0x67: {  	[sflag:s19] =	ssyncadd.s32 $0xFFFFC000  }
0x68: {  	[spmem:s2] =	stream.indirect.scatter.add.f32 [tilespmem:s14], [sflag:$0x1], $0x80, s24, s17, $0x2000b8;
	[tilespmem:$0x1C400] =	vst v63  }
0x69: {  	_ =	swait.ge [sflag:s20], $0x4000  }
0x6a: {  	[sflag:s20] =	ssyncset.done $0x0  }
0x6b: {  	[sflag:s20] =	ssyncadd.s32 $0xFFFFC000  }
0x6c: {  	[spmem:s2] =	stream.indirect.scatter.add.f32 [tilespmem:s18], [sflag:$0x2], $0x80, s25, s17, $0x2000b8;
	[tilespmem:$0x1C400] =	vst v63  }
0x6d: {  	_ =	swait.ge [sflag:s19], $0x4000  }
0x6e: {  	[sflag:s19] =	ssyncset.done $0x0  }
0x6f: {  	[sflag:s19] =	ssyncadd.s32 $0xFFFFC000  }
0x70: {  	_ =	swait.ge [sflag:s20], $0x4000  }
0x71: {  	[sflag:s20] =	ssyncset.done $0x0  }
0x72: {  	[sflag:s20] =	ssyncadd.s32 $0xFFFFC000  }
0x73: {  	[tilespmem:s14], [sflag:$0x1] =	stream.indirect.gather [hbm4b:s1+s17], $0x80, s26, s17, $0x2000b8;
	[tilespmem:$0x1C400] =	vst v63  }
0x74: {  	_ = 	snop  }
0x75: {  	[tilespmem:s18], [sflag:$0x2] =	stream.indirect.gather [hbm4b:s1+s17], $0x80, s28, s17, $0x2000b8;
	[tilespmem:$0x1C400] =	vst v63  }
0x76: {  	_ =	swait.ge [sflag:s19], $0x4000  }
0x77: {  	[sflag:s19] =	ssyncset.done $0x0  }
0x78: {  	[sflag:s19] =	ssyncadd.s32 $0xFFFFC000  }
0x79: {  	[spmem:s2] =	stream.indirect.scatter.add.f32 [tilespmem:s14], [sflag:$0x1], $0x80, s29, s17, $0x2000b8;
	[tilespmem:$0x1C400] =	vst v63  }
0x7a: {  	_ =	swait.ge [sflag:s20], $0x4000  }
0x7b: {  	[sflag:s20] =	ssyncset.done $0x0  }
0x7c: {  	[sflag:s20] =	ssyncadd.s32 $0xFFFFC000  }
0x7d: {  	[spmem:s2] =	stream.indirect.scatter.add.f32 [tilespmem:s18], [sflag:$0x2], $0x80, s30, s17, $0x2000b8;
	[tilespmem:$0x1C400] =	vst v63  }
0x7e: {  	_ =	swait.ge [sflag:s19], $0x4000  }
0x7f: {  	[sflag:s19] =	ssyncset.done $0x0  }
0x80: {  	[sflag:s19] =	ssyncadd.s32 $0xFFFFC000  }
0x81: {  	_ =	swait.ge [sflag:s20], $0x4000  }
0x82: {  	[sflag:s20] =	ssyncset.done $0x0  }
0x83: {  	[sflag:s20] =	ssyncadd.s32 $0xFFFFC000  }
0x84: {  	[tilespmem:s14], [sflag:$0x1] =	stream.indirect.gather [hbm4b:s1+s17], $0x80, s31, s17, $0x2000b8;
	[tilespmem:$0x1C400] =	vst v63  }
0x85: {  	_ = 	snop  }
0x86: {  	[tilespmem:s18], [sflag:$0x2] =	stream.indirect.gather [hbm4b:s1+s17], $0x80, s0, s17, $0x2000b8;
	[tilespmem:$0x1C400] =	vst v63  }
0x87: {  	_ =	swait.ge [sflag:s19], $0x4000  }
0x88: {  	p1 =	slt.u32 @!p0 s10, $0x12;
	[sflag:s19] =	ssyncset.done $0x0  }
0x89: {  	p1 =	por p0, !p1;
	[sflag:s19] =	ssyncadd.s32 $0xFFFFC000  }
0x8a: {  	[spmem:s2] =	stream.indirect.scatter.add.f32 [tilespmem:s14], [sflag:$0x1], $0x80, s3, s17, $0x2000b8;
	[tilespmem:$0x1C400] =	vst v63  }
.Ltmp1:
0x8b: {  	_ = 	snop;
	(pc) =	sbr.rel @!p1 .LBB2_4-.Ltmp1, $4  }
0x8c: {  	_ =	swait.ge [sflag:s20], $0x4000  }
0x8d: {  	s10 =	sadd.s32 $0x1, s10;
	[sflag:s20] =	ssyncset.done $0x0  }
0x8e: {  	s13 =	sadd.s32 $0x80, s13;
	s12 =	sadd.s32 $0x80, s12;
	[sflag:s20] =	ssyncadd.s32 $0xFFFFC000  }
0x8f: {  	[spmem:s2] =	stream.indirect.scatter.add.f32 [tilespmem:s18], [sflag:$0x2], $0x80, s6, s17, $0x2000b8;
	[tilespmem:$0x1C400] =	vst v63  }
0x90: {  	_ =	swait.ge [sflag:s19], $0x4000  }
0x91: {  	[sflag:s19] =	ssyncset.done $0x0  }
0x92: {  	[sflag:s19] =	ssyncadd.s32 $0xFFFFC000  }
0x93: {  	_ =	swait.ge [sflag:s20], $0x4000  }
0x94: {  	[sflag:s20] =	ssyncset.done $0x0  }
0x95: {  	[sflag:s20] =	ssyncadd.s32 $0xFFFFC000  }
0x96: {  	[bflag:$0x0] =	sbarrier.arrive $0xFFFF  }
0x97: {  	s10 =	stileid.u32;
	_ =	strace $0x90000052  }
0x98: {  	s10 =	sshll.u32 s10, $0x6;
	_ =	strace $0x80000053  }
0x99: {  	s11 =	sshrl.u32 s5, $0x3;
	s10 =	sor.u32 $0x1C03, s10;
	s12 =	rddreg [dreg:$0x9]  }
0x9a: {  	[hbm:s12], [sflag:s10] =	dma.local [spmem:s11], $0x2780  }
0x9b: {  	_ =	swait.ge [sflag:s15], $0x2780  }
0x9c: {  	s7 =	sadd.s32 $0x1, s7;
	s13 =	rddreg [dreg:$0xa]  }
0x9d: {  	p1 =	sne.s32 s7, s13  }
.Ltmp2:
0x9e: {  	_ = 	snop;
	(pc) =	sbr.rel @p1 .LBB2_1-.Ltmp2, $4  }
0x9f: {  	_ = 	snop  }
0xa0: {  	[sflag:s15] =	ssyncset.done $0x0  }
0xa1: {  	[sflag:s15] =	ssyncadd.s32 $0xFFFFD880  }
0xa2: {  	_ =	strace $0x90000053  }
0xa3: {  	_ =	sfence.sel $0x180000  }
0xa4: {  	[bflag:$0x0] =	sbarrier.arrive $0xFFFF  }
0xa5: {  	_ =	strace $0x90000050  }
0xa6: {  	s0 =	stileid.u32;
	[bflag:$0x2] =	sbarrier.arrive $0xFFFF  }
0xa7: {  	p0 =	sne.s32 s0, $0x0;
	s0 =	rddreg [dreg:$0x4]  }
0xa8: {  	s0 =	sadd.s32 @!p0 $0x100000, s0  }
0xa9: {  	[sflag:s0] =	ssyncadd.tile.s32 @!p0 $0x1;
	_ =	shalt  }
.Lfunc_end2:
_tile_overlayer_lowered:
.L_overlay_start_2:
0xaa: {  	(tag) =	ssettag $0x2  }
0xab: {  	s0 =	rddreg [dreg:$0x0];
	s2 =	stileid.u32  }
0xac: {  	s1 =	rddreg [dreg:$0x1];
	p0 =	sne.s32 s2, $0x0  }
0xad: {  	s3 =	rddreg [dreg:$0x2];
	[bflag:$0x3] =	sbarrier.arrive $0xFFFF;
	s2 =	simm.s32 @!p0 $0x1C03  }
0xae: {  	[timem:s3], [sflag:s2] =	dma.local @!p0 [hbm:s0], s1  }
0xaf: {  	s0 =	simm.s32 @!p0 $0x3  }
0xb0: {  	_ =	swait.ge @!p0 [sflag:s0], s1  }
0xb1: {  	s1 =	ssub.s32 @!p0 $0x0, s1;
	[sflag:s0] =	ssyncset.done @!p0 $0x0  }
0xb2: {  	[sflag:s0] =	ssyncadd.s32 @!p0 s1  }
0xb3: {  	[bflag:$0x3] =	sbarrier.arrive $0xFFFF  }
0xb4: {  	_ =	shalt  }

// kernel: kernel.23.cloned.1.call-start
scs
__scs_entry_jumppad:
0x0: {  	(pc) =	sbr.rel $0x88, $3  }
0x1: {  	(tag) =	ssettag $0x0;
	lr =	simm.s32 $0x1  }
0x2: {  	[smem:$0x3F8F] =	sst lr;
	_ =	strace $0xD0000000  }
0x3: {  	_ = 	snop  }
0x4: {  	_ = 	snop  }
0x5: {  	_ = 	snop  }
0x6: {  	_ = 	snop  }
0x7: {  	_ = 	snop  }
__scs_overlays_trampoline_lowered:
0x8: {  	[smem:$0x3F9E] =	sst s0  }
0x9: {  	[smem:$0x3F9F] =	sst s1  }
0xa: {  	[smem:$0x3FA0] =	sst s2  }
0xb: {  	[smem:$0x3FA1] =	sst s3  }
0xc: {  	[smem:$0x3FA2] =	sst s4  }
0xd: {  	[smem:$0x3FA3] =	sst s5  }
0xe: {  	[smem:$0x3FA4] =	sst s6  }
0xf: {  	[smem:$0x3FA5] =	sst s7  }
0x10: {  	[smem:$0x3FA6] =	sst s8  }
0x11: {  	[smem:$0x3FA7] =	sst s9;
	s0 =	simm.s32 @!p0 $0x0  }
0x12: {  	s1 =	sld [smem:$0x3F8D];
	s0 =	simm.s32 @p0 $0x1  }
0x13: {  	[smem:$0x3FA8] =	sst s0;
	s0 =	simm.s32 @!p1 $0x0  }
0x14: {  	s2 =	sld [smem:$0x3F8C];
	s0 =	simm.s32 @p1 $0x1  }
0x15: {  	[smem:$0x3FA9] =	sst s0;
	s0 =	simm.s32 @!p2 $0x0  }
0x16: {  	s3 =	sld [smem:$0x3FDB];
	s0 =	simm.s32 @p2 $0x1  }
0x17: {  	s4 =	simm.s32 $0x1BF5;
	[smem:$0x3FAB] =	sst s0  }
0x18: {  	s0 =	sld [smem:$0x3F8E];
	_ =	swait.ge [sflag:s4], $0x0  }
0x19: {  	s7 =	sld [smem:$0x3F8F]  }
0x1a: {  	s8 =	sadd.s32 $0xFFFFE003, lr  }
0x1b: {  	s9 =	sadd.s32 $0xFFFFFEF7, lr;
	s5 =	simm.s32 $0xFFFFFFFF;
	p2 =	slt.u32 s8, $0xFFFFF086  }
0x1c: {  	p1 =	slt.u32 s9, $0xF7A;
	s5 =	simm.s32 @!p2 $0x0  }
0x1d: {  	s5 =	simm.s32 @p1 $0x1;
	p0 =	seq.s32 s7, s2  }
0x1e: {  	s7 =	smul.u32 @!p0 $0xF7A, s2;
	p2 =	seq.s32 @!p0 s5, $0x0  }
0x1f: {  	s9 =	smul.u32 $0xF7A, s1;
	s8 =	simm.s32 @!p0 $0x1BF5;
	p2 =	por !p2, p0  }
0x20: {  	[sflag:s8] =	ssyncset.s32 @!p0 $0xFFFFF086;
	s6 =	sadd.s32 @!p0 s3, s7;
	s7 =	simm.s32 @!p0 $0x108  }
0x21: {  	s3 =	sadd.s32 s3, s9;
	s6 =	sadd.s32 @!p0 $0x88, s6;
	s7 =	simm.s32 @p2 $0x1082  }
0x22: {  	[simem:s7], [sflag:s8] =	dma.local @!p0 [hbm:s6], $0xF7A  }
0x23: {  	s9 =	sor.u32 $0xD0000000, s2;
	s6 =	simm.s32 $0x108;
	_ =	swait.ge @!p0 [sflag:s8], $0x0  }
0x24: {  	s3 =	sadd.s32 $0x88, s3;
	s6 =	simm.s32 @!p1 $0x1082;
	[sflag:s4] =	ssyncset.s32 $0xFFFFF086  }
0x25: {  	[simem:s6], [sflag:s4] =	dma.local [hbm:s3], $0xF7A  }
0x26: {  	[smem:$0x3F8F] =	sst s1;
	(tag) =	ssettag s2;
	_ =	strace s9  }
0x27: {  	s1 =	sld [smem:$0x3F9F]  }
0x28: {  	s2 =	sld [smem:$0x3FA0]  }
0x29: {  	s4 =	sld [smem:$0x3FA2]  }
0x2a: {  	p0 =	seq.s32 s5, $0x0;
	s5 =	sld [smem:$0x3FA3]  }
0x2b: {  	s6 =	sld [smem:$0x3FA4]  }
0x2c: {  	s7 =	sld [smem:$0x3FA5]  }
0x2d: {  	s3 =	simm.s32 $0x108;
	s8 =	sld [smem:$0x3FA6]  }
0x2e: {  	s3 =	simm.s32 @!p0 $0x1082;
	s9 =	sld [smem:$0x3FA7]  }
0x2f: {  	lr =	sadd.s32 s0, s3;
	s0 =	sld [smem:$0x3F9E]  }
0x30: {  	s3 =	sld [smem:$0x3FA1]  }
0x31: {  	[smem:$0x3FAA] =	sst s10  }
0x32: {  	s10 =	sld [smem:$0x3FA8];
	_ =	sdelay $0x3  }
0x33: {  	p0 =	seq.s32 s10, $0x1;
	s10 =	sld [smem:$0x3FAA];
	_ =	sdelay $0x3  }
0x34: {  	[smem:$0x3FAA] =	sst s10  }
0x35: {  	s10 =	sld [smem:$0x3FA9];
	_ =	sdelay $0x3  }
0x36: {  	p1 =	seq.s32 s10, $0x1;
	s10 =	sld [smem:$0x3FAA];
	_ =	sdelay $0x3  }
0x37: {  	[smem:$0x3FAA] =	sst s10  }
0x38: {  	s10 =	sld [smem:$0x3FAB]  }
0x39: {  	_ = 	snop;
	(pc) =	sbr.ind lr, $3  }
0x3a: {  	_ = 	snop  }
0x3b: {  	_ = 	snop  }
0x3c: {  	p2 =	seq.s32 s10, $0x1;
	s10 =	sld [smem:$0x3FAA]  }
0x3d: {  	_ =	shalt  }
0x3e: {  	_ =	shalt  }
0x3f: {  	_ =	shalt  }
0x40: {  	_ =	shalt  }
0x41: {  	_ =	shalt  }
0x42: {  	_ =	shalt  }
0x43: {  	_ =	shalt  }
0x44: {  	_ =	shalt  }
0x45: {  	_ =	shalt  }
0x46: {  	_ =	shalt  }
0x47: {  	_ =	shalt  }
0x48: {  	_ =	shalt  }
0x49: {  	_ =	shalt  }
0x4a: {  	_ =	shalt  }
0x4b: {  	_ =	shalt  }
0x4c: {  	_ =	shalt  }
0x4d: {  	_ =	shalt  }
0x4e: {  	_ =	shalt  }
0x4f: {  	_ =	shalt  }
0x50: {  	_ =	shalt  }
0x51: {  	_ =	shalt  }
0x52: {  	_ =	shalt  }
0x53: {  	_ =	shalt  }
0x54: {  	_ =	shalt  }
0x55: {  	_ =	shalt  }
0x56: {  	_ =	shalt  }
0x57: {  	_ =	shalt  }
0x58: {  	_ =	shalt  }
0x59: {  	_ =	shalt  }
0x5a: {  	_ =	shalt  }
0x5b: {  	_ =	shalt  }
0x5c: {  	_ =	shalt  }
0x5d: {  	_ =	shalt  }
0x5e: {  	_ =	shalt  }
0x5f: {  	_ =	shalt  }
0x60: {  	_ =	shalt  }
0x61: {  	_ =	shalt  }
0x62: {  	_ =	shalt  }
0x63: {  	_ =	shalt  }
0x64: {  	_ =	shalt  }
0x65: {  	_ =	shalt  }
0x66: {  	_ =	shalt  }
0x67: {  	_ =	shalt  }
0x68: {  	_ =	shalt  }
0x69: {  	_ =	shalt  }
0x6a: {  	_ =	shalt  }
0x6b: {  	_ =	shalt  }
0x6c: {  	_ =	shalt  }
0x6d: {  	_ =	shalt  }
0x6e: {  	_ =	shalt  }
0x6f: {  	_ =	shalt  }
0x70: {  	_ =	shalt  }
0x71: {  	_ =	shalt  }
0x72: {  	_ =	shalt  }
0x73: {  	_ =	shalt  }
0x74: {  	_ =	shalt  }
0x75: {  	_ =	shalt  }
0x76: {  	_ =	shalt  }
0x77: {  	_ =	shalt  }
0x78: {  	_ =	shalt  }
0x79: {  	_ =	shalt  }
0x7a: {  	_ =	shalt  }
0x7b: {  	_ =	shalt  }
0x7c: {  	_ =	shalt  }
0x7d: {  	_ =	shalt  }
0x7e: {  	_ =	shalt  }
0x7f: {  	_ =	shalt  }
0x80: {  	_ =	shalt  }
0x81: {  	_ =	shalt  }
0x82: {  	_ =	shalt  }
0x83: {  	_ =	shalt  }
0x84: {  	_ =	shalt  }
0x85: {  	_ =	shalt  }
0x86: {  	_ =	shalt  }
0x87: {  	_ =	shalt  }
.Lfunc_end0:
.L_simem_size_0:
called_computation.3_lowered:
.L_overlay_start_0:
0x88: {  	s2 =	sld [smem:$0x3FD9]  }
0x89: {  	s3 =	sld [smem:$0x3FFE];
	_ =	sdelay $0x1  }
0x8a: {  	s1 =	srdreg.scid  }
0x8b: {  	s0 =	sand.u32 $0x1, s1  }
0x8c: {  	s14 =	sshll.u32 s0, $0xA;
	s2 =	sadd.s32 s3, s2  }
0x8d: {  	s2 =	sadd.s32 s2, s14  }
0x8e: {  	[smem:$0x3FB6] =	sst s2  }
0x8f: {  	_ = 	snop  }
0x90: {  	s2 =	sld [smem:$0x3FD0];
	_ =	sdelay $0x2  }
0x91: {  	s15 =	simm.s32 $0xA;
	s4 =	simm.s32 $0x10  }
0x92: {  	[smem:s4], [sflag:s15] =	dma.local [hbm:s2], $0x1  }
0x93: {  	_ =	swait.eq [sflag:s15], $0x1  }
0x94: {  	[sflag:s15] =	ssyncset.done $0x0  }
0x95: {  	s16 =	sld [smem:$0x10];
	[sflag:s15] =	ssyncadd.s32 $0xFFFFFFFF  }
0x96: {  	s17 =	sld [smem:$0x13];
	(tm) =	ssettm $0x1  }
0x97: {  	s18 =	sld [smem:$0x3FFB];
	_ =	sdelay $0x3  }
0x98: {  	_ =	strace s18  }
0x99: {  	s4 =	sld [smem:$0x3FFC];
	_ =	sdelay $0x3  }
0x9a: {  	_ =	strace s4  }
0x9b: {  	s4 =	sld [smem:$0x3FFD];
	_ =	sdelay $0x3  }
0x9c: {  	_ =	strace s4  }
0x9d: {  	_ =	strace $0x8FFFFFFF  }
0x9e: {  	s19 =	sld [smem:$0x3FDB];
	_ =	sdelay $0x1  }
0x9f: {  	s5 =	simm.s32 $_scs_section_size  }
0xa0: {  	s6 =	simm.s32 $_size__tile_overlayer_lowered;
	s7 =	simm.s32 $_tile_overlayer_lowered  }
0xa1: {  	s22 =	simm.s32 $0x1BFF;
	s21 =	sshll.u32 s7, $0x1;
	s4 =	sadd.s32 s5, s19  }
0xa2: {  	s8 =	simm.s32 $0x0;
	s20 =	sshll.u32 s6, $0x1;
	s6 =	sadd.s32 s21, s4  }
0xa3: {  	[timem:s8], [sflag:s22] =	dma.local [hbm:s6], s20  }
0xa4: {  	_ =	swait.ge [sflag:s22], s20  }
0xa5: {  	s5 =	ssub.s32 $0x0, s20;
	[sflag:s22] =	ssyncset.done $0x0  }
0xa6: {  	[sflag:s22] =	ssyncadd.s32 s5;
	_ =	sdelay $0x1  }
0xa7: {  	s23 =	simm.s32 $0x1B8B  }
0xa8: {  	_ =	swait.ge [sflag:s23], $0x1  }
0xa9: {  	[sflag:s23] =	ssyncset.done $0x0  }
0xaa: {  	s25 =	simm.s32 $0x1B8E;
	s24 =	sld [smem:$0x3FFE];
	[sflag:s23] =	ssyncadd.s32 $0xFFFFFFFF  }
0xab: {  	s26 =	simm.s32 $execute0_lowered;
	[smem:$0x3FD2] =	sst s25  }
0xac: {  	s6 =	sshll.u32 s26, $0x1;
	_ =	strace $0x80000055;
	[dreg:$0x1] =	wrdreg $0xFFFFFFFF  }
0xad: {  	s28 =	simm.s32 $_size_execute0_lowered;
	s4 =	sadd.s32 s4, s6;
	[dreg:$0x0] =	wrdreg $0x0  }
0xae: {  	s6 =	sshll.u32 s28, $0x1;
	[dreg:$0x2] =	wrdreg s4  }
0xaf: {  	[dreg:$0x3] =	wrdreg s6  }
0xb0: {  	[dreg:$0x4] =	wrdreg $0xC0  }
0xb1: {  	_ =	task [dreg:s8], $0x5FFFF  }
0xb2: {  	[dreg:$0x1] =	wrdreg $0xFFFFFFFF  }
0xb3: {  	[dreg:$0x0] =	wrdreg $0x60  }
0xb4: {  	[dreg:$0x2] =	wrdreg s17  }
0xb5: {  	[dreg:$0x3] =	wrdreg s16  }
0xb6: {  	[dreg:$0x4] =	wrdreg s24  }
0xb7: {  	[dreg:$0x5] =	wrdreg $0x88000  }
0xb8: {  	[dreg:$0x6] =	wrdreg $0x9  }
0xb9: {  	_ =	task.clear_ibuf [dreg:s8], $0x7FFFF;
	_ =	strace $0x90000055  }
0xba: {  	s29 =	simm.s32 $0x9;
	_ =	strace $0x8000005A  }
0xbb: {  	_ =	swait.ge [sflag:s29], $0x1  }
0xbc: {  	[sflag:s29] =	ssyncadd.s32 $0xFFFFFFFF  }
0xbd: {  	_ =	strace $0x9000005A  }
0xbe: {  	_ =	sfence  }
0xbf: {  	s30 =	sld [smem:$0x0];
	_ =	sdelay $0x2  }
0xc0: {  	s31 =	sshll.u32 s1, $0xD;
	s1 =	sshrl.u32 s1, $0x2  }
0xc1: {  	s3 =	sand.u32 $0x4000, s31;
	s1 =	sadd.s32 s1, s30  }
0xc2: {  	s0 =	sor.u32 s3, s0;
	s1 =	sshll.u32 s1, $0x11  }
0xc3: {  	s0 =	sor.u32 s1, s0  }
0xc4: {  	s0 =	sadd.s32 $0x8F2B, s0  }
0xc5: {  	[sflag:s0] =	ssyncadd.remote.s32 $0x1  }
0xc6: {  	_ =	sfence.sel $0xFFFF  }
0xc7: {  	[dreg:$0x0] =	wrdreg $0xFFFFFFFF;
	(pc) =	sbr.abs _section_cstart, $3  }
0xc8: {  	[dreg:$0x1] =	wrdreg $0xFFFFFFFF  }
0xc9: {  	_ =	task.clear_ibuf [dreg:s8], $0x2FFFF;
	_ =	strace $0x9FFFFFFF  }
0xca: {  	(tm) =	ssettm $0x7FFFFFFF  }
0xcb: {  	_ =	shalt  }
tec
execute0_lowered:
.L_overlay_start_1:
0x0: {  	(tag) =	ssettag $0x1  }
0x1: {  	s1 =	rddreg [dreg:$0x0]  }
0x2: {  	s0 =	rddreg [dreg:$0x1]  }
0x3: {  	s3 =	rddreg [dreg:$0x2]  }
0x4: {  	s2 =	rddreg [dreg:$0x3]  }
0x5: {  	s4 =	simm.s32 $0x0;
	s5 =	srdreg.scid;
	s9 =	stileid.u32  }
0x6: {  	s14 =	simm.s32 $0x800;
	s15 =	simm.s32 $0x3;
	s16 =	simm.s32 $0x400  }
0x7: {  	s17 =	simm.s32 $0x80;
	s18 =	simm.s32 $0x4800;
	s19 =	simm.s32 $0x1  }
0x8: {  	s20 =	simm.s32 $0x2;
	s28 =	simm.s32 $0x280;
	s29 =	simm.s32 $0x600  }
0x9: {  	s30 =	simm.s32 $0x680;
	s6 =	sand.u32 $0x1, s5;
	s5 =	smul.u32 $0x98, s9  }
0xa: {  	s31 =	simm.s32 $0x300;
	[smem:$0x7FF] =	sst s4;
	s21 =	smul.u32 $0x13C00, s9  }
0xb: {  	s7 =	sshll.u32 s9, $0x3;
	s9 =	smul.u32 $0x4F000, s9;
	p0 =	seq.s32 s6, $0x0  }
0xc: {  	s7 =	sor.u32 $0x980, s7;
	s8 =	smul.u32 $0x13C000, s6;
	s22 =	ssub.s32 $0x2, s6  }
0xd: {  	_ =	strace $0x80000056;
	s7 =	smov.u32 @p0 s5;
	s11 =	sshrl.u32 s22, $0x1  }
0xe: {  	s9 =	sshrl.u32 s9, $0x2;
	p0 =	sne.s32 s6, $0x0;
	s6 =	simm.s32 $0x780  }
0xf: {  	s7 =	sshll.u32 s7, $0x4;
	s5 =	sadd.s32 s21, s8;
	s8 =	ssub.s32 s22, s11  }
0x10: {  	s21 =	simm.s32 $0x480;
	s10 =	sadd.s32 s7, s3;
	s5 =	sshrl.u32 s5, $0x3  }
0x11: {  	s26 =	smax.u32 s8, $0x1;
	s3 =	sadd.s32 s5, s3;
	s5 =	sadd.s32 s9, s2  }
0x12: {  	s22 =	simm.s32 $0x100;
	[dreg:$0xa] =	wrdreg s26;
	s9 =	sadd.s32 $0x4000, s5  }
0x13: {  	s8 =	sadd.s32 s7, s0;
	s23 =	sadd.s32 $0x8000, s5;
	[dreg:$0x5] =	wrdreg s9  }
0x14: {  	s0 =	simm.s32 $0x380;
	s24 =	sadd.s32 $0xC000, s5;
	[dreg:$0x6] =	wrdreg s23  }
0x15: {  	s7 =	simm.s32 $0x0;
	s25 =	sadd.s32 $0x10000, s5;
	[dreg:$0x7] =	wrdreg s24  }
0x16: {  	s26 =	simm.s32 $0x200;
	s3 =	sadd.s32 $0xE800, s3;
	[dreg:$0x8] =	wrdreg s25  }
0x17: {  	[dreg:$0x9] =	wrdreg s3;
	s9 =	sadd.s32 $0x4800, s10;
	s23 =	simm.s32 $0x180  }
0x18: {  	v0 =	vimm.f32 $0.0e+00;
	s24 =	simm.s32 $0x500;
	s25 =	simm.s32 $0x580;
	s3 =	simm.s32 $0x700  }
.LBB2_1:
0x19: {  	_ =	strace $0x80000057;
	s10 =	simm.s32 $0x0;
	s12 =	simm.s32 $0x200  }
.LBB2_2:
0x1a: {  	p1 =	sne.s32 s12, $0xFE00;
	[tilespmem:s10+$0x870] =	vst v0  }
0x1b: {  	[tilespmem:s10+$0x800] =	vst v0  }
0x1c: {  	[tilespmem:s10+$0x810] =	vst v0  }
.Ltmp0:
0x1d: {  	[tilespmem:s10+$0x820] =	vst v0;
	(pc) =	sbr.rel @p1 .LBB2_2-.Ltmp0, $4  }
0x1e: {  	[tilespmem:s10+$0x830] =	vst v0  }
0x1f: {  	[tilespmem:s10+$0x840] =	vst v0  }
0x20: {  	[tilespmem:s10+$0x850] =	vst v0  }
0x21: {  	[tilespmem:s10+$0x860] =	vst v0;
	s10 =	sshra.s32 s12, $0x2;
	s12 =	sadd.s32 $0x200, s12  }
0x22: {  	[tilespmem:s10+$0x870] =	vst v0  }
0x23: {  	[tilespmem:s10+$0x800] =	vst v0  }
0x24: {  	[tilespmem:s10+$0x810] =	vst v0  }
0x25: {  	[tilespmem:s10+$0x820] =	vst v0  }
0x26: {  	[tilespmem:s10+$0x830] =	vst v0  }
0x27: {  	[tilespmem:s10+$0x840] =	vst v0  }
0x28: {  	[tilespmem:s10+$0x850] =	vst v0  }
0x29: {  	[tilespmem:s10+$0x860] =	vst v0  }
0x2a: {  	[spmem:s5] =	stream.linear.scatter [tilespmem:s14], [sflag:$0x3], $0x4000, $0x200038;
	[tilespmem:$0x1C400] =	vst v63  }
0x2b: {  	_ =	swait.ge [sflag:s15], $0x4000  }
0x2c: {  	[sflag:s15] =	ssyncset.done $0x0  }
0x2d: {  	s13 =	rddreg [dreg:$0x5];
	[sflag:s15] =	ssyncadd.s32 $0xFFFFC000  }
0x2e: {  	[spmem:s13] =	stream.linear.scatter [tilespmem:s14], [sflag:$0x3], $0x4000, $0x200038;
	[tilespmem:$0x1C400] =	vst v63  }
0x2f: {  	_ =	swait.ge [sflag:s15], $0x4000  }
0x30: {  	[sflag:s15] =	ssyncset.done $0x0  }
0x31: {  	s11 =	rddreg [dreg:$0x6];
	[sflag:s15] =	ssyncadd.s32 $0xFFFFC000  }
0x32: {  	[spmem:s11] =	stream.linear.scatter [tilespmem:s14], [sflag:$0x3], $0x4000, $0x200038;
	[tilespmem:$0x1C400] =	vst v63  }
0x33: {  	_ =	swait.ge [sflag:s15], $0x4000  }
0x34: {  	[sflag:s15] =	ssyncset.done $0x0  }
0x35: {  	s12 =	rddreg [dreg:$0x7];
	[sflag:s15] =	ssyncadd.s32 $0xFFFFC000  }
0x36: {  	[spmem:s12] =	stream.linear.scatter [tilespmem:s14], [sflag:$0x3], $0x4000, $0x200038;
	[tilespmem:$0x1C400] =	vst v63  }
0x37: {  	_ =	swait.ge [sflag:s15], $0x4000  }
0x38: {  	[sflag:s15] =	ssyncset.done $0x0  }
0x39: {  	s13 =	rddreg [dreg:$0x8];
	[sflag:s15] =	ssyncadd.s32 $0xFFFFC000  }
0x3a: {  	[spmem:s13] =	stream.linear.scatter [tilespmem:s14], [sflag:$0x3], $0x3C00, $0x200038;
	[tilespmem:$0x1C400] =	vst v63  }
0x3b: {  	_ =	swait.ge [sflag:s15], $0x3C00  }
0x3c: {  	[sflag:s15] =	ssyncset.done $0x0  }
0x3d: {  	[sflag:s15] =	ssyncadd.s32 $0xFFFFC400  }
0x3e: {  	[bflag:$0x0] =	sbarrier.arrive $0xFFFF  }
0x3f: {  	s10 =	simm.s32 $0x0;
	_ =	strace $0x90000057  }
0x40: {  	s12 =	smov.u32 s9;
	s13 =	smov.u32 s8;
	_ =	strace $0x80000058  }
.LBB2_4:
0x41: {  	p1 =	seq.s32 s10, $0x0  }
0x42: {  	s11 =	simm.s32 @!p1 $0x1  }
0x43: {  	_ =	swait.ge @!p1 [sflag:s11], $0x4000  }
0x44: {  	[sflag:s11] =	ssyncset.done @!p1 $0x0  }
0x45: {  	[sflag:s11] =	ssyncadd.s32 @!p1 $0xFFFFC000;
	s11 =	simm.s32 @!p1 $0x2  }
0x46: {  	_ =	swait.ge @!p1 [sflag:s11], $0x4000  }
0x47: {  	[sflag:s11] =	ssyncset.done @!p1 $0x0  }
0x48: {  	[sflag:s11] =	ssyncadd.s32 @!p1 $0xFFFFC000  }
0x49: {  	[tilespmem:s4], [sflag:$0x3] =	stream.linear.gather [hbm4b:s13+s4], $0x400, $0x200038;
	[tilespmem:$0x1C400] =	vst v63  }
0x4a: {  	_ =	swait.ge [sflag:s15], $0x400  }
0x4b: {  	[sflag:s15] =	ssyncset.done $0x0  }
0x4c: {  	[sflag:s15] =	ssyncadd.s32 $0xFFFFFC00  }
0x4d: {  	[tilespmem:s16], [sflag:$0x3] =	stream.linear.gather [hbm4b:s12+s4], $0x400, $0x200038;
	[tilespmem:$0x1C400] =	vst v63  }
0x4e: {  	_ =	swait.ge [sflag:s15], $0x400  }
0x4f: {  	[sflag:s15] =	ssyncset.done $0x0  }
0x50: {  	[sflag:s15] =	ssyncadd.s32 $0xFFFFFC00  }
0x51: {  	[tilespmem:s14], [sflag:$0x1] =	stream.indirect.gather [hbm4b:s1+s17], $0x80, s4, s17, $0x2000b8;
	[tilespmem:$0x1C400] =	vst v63  }
0x52: {  	_ = 	snop  }
0x53: {  	[tilespmem:s18], [sflag:$0x2] =	stream.indirect.gather [hbm4b:s1+s17], $0x80, s17, s17, $0x2000b8;
	[tilespmem:$0x1C400] =	vst v63  }
0x54: {  	_ =	swait.ge [sflag:s19], $0x4000  }
0x55: {  	[sflag:s19] =	ssyncset.done $0x0  }
0x56: {  	[sflag:s19] =	ssyncadd.s32 $0xFFFFC000  }
0x57: {  	[spmem:s2] =	stream.indirect.scatter.add.f32 [tilespmem:s14], [sflag:$0x1], $0x80, s16, s17, $0x2000b8;
	[tilespmem:$0x1C400] =	vst v63  }
0x58: {  	_ =	swait.ge [sflag:s20], $0x4000  }
0x59: {  	[sflag:s20] =	ssyncset.done $0x0  }
0x5a: {  	[sflag:s20] =	ssyncadd.s32 $0xFFFFC000  }
0x5b: {  	[spmem:s2] =	stream.indirect.scatter.add.f32 [tilespmem:s18], [sflag:$0x2], $0x80, s21, s17, $0x2000b8;
	[tilespmem:$0x1C400] =	vst v63  }
0x5c: {  	_ =	swait.ge [sflag:s19], $0x4000  }
0x5d: {  	[sflag:s19] =	ssyncset.done $0x0  }
0x5e: {  	[sflag:s19] =	ssyncadd.s32 $0xFFFFC000  }
0x5f: {  	_ =	swait.ge [sflag:s20], $0x4000  }
0x60: {  	[sflag:s20] =	ssyncset.done $0x0  }
0x61: {  	[sflag:s20] =	ssyncadd.s32 $0xFFFFC000  }
0x62: {  	[tilespmem:s14], [sflag:$0x1] =	stream.indirect.gather [hbm4b:s1+s17], $0x80, s22, s17, $0x2000b8;
	[tilespmem:$0x1C400] =	vst v63  }
0x63: {  	_ = 	snop  }
0x64: {  	[tilespmem:s18], [sflag:$0x2] =	stream.indirect.gather [hbm4b:s1+s17], $0x80, s23, s17, $0x2000b8;
	[tilespmem:$0x1C400] =	vst v63  }
0x65: {  	_ =	swait.ge [sflag:s19], $0x4000  }
0x66: {  	[sflag:s19] =	ssyncset.done $0x0  }
0x67: {  	[sflag:s19] =	ssyncadd.s32 $0xFFFFC000  }
0x68: {  	[spmem:s2] =	stream.indirect.scatter.add.f32 [tilespmem:s14], [sflag:$0x1], $0x80, s24, s17, $0x2000b8;
	[tilespmem:$0x1C400] =	vst v63  }
0x69: {  	_ =	swait.ge [sflag:s20], $0x4000  }
0x6a: {  	[sflag:s20] =	ssyncset.done $0x0  }
0x6b: {  	[sflag:s20] =	ssyncadd.s32 $0xFFFFC000  }
0x6c: {  	[spmem:s2] =	stream.indirect.scatter.add.f32 [tilespmem:s18], [sflag:$0x2], $0x80, s25, s17, $0x2000b8;
	[tilespmem:$0x1C400] =	vst v63  }
0x6d: {  	_ =	swait.ge [sflag:s19], $0x4000  }
0x6e: {  	[sflag:s19] =	ssyncset.done $0x0  }
0x6f: {  	[sflag:s19] =	ssyncadd.s32 $0xFFFFC000  }
0x70: {  	_ =	swait.ge [sflag:s20], $0x4000  }
0x71: {  	[sflag:s20] =	ssyncset.done $0x0  }
0x72: {  	[sflag:s20] =	ssyncadd.s32 $0xFFFFC000  }
0x73: {  	[tilespmem:s14], [sflag:$0x1] =	stream.indirect.gather [hbm4b:s1+s17], $0x80, s26, s17, $0x2000b8;
	[tilespmem:$0x1C400] =	vst v63  }
0x74: {  	_ = 	snop  }
0x75: {  	[tilespmem:s18], [sflag:$0x2] =	stream.indirect.gather [hbm4b:s1+s17], $0x80, s28, s17, $0x2000b8;
	[tilespmem:$0x1C400] =	vst v63  }
0x76: {  	_ =	swait.ge [sflag:s19], $0x4000  }
0x77: {  	[sflag:s19] =	ssyncset.done $0x0  }
0x78: {  	[sflag:s19] =	ssyncadd.s32 $0xFFFFC000  }
0x79: {  	[spmem:s2] =	stream.indirect.scatter.add.f32 [tilespmem:s14], [sflag:$0x1], $0x80, s29, s17, $0x2000b8;
	[tilespmem:$0x1C400] =	vst v63  }
0x7a: {  	_ =	swait.ge [sflag:s20], $0x4000  }
0x7b: {  	[sflag:s20] =	ssyncset.done $0x0  }
0x7c: {  	[sflag:s20] =	ssyncadd.s32 $0xFFFFC000  }
0x7d: {  	[spmem:s2] =	stream.indirect.scatter.add.f32 [tilespmem:s18], [sflag:$0x2], $0x80, s30, s17, $0x2000b8;
	[tilespmem:$0x1C400] =	vst v63  }
0x7e: {  	_ =	swait.ge [sflag:s19], $0x4000  }
0x7f: {  	[sflag:s19] =	ssyncset.done $0x0  }
0x80: {  	[sflag:s19] =	ssyncadd.s32 $0xFFFFC000  }
0x81: {  	_ =	swait.ge [sflag:s20], $0x4000  }
0x82: {  	[sflag:s20] =	ssyncset.done $0x0  }
0x83: {  	[sflag:s20] =	ssyncadd.s32 $0xFFFFC000  }
0x84: {  	[tilespmem:s14], [sflag:$0x1] =	stream.indirect.gather [hbm4b:s1+s17], $0x80, s31, s17, $0x2000b8;
	[tilespmem:$0x1C400] =	vst v63  }
0x85: {  	_ = 	snop  }
0x86: {  	[tilespmem:s18], [sflag:$0x2] =	stream.indirect.gather [hbm4b:s1+s17], $0x80, s0, s17, $0x2000b8;
	[tilespmem:$0x1C400] =	vst v63  }
0x87: {  	_ =	swait.ge [sflag:s19], $0x4000  }
0x88: {  	p1 =	slt.u32 @!p0 s10, $0x12;
	[sflag:s19] =	ssyncset.done $0x0  }
0x89: {  	p1 =	por p0, !p1;
	[sflag:s19] =	ssyncadd.s32 $0xFFFFC000  }
0x8a: {  	[spmem:s2] =	stream.indirect.scatter.add.f32 [tilespmem:s14], [sflag:$0x1], $0x80, s3, s17, $0x2000b8;
	[tilespmem:$0x1C400] =	vst v63  }
.Ltmp1:
0x8b: {  	_ = 	snop;
	(pc) =	sbr.rel @!p1 .LBB2_4-.Ltmp1, $4  }
0x8c: {  	_ =	swait.ge [sflag:s20], $0x4000  }
0x8d: {  	s10 =	sadd.s32 $0x1, s10;
	[sflag:s20] =	ssyncset.done $0x0  }
0x8e: {  	s13 =	sadd.s32 $0x80, s13;
	s12 =	sadd.s32 $0x80, s12;
	[sflag:s20] =	ssyncadd.s32 $0xFFFFC000  }
0x8f: {  	[spmem:s2] =	stream.indirect.scatter.add.f32 [tilespmem:s18], [sflag:$0x2], $0x80, s6, s17, $0x2000b8;
	[tilespmem:$0x1C400] =	vst v63  }
0x90: {  	_ =	swait.ge [sflag:s19], $0x4000  }
0x91: {  	[sflag:s19] =	ssyncset.done $0x0  }
0x92: {  	[sflag:s19] =	ssyncadd.s32 $0xFFFFC000  }
0x93: {  	_ =	swait.ge [sflag:s20], $0x4000  }
0x94: {  	[sflag:s20] =	ssyncset.done $0x0  }
0x95: {  	[sflag:s20] =	ssyncadd.s32 $0xFFFFC000  }
0x96: {  	[bflag:$0x0] =	sbarrier.arrive $0xFFFF  }
0x97: {  	s10 =	stileid.u32;
	_ =	strace $0x90000058  }
0x98: {  	s10 =	sshll.u32 s10, $0x6;
	_ =	strace $0x80000059  }
0x99: {  	s11 =	sshrl.u32 s5, $0x3;
	s10 =	sor.u32 $0x1C03, s10;
	s12 =	rddreg [dreg:$0x9]  }
0x9a: {  	[hbm:s12], [sflag:s10] =	dma.local [spmem:s11], $0x2780  }
0x9b: {  	_ =	swait.ge [sflag:s15], $0x2780  }
0x9c: {  	s7 =	sadd.s32 $0x1, s7;
	s13 =	rddreg [dreg:$0xa]  }
0x9d: {  	p1 =	sne.s32 s7, s13  }
.Ltmp2:
0x9e: {  	_ = 	snop;
	(pc) =	sbr.rel @p1 .LBB2_1-.Ltmp2, $4  }
0x9f: {  	_ = 	snop  }
0xa0: {  	[sflag:s15] =	ssyncset.done $0x0  }
0xa1: {  	[sflag:s15] =	ssyncadd.s32 $0xFFFFD880  }
0xa2: {  	_ =	strace $0x90000059  }
0xa3: {  	_ =	sfence.sel $0x180000  }
0xa4: {  	[bflag:$0x0] =	sbarrier.arrive $0xFFFF  }
0xa5: {  	_ =	strace $0x90000056  }
0xa6: {  	s0 =	stileid.u32;
	[bflag:$0x2] =	sbarrier.arrive $0xFFFF  }
0xa7: {  	p0 =	sne.s32 s0, $0x0;
	s0 =	rddreg [dreg:$0x4]  }
0xa8: {  	s0 =	sadd.s32 @!p0 $0x100000, s0  }
0xa9: {  	[sflag:s0] =	ssyncadd.tile.s32 @!p0 $0x1;
	_ =	shalt  }
.Lfunc_end2:
_tile_overlayer_lowered:
.L_overlay_start_2:
0xaa: {  	(tag) =	ssettag $0x2  }
0xab: {  	s0 =	rddreg [dreg:$0x0];
	s2 =	stileid.u32  }
0xac: {  	s1 =	rddreg [dreg:$0x1];
	p0 =	sne.s32 s2, $0x0  }
0xad: {  	s3 =	rddreg [dreg:$0x2];
	[bflag:$0x3] =	sbarrier.arrive $0xFFFF;
	s2 =	simm.s32 @!p0 $0x1C03  }
0xae: {  	[timem:s3], [sflag:s2] =	dma.local @!p0 [hbm:s0], s1  }
0xaf: {  	s0 =	simm.s32 @!p0 $0x3  }
0xb0: {  	_ =	swait.ge @!p0 [sflag:s0], s1  }
0xb1: {  	s1 =	ssub.s32 @!p0 $0x0, s1;
	[sflag:s0] =	ssyncset.done @!p0 $0x0  }
0xb2: {  	[sflag:s0] =	ssyncadd.s32 @!p0 s1  }
0xb3: {  	[bflag:$0x3] =	sbarrier.arrive $0xFFFF  }
0xb4: {  	_ =	shalt  }

</sc_bundles>
